<compile_context>
chip_gen: v7x
topology: tpu7x:2x2x1
jax: 0.10.2.dev20260603
libtpu: 0.0.44.dev20260713+nightly
codegen_flags: <defaults>
</compile_context>

<pallas_src>
import functools

import jax
import jax.numpy as jnp
from jax import lax
from jax.experimental import pallas as pl
from jax.experimental.pallas import tpu as pltpu
from jax.experimental.pallas import tpu_sc as plsc

N = 10000
E = 320000
D = 128
C = 8
NCORES = 2
NTILES = 16
CHUNK = 128
STEPS = 80
EP = NCORES * NTILES * STEPS * CHUNK
NP = 10240
RPT = NP // NTILES
BLK = 256


def _sc_mesh():
    return plsc.VectorSubcoreMesh(core_axis_name="c", subcore_axis_name="s")


def _sc_degree(dst2d):

    @functools.partial(
        pl.kernel,
        out_type=jax.ShapeDtypeStruct((NCORES, NP), jnp.float32),
        mesh=_sc_mesh(),
        compiler_params=pltpu.CompilerParams(use_tc_tiling_on_sc=False),
        scratch_types=[
            pltpu.VMEM((STEPS, CHUNK), jnp.int32),
            pltpu.VMEM((CHUNK,), jnp.float32),
            pltpu.VMEM((RPT,), jnp.float32),
            pltpu.VMEM_SHARED((NP,), jnp.float32),
        ],
    )
    def k(dst_hbm, out_hbm, idx_v, ones_v, zb_v, acc):
        cid = lax.axis_index("c")
        sid = lax.axis_index("s")
        wid = cid * NTILES + sid
        one16 = jnp.ones((16,), jnp.float32)
        zero16 = jnp.zeros((16,), jnp.float32)
        for i in range(CHUNK // 16):
            ones_v[pl.ds(i * 16, 16)] = one16
        for i in range(RPT // 16):
            zb_v[pl.ds(i * 16, 16)] = zero16
        pltpu.sync_copy(zb_v, acc.at[pl.ds(sid * RPT, RPT)])
        pltpu.sync_copy(dst_hbm.at[pl.ds(wid * STEPS, STEPS)], idx_v)
        plsc.subcore_barrier()

        def body(j, carry):
            pltpu.sync_copy(ones_v, acc.at[idx_v.at[j]], add=True)
            return carry

        lax.fori_loop(0, STEPS, body, 0)
        plsc.subcore_barrier()
        pltpu.sync_copy(acc.at[pl.ds(sid * RPT, RPT)],
                        out_hbm.at[cid, pl.ds(sid * RPT, RPT)])

    return k(dst2d)


def _sc_aggregate(hs, src2d, dst2d, feat):

    npairs = STEPS // 2

    @functools.partial(
        pl.kernel,
        out_type=jax.ShapeDtypeStruct((NCORES, NP, feat), jnp.float32),
        mesh=_sc_mesh(),
        compiler_params=pltpu.CompilerParams(use_tc_tiling_on_sc=False),
        scratch_types=[
            pltpu.VMEM((STEPS, CHUNK), jnp.int32),
            pltpu.VMEM((STEPS, CHUNK), jnp.int32),
            pltpu.VMEM((CHUNK, feat), jnp.float32),
            pltpu.VMEM((CHUNK, feat), jnp.float32),
            pltpu.VMEM_SHARED((NP, feat), jnp.float32),
            pltpu.SemaphoreType.DMA,
            pltpu.SemaphoreType.DMA,
        ],
    )
    def k(hs_hbm, src_hbm, dst_hbm, out_hbm,
          src_v, dst_v, buf0, buf1, acc, sem0, sem1):
        cid = lax.axis_index("c")
        sid = lax.axis_index("s")
        wid = cid * NTILES + sid
        rbase = sid * RPT
        pltpu.sync_copy(hs_hbm.at[pl.ds(NP - CHUNK, CHUNK)], buf0)
        for r in range(RPT // CHUNK):
            pltpu.sync_copy(buf0, acc.at[pl.ds(rbase + r * CHUNK, CHUNK)])
        pltpu.sync_copy(src_hbm.at[pl.ds(wid * STEPS, STEPS)], src_v)
        pltpu.sync_copy(dst_hbm.at[pl.ds(wid * STEPS, STEPS)], dst_v)
        plsc.subcore_barrier()

        pltpu.async_copy(hs_hbm.at[src_v.at[0]], buf0, sem0)

        def body(jj, carry):
            j0 = jj * 2
            pltpu.async_copy(hs_hbm.at[src_v.at[j0 + 1]], buf1, sem1)
            pltpu.make_async_copy(hs_hbm.at[src_v.at[j0]], buf0, sem0).wait()
            pltpu.sync_copy(buf0, acc.at[dst_v.at[j0]], add=True)
            pltpu.async_copy(hs_hbm.at[src_v.at[j0 + 2]], buf0, sem0)
            pltpu.make_async_copy(hs_hbm.at[src_v.at[j0 + 1]], buf1, sem1).wait()
            pltpu.sync_copy(buf1, acc.at[dst_v.at[j0 + 1]], add=True)
            return carry

        lax.fori_loop(0, npairs - 1, body, 0)
        j0 = STEPS - 2
        pltpu.async_copy(hs_hbm.at[src_v.at[j0 + 1]], buf1, sem1)
        pltpu.make_async_copy(hs_hbm.at[src_v.at[j0]], buf0, sem0).wait()
        pltpu.sync_copy(buf0, acc.at[dst_v.at[j0]], add=True)
        pltpu.make_async_copy(hs_hbm.at[src_v.at[j0 + 1]], buf1, sem1).wait()
        pltpu.sync_copy(buf1, acc.at[dst_v.at[j0 + 1]], add=True)

        plsc.subcore_barrier()
        pltpu.sync_copy(acc.at[pl.ds(rbase, RPT)],
                        out_hbm.at[cid, pl.ds(rbase, RPT)])

    return k(hs, src2d, dst2d)


DH = D // 2


def _tc_scale_matmul(x_p, W1, dpt):

    def body(x_ref, w_ref, dp_ref, hsa_ref, hsb_ref, di_ref):
        i = pl.program_id(0)
        deg = dp_ref[:, 0:1] + dp_ref[:, 1:2] + 1.0
        rows = lax.broadcasted_iota(jnp.int32, (BLK, 1), 0) + i * BLK
        dinv = jnp.where(rows < N, lax.rsqrt(deg), 0.0)
        h = jnp.dot(x_ref[...], w_ref[...], preferred_element_type=jnp.float32)
        hs = h * dinv
        hsa_ref[...] = hs[:, :DH]
        hsb_ref[...] = hs[:, DH:]
        di_ref[...] = dinv

    return pl.pallas_call(
        body,
        grid=(NP // BLK,),
        in_specs=[
            pl.BlockSpec((BLK, D), lambda i: (i, 0)),
            pl.BlockSpec((D, D), lambda i: (0, 0)),
            pl.BlockSpec((BLK, 2), lambda i: (i, 0)),
        ],
        out_specs=[
            pl.BlockSpec((BLK, DH), lambda i: (i, 0)),
            pl.BlockSpec((BLK, DH), lambda i: (i, 0)),
            pl.BlockSpec((BLK, 1), lambda i: (i, 0)),
        ],
        out_shape=[
            jax.ShapeDtypeStruct((NP, DH), jnp.float32),
            jax.ShapeDtypeStruct((NP, DH), jnp.float32),
            jax.ShapeDtypeStruct((NP, 1), jnp.float32),
        ],
    )(x_p, W1, dpt)


def _tc_layer2_input(pa0, pa1, pb0, pb1, h1sa, h1sb, dinv, b1a, b1b, W2a, W2b):

    def body(pa0_ref, pa1_ref, pb0_ref, pb1_ref, ha_ref, hb_ref, di_ref,
             ba_ref, bb_ref, wa_ref, wb_ref, o_ref):
        di = di_ref[...]
        al = di * (pa0_ref[...] + pa1_ref[...] + ha_ref[...]) + ba_ref[...]
        ar = di * (pb0_ref[...] + pb1_ref[...] + hb_ref[...]) + bb_ref[...]
        al = jnp.maximum(al, 0.0)
        ar = jnp.maximum(ar, 0.0)
        h2 = (jnp.dot(al, wa_ref[...], preferred_element_type=jnp.float32)
              + jnp.dot(ar, wb_ref[...], preferred_element_type=jnp.float32))
        o_ref[...] = h2 * di

    half = pl.BlockSpec((BLK, DH), lambda i: (i, 0))
    return pl.pallas_call(
        body,
        grid=(NP // BLK,),
        in_specs=[
            half, half, half, half, half, half,
            pl.BlockSpec((BLK, 1), lambda i: (i, 0)),
            pl.BlockSpec((1, DH), lambda i: (0, 0)),
            pl.BlockSpec((1, DH), lambda i: (0, 0)),
            pl.BlockSpec((DH, C), lambda i: (0, 0)),
            pl.BlockSpec((DH, C), lambda i: (0, 0)),
        ],
        out_specs=pl.BlockSpec((BLK, C), lambda i: (i, 0)),
        out_shape=jax.ShapeDtypeStruct((NP, C), jnp.float32),
    )(pa0, pa1, pb0, pb1, h1sa, h1sb, dinv, b1a, b1b, W2a, W2b)


def _tc_final(pa, pb, h2s, dinv, b2):

    def body(pa_ref, pb_ref, h_ref, di_ref, b_ref, o_ref):
        o_ref[...] = (di_ref[...] * (pa_ref[...] + pb_ref[...] + h_ref[...])
                      + b_ref[...])

    return pl.pallas_call(
        body,
        grid=(NP // BLK,),
        in_specs=[
            pl.BlockSpec((BLK, C), lambda i: (i, 0)),
            pl.BlockSpec((BLK, C), lambda i: (i, 0)),
            pl.BlockSpec((BLK, C), lambda i: (i, 0)),
            pl.BlockSpec((BLK, 1), lambda i: (i, 0)),
            pl.BlockSpec((1, C), lambda i: (0, 0)),
        ],
        out_specs=pl.BlockSpec((BLK, C), lambda i: (i, 0)),
        out_shape=jax.ShapeDtypeStruct((NP, C), jnp.float32),
    )(pa, pb, h2s, dinv, b2)


@jax.jit
def kernel(x, edge_index, W1, b1, W2, b2):
    pad_e = EP - E
    src = jnp.concatenate(
        [edge_index[0], jnp.full((pad_e,), N, jnp.int32)]).reshape(-1, CHUNK)
    dst = jnp.concatenate(
        [edge_index[1], jnp.full((pad_e,), N, jnp.int32)]).reshape(-1, CHUNK)
    x_p = jnp.concatenate([x, jnp.zeros((NP - N, D), x.dtype)])

    dp = _sc_degree(dst)
    h1sa, h1sb, dinv = _tc_scale_matmul(x_p, W1, dp.T)
    p1a = _sc_aggregate(h1sa, src, dst, DH)
    p1b = _sc_aggregate(h1sb, src, dst, DH)
    h2s = _tc_layer2_input(p1a[0], p1a[1], p1b[0], p1b[1], h1sa, h1sb, dinv,
                           b1[:DH].reshape(1, DH), b1[DH:].reshape(1, DH),
                           W2[:DH], W2[DH:])
    p2 = _sc_aggregate(h2s, src, dst, C)
    out = _tc_final(p2[0], p2[1], h2s, dinv, b2.reshape(1, C))
    return out[:N]

# --- scband reference (transcript-rebuilt; emitter-appended) ---
"""Pipeline reference for scband-gcn-11914239279184 (READ-ONLY COPY).

The authoritative reference and input builder live on the scoring server;
editing this copy changes nothing except your own understanding.
"""

import jax, jax.numpy as jnp
import numpy as np

N = 10000
E = 320000
D_IN = 128
D_HID = 128
N_CLS = 8


def setup_inputs(seed: int = 0) -> dict:
    key = jax.random.key(seed)
    ks = jax.random.split(key, 6)
    x = jax.random.normal(ks[0], (N, D_IN), dtype=jnp.float32)
    edge_index = jax.random.randint(ks[1], (2, E), 0, N, dtype=jnp.int32)
    W1 = jax.random.normal(ks[2], (D_IN, D_HID), dtype=jnp.float32) * 0.05
    b1 = jnp.zeros((D_HID,), dtype=jnp.float32)
    W2 = jax.random.normal(ks[3], (D_HID, N_CLS), dtype=jnp.float32) * 0.05
    b2 = jnp.zeros((N_CLS,), dtype=jnp.float32)
    return {"x": x, "edge_index": edge_index, "W1": W1, "b1": b1, "W2": W2, "b2": b2}


def gcn_conv(x, edge_index, W, b):
    # GCNConv: x' = D^{-1/2} (A + I) D^{-1/2} (x W) + b
    n = x.shape[0]
    src = edge_index[0]
    dst = edge_index[1]
    loop = jnp.arange(n, dtype=src.dtype)
    src = jnp.concatenate([src, loop])
    dst = jnp.concatenate([dst, loop])
    deg = jnp.zeros((n,), dtype=x.dtype).at[dst].add(1.0)
    dinv = jnp.where(deg > 0, jax.lax.rsqrt(deg), 0.0)
    norm = dinv[src] * dinv[dst]
    h = x @ W
    msg = h[src] * norm[:, None]
    agg = jnp.zeros((n, h.shape[1]), dtype=x.dtype).at[dst].add(msg)
    return agg + b


def reference(x, edge_index, W1, b1, W2, b2):
    h = gcn_conv(x, edge_index, W1, b1)
    h = jax.nn.relu(h)
    out = gcn_conv(h, edge_index, W2, b2)
    return out

if __name__ == "__main__":
    import jax
    _d = setup_inputs()
    print(jax.jit(kernel)(*tuple(_d.values())))

</pallas_src>

<mosaic_0001>
#map = affine_map<(d0, d1) -> (0, 0)>
#map1 = affine_map<(d0, d1) -> (0, 0, 0)>
module attributes {stable_mosaic.version = 14 : i64} {
  func.func @k(%arg0: i32, %arg1: i32, %arg2: memref<10240x64xf32, #tpu.memory_space<hbm>>, %arg3: memref<2560x128xi32, #tpu.memory_space<hbm>>, %arg4: memref<2560x128xi32, #tpu.memory_space<hbm>>, %arg5: memref<2x10240x64xf32, #tpu.memory_space<hbm>>, %arg6: memref<80x128xi32, #tpu.memory_space<vmem>>, %arg7: memref<80x128xi32, #tpu.memory_space<vmem>>, %arg8: memref<128x64xf32, #tpu.memory_space<vmem>>, %arg9: memref<128x64xf32, #tpu.memory_space<vmem>>, %arg10: memref<10240x64xf32, #tpu.memory_space<vmem_shared>>, %arg11: memref<!tpu.dma_semaphore, #tpu.memory_space<semaphore_mem>>, %arg12: memref<!tpu.dma_semaphore, #tpu.memory_space<semaphore_mem>>) attributes {dimension_semantics = [#tpu.dimension_semantics<core_parallel>, #tpu.dimension_semantics<subcore_parallel>], iteration_bounds = array<i64: 2, 16>, scalar_prefetch = 0 : i64, scratch_operands = 7 : i64, tpu.core_type = #tpu.core_type<sc_vector_subcore>, window_params = [{transform_indices = #map}, {transform_indices = #map}, {transform_indices = #map}, {transform_indices = #map1}]} {
    %mul3A = arith.constant 16 : i32
    %mul3A_0 = arith.muli %arg0, %mul3A : i32
    %add3A = arith.addi %mul3A_0, %arg1 : i32
    %mul3A_1 = arith.constant 640 : i32
    %mul3A_2 = arith.muli %arg1, %mul3A_1 : i32
    "tpu.region"() ({
      %run_scoped3A_50 = tpu.sem_alloc : memref<!tpu.dma_semaphore, #tpu.memory_space<semaphore_mem>>
      %dma_start3A_51 = arith.constant 10112 : i32
      %dma_start3A_52 = arith.constant 0 : i32
      %dma_start3A_53 = tpu.memref_slice %arg2[%dma_start3A_51, %dma_start3A_52] : memref<10240x64xf32, #tpu.memory_space<hbm>> -> memref<128x64xf32, #tpu.memory_space<hbm>>
      %dma_start3A_54 = arith.constant 10112 : i32
      %dma_start3A_55 = arith.constant 0 : i32
      %dma_start3A_56 = tpu.memref_slice %arg2[%dma_start3A_54, %dma_start3A_55] : memref<10240x64xf32, #tpu.memory_space<hbm>> -> memref<128x64xf32, #tpu.memory_space<hbm>>
      tpu.enqueue_dma source(%dma_start3A_56 : memref<128x64xf32, #tpu.memory_space<hbm>>) target(%arg8 : memref<128x64xf32, #tpu.memory_space<vmem>>) target_semaphore(%run_scoped3A_50 : memref<!tpu.dma_semaphore, #tpu.memory_space<semaphore_mem>>)
      %dma_wait3A_57 = arith.constant 10112 : i32
      %dma_wait3A_58 = arith.constant 0 : i32
      %dma_wait3A_59 = tpu.memref_slice %arg2[%dma_wait3A_57, %dma_wait3A_58] : memref<10240x64xf32, #tpu.memory_space<hbm>> -> memref<128x64xf32, #tpu.memory_space<hbm>>
      %dma_wait3A_60 = arith.constant 10112 : i32
      %dma_wait3A_61 = arith.constant 0 : i32
      %dma_wait3A_62 = tpu.memref_slice %arg2[%dma_wait3A_60, %dma_wait3A_61] : memref<10240x64xf32, #tpu.memory_space<hbm>> -> memref<128x64xf32, #tpu.memory_space<hbm>>
      tpu.wait_dma2 semaphore(%run_scoped3A_50 : memref<!tpu.dma_semaphore, #tpu.memory_space<semaphore_mem>>) src(%dma_wait3A_62 : memref<128x64xf32, #tpu.memory_space<hbm>>) dst(%arg8 : memref<128x64xf32, #tpu.memory_space<vmem>>)
      tpu.yield
    }) : () -> ()
    %add3A_3 = arith.constant 0 : i32
    %add3A_4 = arith.addi %mul3A_2, %add3A_3 : i32
    "tpu.region"() ({
      %run_scoped3A_50 = tpu.sem_alloc : memref<!tpu.dma_semaphore, #tpu.memory_space<semaphore_mem>>
      %dma_start3A_51 = arith.constant 0 : i32
      %dma_start3A_52 = tpu.memref_slice %arg10[%add3A_4, %dma_start3A_51] : memref<10240x64xf32, #tpu.memory_space<vmem_shared>> -> memref<128x64xf32, #tpu.memory_space<vmem_shared>>
      %dma_start3A_53 = arith.constant 0 : i32
      %dma_start3A_54 = tpu.memref_slice %arg10[%add3A_4, %dma_start3A_53] : memref<10240x64xf32, #tpu.memory_space<vmem_shared>> -> memref<128x64xf32, #tpu.memory_space<vmem_shared>>
      tpu.enqueue_dma source(%arg8 : memref<128x64xf32, #tpu.memory_space<vmem>>) target(%dma_start3A_54 : memref<128x64xf32, #tpu.memory_space<vmem_shared>>) target_semaphore(%run_scoped3A_50 : memref<!tpu.dma_semaphore, #tpu.memory_space<semaphore_mem>>)
      %dma_wait3A_55 = arith.constant 0 : i32
      %dma_wait3A_56 = tpu.memref_slice %arg10[%add3A_4, %dma_wait3A_55] : memref<10240x64xf32, #tpu.memory_space<vmem_shared>> -> memref<128x64xf32, #tpu.memory_space<vmem_shared>>
      %dma_wait3A_57 = arith.constant 0 : i32
      %dma_wait3A_58 = tpu.memref_slice %arg10[%add3A_4, %dma_wait3A_57] : memref<10240x64xf32, #tpu.memory_space<vmem_shared>> -> memref<128x64xf32, #tpu.memory_space<vmem_shared>>
      tpu.wait_dma2 semaphore(%run_scoped3A_50 : memref<!tpu.dma_semaphore, #tpu.memory_space<semaphore_mem>>) src(%arg8 : memref<128x64xf32, #tpu.memory_space<vmem>>) dst(%dma_wait3A_58 : memref<128x64xf32, #tpu.memory_space<vmem_shared>>)
      tpu.yield
    }) : () -> ()
    %add3A_5 = arith.constant 128 : i32
    %add3A_6 = arith.addi %mul3A_2, %add3A_5 : i32
    "tpu.region"() ({
      %run_scoped3A_50 = tpu.sem_alloc : memref<!tpu.dma_semaphore, #tpu.memory_space<semaphore_mem>>
      %dma_start3A_51 = arith.constant 0 : i32
      %dma_start3A_52 = tpu.memref_slice %arg10[%add3A_6, %dma_start3A_51] : memref<10240x64xf32, #tpu.memory_space<vmem_shared>> -> memref<128x64xf32, #tpu.memory_space<vmem_shared>>
      %dma_start3A_53 = arith.constant 0 : i32
      %dma_start3A_54 = tpu.memref_slice %arg10[%add3A_6, %dma_start3A_53] : memref<10240x64xf32, #tpu.memory_space<vmem_shared>> -> memref<128x64xf32, #tpu.memory_space<vmem_shared>>
      tpu.enqueue_dma source(%arg8 : memref<128x64xf32, #tpu.memory_space<vmem>>) target(%dma_start3A_54 : memref<128x64xf32, #tpu.memory_space<vmem_shared>>) target_semaphore(%run_scoped3A_50 : memref<!tpu.dma_semaphore, #tpu.memory_space<semaphore_mem>>)
      %dma_wait3A_55 = arith.constant 0 : i32
      %dma_wait3A_56 = tpu.memref_slice %arg10[%add3A_6, %dma_wait3A_55] : memref<10240x64xf32, #tpu.memory_space<vmem_shared>> -> memref<128x64xf32, #tpu.memory_space<vmem_shared>>
      %dma_wait3A_57 = arith.constant 0 : i32
      %dma_wait3A_58 = tpu.memref_slice %arg10[%add3A_6, %dma_wait3A_57] : memref<10240x64xf32, #tpu.memory_space<vmem_shared>> -> memref<128x64xf32, #tpu.memory_space<vmem_shared>>
      tpu.wait_dma2 semaphore(%run_scoped3A_50 : memref<!tpu.dma_semaphore, #tpu.memory_space<semaphore_mem>>) src(%arg8 : memref<128x64xf32, #tpu.memory_space<vmem>>) dst(%dma_wait3A_58 : memref<128x64xf32, #tpu.memory_space<vmem_shared>>)
      tpu.yield
    }) : () -> ()
    %add3A_7 = arith.constant 256 : i32
    %add3A_8 = arith.addi %mul3A_2, %add3A_7 : i32
    "tpu.region"() ({
      %run_scoped3A_50 = tpu.sem_alloc : memref<!tpu.dma_semaphore, #tpu.memory_space<semaphore_mem>>
      %dma_start3A_51 = arith.constant 0 : i32
      %dma_start3A_52 = tpu.memref_slice %arg10[%add3A_8, %dma_start3A_51] : memref<10240x64xf32, #tpu.memory_space<vmem_shared>> -> memref<128x64xf32, #tpu.memory_space<vmem_shared>>
      %dma_start3A_53 = arith.constant 0 : i32
      %dma_start3A_54 = tpu.memref_slice %arg10[%add3A_8, %dma_start3A_53] : memref<10240x64xf32, #tpu.memory_space<vmem_shared>> -> memref<128x64xf32, #tpu.memory_space<vmem_shared>>
      tpu.enqueue_dma source(%arg8 : memref<128x64xf32, #tpu.memory_space<vmem>>) target(%dma_start3A_54 : memref<128x64xf32, #tpu.memory_space<vmem_shared>>) target_semaphore(%run_scoped3A_50 : memref<!tpu.dma_semaphore, #tpu.memory_space<semaphore_mem>>)
      %dma_wait3A_55 = arith.constant 0 : i32
      %dma_wait3A_56 = tpu.memref_slice %arg10[%add3A_8, %dma_wait3A_55] : memref<10240x64xf32, #tpu.memory_space<vmem_shared>> -> memref<128x64xf32, #tpu.memory_space<vmem_shared>>
      %dma_wait3A_57 = arith.constant 0 : i32
      %dma_wait3A_58 = tpu.memref_slice %arg10[%add3A_8, %dma_wait3A_57] : memref<10240x64xf32, #tpu.memory_space<vmem_shared>> -> memref<128x64xf32, #tpu.memory_space<vmem_shared>>
      tpu.wait_dma2 semaphore(%run_scoped3A_50 : memref<!tpu.dma_semaphore, #tpu.memory_space<semaphore_mem>>) src(%arg8 : memref<128x64xf32, #tpu.memory_space<vmem>>) dst(%dma_wait3A_58 : memref<128x64xf32, #tpu.memory_space<vmem_shared>>)
      tpu.yield
    }) : () -> ()
    %add3A_9 = arith.constant 384 : i32
    %add3A_10 = arith.addi %mul3A_2, %add3A_9 : i32
    "tpu.region"() ({
      %run_scoped3A_50 = tpu.sem_alloc : memref<!tpu.dma_semaphore, #tpu.memory_space<semaphore_mem>>
      %dma_start3A_51 = arith.constant 0 : i32
      %dma_start3A_52 = tpu.memref_slice %arg10[%add3A_10, %dma_start3A_51] : memref<10240x64xf32, #tpu.memory_space<vmem_shared>> -> memref<128x64xf32, #tpu.memory_space<vmem_shared>>
      %dma_start3A_53 = arith.constant 0 : i32
      %dma_start3A_54 = tpu.memref_slice %arg10[%add3A_10, %dma_start3A_53] : memref<10240x64xf32, #tpu.memory_space<vmem_shared>> -> memref<128x64xf32, #tpu.memory_space<vmem_shared>>
      tpu.enqueue_dma source(%arg8 : memref<128x64xf32, #tpu.memory_space<vmem>>) target(%dma_start3A_54 : memref<128x64xf32, #tpu.memory_space<vmem_shared>>) target_semaphore(%run_scoped3A_50 : memref<!tpu.dma_semaphore, #tpu.memory_space<semaphore_mem>>)
      %dma_wait3A_55 = arith.constant 0 : i32
      %dma_wait3A_56 = tpu.memref_slice %arg10[%add3A_10, %dma_wait3A_55] : memref<10240x64xf32, #tpu.memory_space<vmem_shared>> -> memref<128x64xf32, #tpu.memory_space<vmem_shared>>
      %dma_wait3A_57 = arith.constant 0 : i32
      %dma_wait3A_58 = tpu.memref_slice %arg10[%add3A_10, %dma_wait3A_57] : memref<10240x64xf32, #tpu.memory_space<vmem_shared>> -> memref<128x64xf32, #tpu.memory_space<vmem_shared>>
      tpu.wait_dma2 semaphore(%run_scoped3A_50 : memref<!tpu.dma_semaphore, #tpu.memory_space<semaphore_mem>>) src(%arg8 : memref<128x64xf32, #tpu.memory_space<vmem>>) dst(%dma_wait3A_58 : memref<128x64xf32, #tpu.memory_space<vmem_shared>>)
      tpu.yield
    }) : () -> ()
    %add3A_11 = arith.constant 512 : i32
    %add3A_12 = arith.addi %mul3A_2, %add3A_11 : i32
    "tpu.region"() ({
      %run_scoped3A_50 = tpu.sem_alloc : memref<!tpu.dma_semaphore, #tpu.memory_space<semaphore_mem>>
      %dma_start3A_51 = arith.constant 0 : i32
      %dma_start3A_52 = tpu.memref_slice %arg10[%add3A_12, %dma_start3A_51] : memref<10240x64xf32, #tpu.memory_space<vmem_shared>> -> memref<128x64xf32, #tpu.memory_space<vmem_shared>>
      %dma_start3A_53 = arith.constant 0 : i32
      %dma_start3A_54 = tpu.memref_slice %arg10[%add3A_12, %dma_start3A_53] : memref<10240x64xf32, #tpu.memory_space<vmem_shared>> -> memref<128x64xf32, #tpu.memory_space<vmem_shared>>
      tpu.enqueue_dma source(%arg8 : memref<128x64xf32, #tpu.memory_space<vmem>>) target(%dma_start3A_54 : memref<128x64xf32, #tpu.memory_space<vmem_shared>>) target_semaphore(%run_scoped3A_50 : memref<!tpu.dma_semaphore, #tpu.memory_space<semaphore_mem>>)
      %dma_wait3A_55 = arith.constant 0 : i32
      %dma_wait3A_56 = tpu.memref_slice %arg10[%add3A_12, %dma_wait3A_55] : memref<10240x64xf32, #tpu.memory_space<vmem_shared>> -> memref<128x64xf32, #tpu.memory_space<vmem_shared>>
      %dma_wait3A_57 = arith.constant 0 : i32
      %dma_wait3A_58 = tpu.memref_slice %arg10[%add3A_12, %dma_wait3A_57] : memref<10240x64xf32, #tpu.memory_space<vmem_shared>> -> memref<128x64xf32, #tpu.memory_space<vmem_shared>>
      tpu.wait_dma2 semaphore(%run_scoped3A_50 : memref<!tpu.dma_semaphore, #tpu.memory_space<semaphore_mem>>) src(%arg8 : memref<128x64xf32, #tpu.memory_space<vmem>>) dst(%dma_wait3A_58 : memref<128x64xf32, #tpu.memory_space<vmem_shared>>)
      tpu.yield
    }) : () -> ()
    %mul3A_13 = arith.constant 80 : i32
    %mul3A_14 = arith.muli %add3A, %mul3A_13 : i32
    "tpu.region"() ({
      %run_scoped3A_50 = tpu.sem_alloc : memref<!tpu.dma_semaphore, #tpu.memory_space<semaphore_mem>>
      %dma_start3A_51 = arith.constant 0 : i32
      %dma_start3A_52 = tpu.memref_slice %arg3[%mul3A_14, %dma_start3A_51] : memref<2560x128xi32, #tpu.memory_space<hbm>> -> memref<80x128xi32, #tpu.memory_space<hbm>>
      %dma_start3A_53 = arith.constant 0 : i32
      %dma_start3A_54 = tpu.memref_slice %arg3[%mul3A_14, %dma_start3A_53] : memref<2560x128xi32, #tpu.memory_space<hbm>> -> memref<80x128xi32, #tpu.memory_space<hbm>>
      tpu.enqueue_dma source(%dma_start3A_54 : memref<80x128xi32, #tpu.memory_space<hbm>>) target(%arg6 : memref<80x128xi32, #tpu.memory_space<vmem>>) target_semaphore(%run_scoped3A_50 : memref<!tpu.dma_semaphore, #tpu.memory_space<semaphore_mem>>)
      %dma_wait3A_55 = arith.constant 0 : i32
      %dma_wait3A_56 = tpu.memref_slice %arg3[%mul3A_14, %dma_wait3A_55] : memref<2560x128xi32, #tpu.memory_space<hbm>> -> memref<80x128xi32, #tpu.memory_space<hbm>>
      %dma_wait3A_57 = arith.constant 0 : i32
      %dma_wait3A_58 = tpu.memref_slice %arg3[%mul3A_14, %dma_wait3A_57] : memref<2560x128xi32, #tpu.memory_space<hbm>> -> memref<80x128xi32, #tpu.memory_space<hbm>>
      tpu.wait_dma2 semaphore(%run_scoped3A_50 : memref<!tpu.dma_semaphore, #tpu.memory_space<semaphore_mem>>) src(%dma_wait3A_58 : memref<80x128xi32, #tpu.memory_space<hbm>>) dst(%arg6 : memref<80x128xi32, #tpu.memory_space<vmem>>)
      tpu.yield
    }) : () -> ()
    %mul3A_15 = arith.constant 80 : i32
    %mul3A_16 = arith.muli %add3A, %mul3A_15 : i32
    "tpu.region"() ({
      %run_scoped3A_50 = tpu.sem_alloc : memref<!tpu.dma_semaphore, #tpu.memory_space<semaphore_mem>>
      %dma_start3A_51 = arith.constant 0 : i32
      %dma_start3A_52 = tpu.memref_slice %arg4[%mul3A_16, %dma_start3A_51] : memref<2560x128xi32, #tpu.memory_space<hbm>> -> memref<80x128xi32, #tpu.memory_space<hbm>>
      %dma_start3A_53 = arith.constant 0 : i32
      %dma_start3A_54 = tpu.memref_slice %arg4[%mul3A_16, %dma_start3A_53] : memref<2560x128xi32, #tpu.memory_space<hbm>> -> memref<80x128xi32, #tpu.memory_space<hbm>>
      tpu.enqueue_dma source(%dma_start3A_54 : memref<80x128xi32, #tpu.memory_space<hbm>>) target(%arg7 : memref<80x128xi32, #tpu.memory_space<vmem>>) target_semaphore(%run_scoped3A_50 : memref<!tpu.dma_semaphore, #tpu.memory_space<semaphore_mem>>)
      %dma_wait3A_55 = arith.constant 0 : i32
      %dma_wait3A_56 = tpu.memref_slice %arg4[%mul3A_16, %dma_wait3A_55] : memref<2560x128xi32, #tpu.memory_space<hbm>> -> memref<80x128xi32, #tpu.memory_space<hbm>>
      %dma_wait3A_57 = arith.constant 0 : i32
      %dma_wait3A_58 = tpu.memref_slice %arg4[%mul3A_16, %dma_wait3A_57] : memref<2560x128xi32, #tpu.memory_space<hbm>> -> memref<80x128xi32, #tpu.memory_space<hbm>>
      tpu.wait_dma2 semaphore(%run_scoped3A_50 : memref<!tpu.dma_semaphore, #tpu.memory_space<semaphore_mem>>) src(%dma_wait3A_58 : memref<80x128xi32, #tpu.memory_space<hbm>>) dst(%arg7 : memref<80x128xi32, #tpu.memory_space<vmem>>)
      tpu.yield
    }) : () -> ()
    %barrier3A = arith.constant 0 : index
    tpu.barrier barrier_id(%barrier3A)
    %dma_start3A = arith.constant 0 : i32
    %dma_start3A_17 = arith.constant 0 : i32
    %dma_start3A_18 = tpu.memref_slice %arg6[%dma_start3A, %dma_start3A_17] : memref<80x128xi32, #tpu.memory_space<vmem>> -> memref<1x128xi32, #tpu.memory_space<vmem>>
    %dma_start3A_19 = tpu.memref_squeeze %dma_start3A_18 : memref<1x128xi32, #tpu.memory_space<vmem>> -> memref<128xi32, #tpu.memory_space<vmem>>
    %dma_start3A_20 = arith.constant 0 : i32
    %dma_start3A_21 = arith.constant 0 : i32
    %dma_start3A_22 = tpu.memref_slice %arg2[%dma_start3A_20, %dma_start3A_21] : memref<10240x64xf32, #tpu.memory_space<hbm>> -> memref<10240x64xf32, #tpu.memory_space<hbm>>
    tpu.enqueue_indirect_dma source(%dma_start3A_22 : memref<10240x64xf32, #tpu.memory_space<hbm>>) target(%arg8 : memref<128x64xf32, #tpu.memory_space<vmem>>) offsets(%dma_start3A_19 : memref<128xi32, #tpu.memory_space<vmem>>) semaphore(%arg11 : memref<!tpu.dma_semaphore, #tpu.memory_space<semaphore_mem>>)
    %scan3A = arith.constant 0 : i32
    %scan3A_23 = arith.constant 0 : i32
    %scan3A_24 = arith.constant 39 : i32
    %scan3A_25 = arith.addi %scan3A_23, %scan3A_24 : i32
    %scan3A_26 = arith.constant 1 : i32
    scf.for %scan3A_50 = %scan3A_23 to %scan3A_25 step %scan3A_26  : i32 {
      %mul3A_51 = arith.constant 2 : i32
      %mul3A_52 = arith.muli %scan3A_50, %mul3A_51 : i32
      %add3A_53 = arith.constant 1 : i32
      %add3A_54 = arith.addi %mul3A_52, %add3A_53 : i32
      %dma_start3A_55 = arith.constant 0 : i32
      %dma_start3A_56 = tpu.memref_slice %arg6[%add3A_54, %dma_start3A_55] : memref<80x128xi32, #tpu.memory_space<vmem>> -> memref<1x128xi32, #tpu.memory_space<vmem>>
      %dma_start3A_57 = tpu.memref_squeeze %dma_start3A_56 : memref<1x128xi32, #tpu.memory_space<vmem>> -> memref<128xi32, #tpu.memory_space<vmem>>
      %dma_start3A_58 = arith.constant 0 : i32
      %dma_start3A_59 = arith.constant 0 : i32
      %dma_start3A_60 = tpu.memref_slice %arg2[%dma_start3A_58, %dma_start3A_59] : memref<10240x64xf32, #tpu.memory_space<hbm>> -> memref<10240x64xf32, #tpu.memory_space<hbm>>
      tpu.enqueue_indirect_dma source(%dma_start3A_60 : memref<10240x64xf32, #tpu.memory_space<hbm>>) target(%arg9 : memref<128x64xf32, #tpu.memory_space<vmem>>) offsets(%dma_start3A_57 : memref<128xi32, #tpu.memory_space<vmem>>) semaphore(%arg12 : memref<!tpu.dma_semaphore, #tpu.memory_space<semaphore_mem>>)
      %dma_wait3A_61 = arith.constant 0 : i32
      %dma_wait3A_62 = tpu.memref_slice %arg6[%mul3A_52, %dma_wait3A_61] : memref<80x128xi32, #tpu.memory_space<vmem>> -> memref<1x128xi32, #tpu.memory_space<vmem>>
      %dma_wait3A_63 = tpu.memref_squeeze %dma_wait3A_62 : memref<1x128xi32, #tpu.memory_space<vmem>> -> memref<128xi32, #tpu.memory_space<vmem>>
      %dma_wait3A_64 = arith.constant 0 : i32
      %dma_wait3A_65 = arith.constant 0 : i32
      %dma_wait3A_66 = tpu.memref_slice %arg2[%dma_wait3A_64, %dma_wait3A_65] : memref<10240x64xf32, #tpu.memory_space<hbm>> -> memref<10240x64xf32, #tpu.memory_space<hbm>>
      tpu.wait_indirect_dma semaphore(%arg11 : memref<!tpu.dma_semaphore, #tpu.memory_space<semaphore_mem>>) src(%dma_wait3A_66 : memref<10240x64xf32, #tpu.memory_space<hbm>>) dst(%arg8 : memref<128x64xf32, #tpu.memory_space<vmem>>)
      "tpu.region"() ({
        %run_scoped3A_85 = tpu.sem_alloc : memref<!tpu.dma_semaphore, #tpu.memory_space<semaphore_mem>>
        %dma_start3A_86 = arith.constant 0 : i32
        %dma_start3A_87 = tpu.memref_slice %arg7[%mul3A_52, %dma_start3A_86] : memref<80x128xi32, #tpu.memory_space<vmem>> -> memref<1x128xi32, #tpu.memory_space<vmem>>
        %dma_start3A_88 = tpu.memref_squeeze %dma_start3A_87 : memref<1x128xi32, #tpu.memory_space<vmem>> -> memref<128xi32, #tpu.memory_space<vmem>>
        %dma_start3A_89 = arith.constant 0 : i32
        %dma_start3A_90 = arith.constant 0 : i32
        %dma_start3A_91 = tpu.memref_slice %arg10[%dma_start3A_89, %dma_start3A_90] : memref<10240x64xf32, #tpu.memory_space<vmem_shared>> -> memref<10240x64xf32, #tpu.memory_space<vmem_shared>>
        tpu.enqueue_indirect_dma source(%arg8 : memref<128x64xf32, #tpu.memory_space<vmem>>) target(%dma_start3A_91 : memref<10240x64xf32, #tpu.memory_space<vmem_shared>>) offsets(%dma_start3A_88 : memref<128xi32, #tpu.memory_space<vmem>>) semaphore(%run_scoped3A_85 : memref<!tpu.dma_semaphore, #tpu.memory_space<semaphore_mem>>) {add = true}
        %dma_wait3A_92 = arith.constant 0 : i32
        %dma_wait3A_93 = tpu.memref_slice %arg7[%mul3A_52, %dma_wait3A_92] : memref<80x128xi32, #tpu.memory_space<vmem>> -> memref<1x128xi32, #tpu.memory_space<vmem>>
        %dma_wait3A_94 = tpu.memref_squeeze %dma_wait3A_93 : memref<1x128xi32, #tpu.memory_space<vmem>> -> memref<128xi32, #tpu.memory_space<vmem>>
        %dma_wait3A_95 = arith.constant 0 : i32
        %dma_wait3A_96 = arith.constant 0 : i32
        %dma_wait3A_97 = tpu.memref_slice %arg10[%dma_wait3A_95, %dma_wait3A_96] : memref<10240x64xf32, #tpu.memory_space<vmem_shared>> -> memref<10240x64xf32, #tpu.memory_space<vmem_shared>>
        tpu.wait_indirect_dma semaphore(%run_scoped3A_85 : memref<!tpu.dma_semaphore, #tpu.memory_space<semaphore_mem>>) src(%arg8 : memref<128x64xf32, #tpu.memory_space<vmem>>) dst(%dma_wait3A_97 : memref<10240x64xf32, #tpu.memory_space<vmem_shared>>)
        tpu.yield
      }) : () -> ()
      %add3A_67 = arith.constant 2 : i32
      %add3A_68 = arith.addi %mul3A_52, %add3A_67 : i32
      %dma_start3A_69 = arith.constant 0 : i32
      %dma_start3A_70 = tpu.memref_slice %arg6[%add3A_68, %dma_start3A_69] : memref<80x128xi32, #tpu.memory_space<vmem>> -> memref<1x128xi32, #tpu.memory_space<vmem>>
      %dma_start3A_71 = tpu.memref_squeeze %dma_start3A_70 : memref<1x128xi32, #tpu.memory_space<vmem>> -> memref<128xi32, #tpu.memory_space<vmem>>
      %dma_start3A_72 = arith.constant 0 : i32
      %dma_start3A_73 = arith.constant 0 : i32
      %dma_start3A_74 = tpu.memref_slice %arg2[%dma_start3A_72, %dma_start3A_73] : memref<10240x64xf32, #tpu.memory_space<hbm>> -> memref<10240x64xf32, #tpu.memory_space<hbm>>
      tpu.enqueue_indirect_dma source(%dma_start3A_74 : memref<10240x64xf32, #tpu.memory_space<hbm>>) target(%arg8 : memref<128x64xf32, #tpu.memory_space<vmem>>) offsets(%dma_start3A_71 : memref<128xi32, #tpu.memory_space<vmem>>) semaphore(%arg11 : memref<!tpu.dma_semaphore, #tpu.memory_space<semaphore_mem>>)
      %add3A_75 = arith.constant 1 : i32
      %add3A_76 = arith.addi %mul3A_52, %add3A_75 : i32
      %dma_wait3A_77 = arith.constant 0 : i32
      %dma_wait3A_78 = tpu.memref_slice %arg6[%add3A_76, %dma_wait3A_77] : memref<80x128xi32, #tpu.memory_space<vmem>> -> memref<1x128xi32, #tpu.memory_space<vmem>>
      %dma_wait3A_79 = tpu.memref_squeeze %dma_wait3A_78 : memref<1x128xi32, #tpu.memory_space<vmem>> -> memref<128xi32, #tpu.memory_space<vmem>>
      %dma_wait3A_80 = arith.constant 0 : i32
      %dma_wait3A_81 = arith.constant 0 : i32
      %dma_wait3A_82 = tpu.memref_slice %arg2[%dma_wait3A_80, %dma_wait3A_81] : memref<10240x64xf32, #tpu.memory_space<hbm>> -> memref<10240x64xf32, #tpu.memory_space<hbm>>
      tpu.wait_indirect_dma semaphore(%arg12 : memref<!tpu.dma_semaphore, #tpu.memory_space<semaphore_mem>>) src(%dma_wait3A_82 : memref<10240x64xf32, #tpu.memory_space<hbm>>) dst(%arg9 : memref<128x64xf32, #tpu.memory_space<vmem>>)
      %add3A_83 = arith.constant 1 : i32
      %add3A_84 = arith.addi %mul3A_52, %add3A_83 : i32
      "tpu.region"() ({
        %run_scoped3A_85 = tpu.sem_alloc : memref<!tpu.dma_semaphore, #tpu.memory_space<semaphore_mem>>
        %dma_start3A_86 = arith.constant 0 : i32
        %dma_start3A_87 = tpu.memref_slice %arg7[%add3A_84, %dma_start3A_86] : memref<80x128xi32, #tpu.memory_space<vmem>> -> memref<1x128xi32, #tpu.memory_space<vmem>>
        %dma_start3A_88 = tpu.memref_squeeze %dma_start3A_87 : memref<1x128xi32, #tpu.memory_space<vmem>> -> memref<128xi32, #tpu.memory_space<vmem>>
        %dma_start3A_89 = arith.constant 0 : i32
        %dma_start3A_90 = arith.constant 0 : i32
        %dma_start3A_91 = tpu.memref_slice %arg10[%dma_start3A_89, %dma_start3A_90] : memref<10240x64xf32, #tpu.memory_space<vmem_shared>> -> memref<10240x64xf32, #tpu.memory_space<vmem_shared>>
        tpu.enqueue_indirect_dma source(%arg9 : memref<128x64xf32, #tpu.memory_space<vmem>>) target(%dma_start3A_91 : memref<10240x64xf32, #tpu.memory_space<vmem_shared>>) offsets(%dma_start3A_88 : memref<128xi32, #tpu.memory_space<vmem>>) semaphore(%run_scoped3A_85 : memref<!tpu.dma_semaphore, #tpu.memory_space<semaphore_mem>>) {add = true}
        %dma_wait3A_92 = arith.constant 0 : i32
        %dma_wait3A_93 = tpu.memref_slice %arg7[%add3A_84, %dma_wait3A_92] : memref<80x128xi32, #tpu.memory_space<vmem>> -> memref<1x128xi32, #tpu.memory_space<vmem>>
        %dma_wait3A_94 = tpu.memref_squeeze %dma_wait3A_93 : memref<1x128xi32, #tpu.memory_space<vmem>> -> memref<128xi32, #tpu.memory_space<vmem>>
        %dma_wait3A_95 = arith.constant 0 : i32
        %dma_wait3A_96 = arith.constant 0 : i32
        %dma_wait3A_97 = tpu.memref_slice %arg10[%dma_wait3A_95, %dma_wait3A_96] : memref<10240x64xf32, #tpu.memory_space<vmem_shared>> -> memref<10240x64xf32, #tpu.memory_space<vmem_shared>>
        tpu.wait_indirect_dma semaphore(%run_scoped3A_85 : memref<!tpu.dma_semaphore, #tpu.memory_space<semaphore_mem>>) src(%arg9 : memref<128x64xf32, #tpu.memory_space<vmem>>) dst(%dma_wait3A_97 : memref<10240x64xf32, #tpu.memory_space<vmem_shared>>)
        tpu.yield
      }) : () -> ()
    }
    %scan3A_27 = arith.constant 39 : i32
    %dma_start3A_28 = arith.constant 79 : i32
    %dma_start3A_29 = arith.constant 0 : i32
    %dma_start3A_30 = tpu.memref_slice %arg6[%dma_start3A_28, %dma_start3A_29] : memref<80x128xi32, #tpu.memory_space<vmem>> -> memref<1x128xi32, #tpu.memory_space<vmem>>
    %dma_start3A_31 = tpu.memref_squeeze %dma_start3A_30 : memref<1x128xi32, #tpu.memory_space<vmem>> -> memref<128xi32, #tpu.memory_space<vmem>>
    %dma_start3A_32 = arith.constant 0 : i32
    %dma_start3A_33 = arith.constant 0 : i32
    %dma_start3A_34 = tpu.memref_slice %arg2[%dma_start3A_32, %dma_start3A_33] : memref<10240x64xf32, #tpu.memory_space<hbm>> -> memref<10240x64xf32, #tpu.memory_space<hbm>>
    tpu.enqueue_indirect_dma source(%dma_start3A_34 : memref<10240x64xf32, #tpu.memory_space<hbm>>) target(%arg9 : memref<128x64xf32, #tpu.memory_space<vmem>>) offsets(%dma_start3A_31 : memref<128xi32, #tpu.memory_space<vmem>>) semaphore(%arg12 : memref<!tpu.dma_semaphore, #tpu.memory_space<semaphore_mem>>)
    %dma_wait3A = arith.constant 78 : i32
    %dma_wait3A_35 = arith.constant 0 : i32
    %dma_wait3A_36 = tpu.memref_slice %arg6[%dma_wait3A, %dma_wait3A_35] : memref<80x128xi32, #tpu.memory_space<vmem>> -> memref<1x128xi32, #tpu.memory_space<vmem>>
    %dma_wait3A_37 = tpu.memref_squeeze %dma_wait3A_36 : memref<1x128xi32, #tpu.memory_space<vmem>> -> memref<128xi32, #tpu.memory_space<vmem>>
    %dma_wait3A_38 = arith.constant 0 : i32
    %dma_wait3A_39 = arith.constant 0 : i32
    %dma_wait3A_40 = tpu.memref_slice %arg2[%dma_wait3A_38, %dma_wait3A_39] : memref<10240x64xf32, #tpu.memory_space<hbm>> -> memref<10240x64xf32, #tpu.memory_space<hbm>>
    tpu.wait_indirect_dma semaphore(%arg11 : memref<!tpu.dma_semaphore, #tpu.memory_space<semaphore_mem>>) src(%dma_wait3A_40 : memref<10240x64xf32, #tpu.memory_space<hbm>>) dst(%arg8 : memref<128x64xf32, #tpu.memory_space<vmem>>)
    %run_scoped3A = arith.constant 78 : i32
    "tpu.region"() ({
      %run_scoped3A_50 = tpu.sem_alloc : memref<!tpu.dma_semaphore, #tpu.memory_space<semaphore_mem>>
      %dma_start3A_51 = arith.constant 0 : i32
      %dma_start3A_52 = tpu.memref_slice %arg7[%run_scoped3A, %dma_start3A_51] : memref<80x128xi32, #tpu.memory_space<vmem>> -> memref<1x128xi32, #tpu.memory_space<vmem>>
      %dma_start3A_53 = tpu.memref_squeeze %dma_start3A_52 : memref<1x128xi32, #tpu.memory_space<vmem>> -> memref<128xi32, #tpu.memory_space<vmem>>
      %dma_start3A_54 = arith.constant 0 : i32
      %dma_start3A_55 = arith.constant 0 : i32
      %dma_start3A_56 = tpu.memref_slice %arg10[%dma_start3A_54, %dma_start3A_55] : memref<10240x64xf32, #tpu.memory_space<vmem_shared>> -> memref<10240x64xf32, #tpu.memory_space<vmem_shared>>
      tpu.enqueue_indirect_dma source(%arg8 : memref<128x64xf32, #tpu.memory_space<vmem>>) target(%dma_start3A_56 : memref<10240x64xf32, #tpu.memory_space<vmem_shared>>) offsets(%dma_start3A_53 : memref<128xi32, #tpu.memory_space<vmem>>) semaphore(%run_scoped3A_50 : memref<!tpu.dma_semaphore, #tpu.memory_space<semaphore_mem>>) {add = true}
      %dma_wait3A_57 = arith.constant 0 : i32
      %dma_wait3A_58 = tpu.memref_slice %arg7[%run_scoped3A, %dma_wait3A_57] : memref<80x128xi32, #tpu.memory_space<vmem>> -> memref<1x128xi32, #tpu.memory_space<vmem>>
      %dma_wait3A_59 = tpu.memref_squeeze %dma_wait3A_58 : memref<1x128xi32, #tpu.memory_space<vmem>> -> memref<128xi32, #tpu.memory_space<vmem>>
      %dma_wait3A_60 = arith.constant 0 : i32
      %dma_wait3A_61 = arith.constant 0 : i32
      %dma_wait3A_62 = tpu.memref_slice %arg10[%dma_wait3A_60, %dma_wait3A_61] : memref<10240x64xf32, #tpu.memory_space<vmem_shared>> -> memref<10240x64xf32, #tpu.memory_space<vmem_shared>>
      tpu.wait_indirect_dma semaphore(%run_scoped3A_50 : memref<!tpu.dma_semaphore, #tpu.memory_space<semaphore_mem>>) src(%arg8 : memref<128x64xf32, #tpu.memory_space<vmem>>) dst(%dma_wait3A_62 : memref<10240x64xf32, #tpu.memory_space<vmem_shared>>)
      tpu.yield
    }) : () -> ()
    %dma_wait3A_41 = arith.constant 79 : i32
    %dma_wait3A_42 = arith.constant 0 : i32
    %dma_wait3A_43 = tpu.memref_slice %arg6[%dma_wait3A_41, %dma_wait3A_42] : memref<80x128xi32, #tpu.memory_space<vmem>> -> memref<1x128xi32, #tpu.memory_space<vmem>>
    %dma_wait3A_44 = tpu.memref_squeeze %dma_wait3A_43 : memref<1x128xi32, #tpu.memory_space<vmem>> -> memref<128xi32, #tpu.memory_space<vmem>>
    %dma_wait3A_45 = arith.constant 0 : i32
    %dma_wait3A_46 = arith.constant 0 : i32
    %dma_wait3A_47 = tpu.memref_slice %arg2[%dma_wait3A_45, %dma_wait3A_46] : memref<10240x64xf32, #tpu.memory_space<hbm>> -> memref<10240x64xf32, #tpu.memory_space<hbm>>
    tpu.wait_indirect_dma semaphore(%arg12 : memref<!tpu.dma_semaphore, #tpu.memory_space<semaphore_mem>>) src(%dma_wait3A_47 : memref<10240x64xf32, #tpu.memory_space<hbm>>) dst(%arg9 : memref<128x64xf32, #tpu.memory_space<vmem>>)
    %run_scoped3A_48 = arith.constant 79 : i32
    "tpu.region"() ({
      %run_scoped3A_50 = tpu.sem_alloc : memref<!tpu.dma_semaphore, #tpu.memory_space<semaphore_mem>>
      %dma_start3A_51 = arith.constant 0 : i32
      %dma_start3A_52 = tpu.memref_slice %arg7[%run_scoped3A_48, %dma_start3A_51] : memref<80x128xi32, #tpu.memory_space<vmem>> -> memref<1x128xi32, #tpu.memory_space<vmem>>
      %dma_start3A_53 = tpu.memref_squeeze %dma_start3A_52 : memref<1x128xi32, #tpu.memory_space<vmem>> -> memref<128xi32, #tpu.memory_space<vmem>>
      %dma_start3A_54 = arith.constant 0 : i32
      %dma_start3A_55 = arith.constant 0 : i32
      %dma_start3A_56 = tpu.memref_slice %arg10[%dma_start3A_54, %dma_start3A_55] : memref<10240x64xf32, #tpu.memory_space<vmem_shared>> -> memref<10240x64xf32, #tpu.memory_space<vmem_shared>>
      tpu.enqueue_indirect_dma source(%arg9 : memref<128x64xf32, #tpu.memory_space<vmem>>) target(%dma_start3A_56 : memref<10240x64xf32, #tpu.memory_space<vmem_shared>>) offsets(%dma_start3A_53 : memref<128xi32, #tpu.memory_space<vmem>>) semaphore(%run_scoped3A_50 : memref<!tpu.dma_semaphore, #tpu.memory_space<semaphore_mem>>) {add = true}
      %dma_wait3A_57 = arith.constant 0 : i32
      %dma_wait3A_58 = tpu.memref_slice %arg7[%run_scoped3A_48, %dma_wait3A_57] : memref<80x128xi32, #tpu.memory_space<vmem>> -> memref<1x128xi32, #tpu.memory_space<vmem>>
      %dma_wait3A_59 = tpu.memref_squeeze %dma_wait3A_58 : memref<1x128xi32, #tpu.memory_space<vmem>> -> memref<128xi32, #tpu.memory_space<vmem>>
      %dma_wait3A_60 = arith.constant 0 : i32
      %dma_wait3A_61 = arith.constant 0 : i32
      %dma_wait3A_62 = tpu.memref_slice %arg10[%dma_wait3A_60, %dma_wait3A_61] : memref<10240x64xf32, #tpu.memory_space<vmem_shared>> -> memref<10240x64xf32, #tpu.memory_space<vmem_shared>>
      tpu.wait_indirect_dma semaphore(%run_scoped3A_50 : memref<!tpu.dma_semaphore, #tpu.memory_space<semaphore_mem>>) src(%arg9 : memref<128x64xf32, #tpu.memory_space<vmem>>) dst(%dma_wait3A_62 : memref<10240x64xf32, #tpu.memory_space<vmem_shared>>)
      tpu.yield
    }) : () -> ()
    %barrier3A_49 = arith.constant 0 : index
    tpu.barrier barrier_id(%barrier3A_49)
    "tpu.region"() ({
      %run_scoped3A_50 = tpu.sem_alloc : memref<!tpu.dma_semaphore, #tpu.memory_space<semaphore_mem>>
      %dma_start3A_51 = arith.constant 0 : i32
      %dma_start3A_52 = tpu.memref_slice %arg5[%arg0, %mul3A_2, %dma_start3A_51] : memref<2x10240x64xf32, #tpu.memory_space<hbm>> -> memref<1x640x64xf32, #tpu.memory_space<hbm>>
      %dma_start3A_53 = tpu.memref_squeeze %dma_start3A_52 : memref<1x640x64xf32, #tpu.memory_space<hbm>> -> memref<640x64xf32, #tpu.memory_space<hbm>>
      %dma_start3A_54 = arith.constant 0 : i32
      %dma_start3A_55 = tpu.memref_slice %arg10[%mul3A_2, %dma_start3A_54] : memref<10240x64xf32, #tpu.memory_space<vmem_shared>> -> memref<640x64xf32, #tpu.memory_space<vmem_shared>>
      tpu.enqueue_dma source(%dma_start3A_55 : memref<640x64xf32, #tpu.memory_space<vmem_shared>>) target(%dma_start3A_53 : memref<640x64xf32, #tpu.memory_space<hbm>>) target_semaphore(%run_scoped3A_50 : memref<!tpu.dma_semaphore, #tpu.memory_space<semaphore_mem>>)
      %dma_wait3A_56 = arith.constant 0 : i32
      %dma_wait3A_57 = tpu.memref_slice %arg5[%arg0, %mul3A_2, %dma_wait3A_56] : memref<2x10240x64xf32, #tpu.memory_space<hbm>> -> memref<1x640x64xf32, #tpu.memory_space<hbm>>
      %dma_wait3A_58 = tpu.memref_squeeze %dma_wait3A_57 : memref<1x640x64xf32, #tpu.memory_space<hbm>> -> memref<640x64xf32, #tpu.memory_space<hbm>>
      %dma_wait3A_59 = arith.constant 0 : i32
      %dma_wait3A_60 = tpu.memref_slice %arg10[%mul3A_2, %dma_wait3A_59] : memref<10240x64xf32, #tpu.memory_space<vmem_shared>> -> memref<640x64xf32, #tpu.memory_space<vmem_shared>>
      tpu.wait_dma2 semaphore(%run_scoped3A_50 : memref<!tpu.dma_semaphore, #tpu.memory_space<semaphore_mem>>) src(%dma_wait3A_60 : memref<640x64xf32, #tpu.memory_space<vmem_shared>>) dst(%dma_wait3A_58 : memref<640x64xf32, #tpu.memory_space<hbm>>)
      tpu.yield
    }) : () -> ()
    return
  }
}

#map = affine_map<(d0, d1) -> (0, 0)>
module attributes {stable_mosaic.version = 14 : i64} {
  func.func @k(%arg0: i32, %arg1: i32, %arg2: memref<2560x128xi32, #tpu.memory_space<hbm>>, %arg3: memref<2x10240xf32, #tpu.memory_space<hbm>>, %arg4: memref<80x128xi32, #tpu.memory_space<vmem>>, %arg5: memref<128xf32, #tpu.memory_space<vmem>>, %arg6: memref<640xf32, #tpu.memory_space<vmem>>, %arg7: memref<10240xf32, #tpu.memory_space<vmem_shared>>) attributes {dimension_semantics = [#tpu.dimension_semantics<core_parallel>, #tpu.dimension_semantics<subcore_parallel>], iteration_bounds = array<i64: 2, 16>, scalar_prefetch = 0 : i64, scratch_operands = 4 : i64, tpu.core_type = #tpu.core_type<sc_vector_subcore>, window_params = [{transform_indices = #map}, {transform_indices = #map}]} {
    %mul3A = arith.constant 16 : i32
    %mul3A_0 = arith.muli %arg0, %mul3A : i32
    %add3A = arith.addi %mul3A_0, %arg1 : i32
    %broadcast_in_dim3A = arith.constant 1.000000e+00 : f32
    %broadcast_in_dim3A_1 = vector.broadcast %broadcast_in_dim3A : f32 to vector<16xf32>
    %broadcast_in_dim3A_2 = arith.constant 0.000000e+00 : f32
    %broadcast_in_dim3A_3 = vector.broadcast %broadcast_in_dim3A_2 : f32 to vector<16xf32>
    %swap3A = arith.constant 0 : index
    %swap3A_4 = tpu.vector_load %arg5[%swap3A] {strides = array<i32>} : memref<128xf32, #tpu.memory_space<vmem>>, vector<16xf32>,
    %swap3A_5 = vector.shape_cast %swap3A_4 : vector<16xf32> to vector<16xf32>
    %swap3A_6 = vector.shape_cast %broadcast_in_dim3A_1 : vector<16xf32> to vector<16xf32>
    tpu.vector_store %arg5[%swap3A], %swap3A_6 {strides = array<i32>} : memref<128xf32, #tpu.memory_space<vmem>>, vector<16xf32>,
    %swap3A_7 = arith.constant 16 : index
    %swap3A_8 = tpu.vector_load %arg5[%swap3A_7] {strides = array<i32>} : memref<128xf32, #tpu.memory_space<vmem>>, vector<16xf32>,
    %swap3A_9 = vector.shape_cast %swap3A_8 : vector<16xf32> to vector<16xf32>
    %swap3A_10 = vector.shape_cast %broadcast_in_dim3A_1 : vector<16xf32> to vector<16xf32>
    tpu.vector_store %arg5[%swap3A_7], %swap3A_10 {strides = array<i32>} : memref<128xf32, #tpu.memory_space<vmem>>, vector<16xf32>,
    %swap3A_11 = arith.constant 32 : index
    %swap3A_12 = tpu.vector_load %arg5[%swap3A_11] {strides = array<i32>} : memref<128xf32, #tpu.memory_space<vmem>>, vector<16xf32>,
    %swap3A_13 = vector.shape_cast %swap3A_12 : vector<16xf32> to vector<16xf32>
    %swap3A_14 = vector.shape_cast %broadcast_in_dim3A_1 : vector<16xf32> to vector<16xf32>
    tpu.vector_store %arg5[%swap3A_11], %swap3A_14 {strides = array<i32>} : memref<128xf32, #tpu.memory_space<vmem>>, vector<16xf32>,
    %swap3A_15 = arith.constant 48 : index
    %swap3A_16 = tpu.vector_load %arg5[%swap3A_15] {strides = array<i32>} : memref<128xf32, #tpu.memory_space<vmem>>, vector<16xf32>,
    %swap3A_17 = vector.shape_cast %swap3A_16 : vector<16xf32> to vector<16xf32>
    %swap3A_18 = vector.shape_cast %broadcast_in_dim3A_1 : vector<16xf32> to vector<16xf32>
    tpu.vector_store %arg5[%swap3A_15], %swap3A_18 {strides = array<i32>} : memref<128xf32, #tpu.memory_space<vmem>>, vector<16xf32>,
    %swap3A_19 = arith.constant 64 : index
    %swap3A_20 = tpu.vector_load %arg5[%swap3A_19] {strides = array<i32>} : memref<128xf32, #tpu.memory_space<vmem>>, vector<16xf32>,
    %swap3A_21 = vector.shape_cast %swap3A_20 : vector<16xf32> to vector<16xf32>
    %swap3A_22 = vector.shape_cast %broadcast_in_dim3A_1 : vector<16xf32> to vector<16xf32>
    tpu.vector_store %arg5[%swap3A_19], %swap3A_22 {strides = array<i32>} : memref<128xf32, #tpu.memory_space<vmem>>, vector<16xf32>,
    %swap3A_23 = arith.constant 80 : index
    %swap3A_24 = tpu.vector_load %arg5[%swap3A_23] {strides = array<i32>} : memref<128xf32, #tpu.memory_space<vmem>>, vector<16xf32>,
    %swap3A_25 = vector.shape_cast %swap3A_24 : vector<16xf32> to vector<16xf32>
    %swap3A_26 = vector.shape_cast %broadcast_in_dim3A_1 : vector<16xf32> to vector<16xf32>
    tpu.vector_store %arg5[%swap3A_23], %swap3A_26 {strides = array<i32>} : memref<128xf32, #tpu.memory_space<vmem>>, vector<16xf32>,
    %swap3A_27 = arith.constant 96 : index
    %swap3A_28 = tpu.vector_load %arg5[%swap3A_27] {strides = array<i32>} : memref<128xf32, #tpu.memory_space<vmem>>, vector<16xf32>,
    %swap3A_29 = vector.shape_cast %swap3A_28 : vector<16xf32> to vector<16xf32>
    %swap3A_30 = vector.shape_cast %broadcast_in_dim3A_1 : vector<16xf32> to vector<16xf32>
    tpu.vector_store %arg5[%swap3A_27], %swap3A_30 {strides = array<i32>} : memref<128xf32, #tpu.memory_space<vmem>>, vector<16xf32>,
    %swap3A_31 = arith.constant 112 : index
    %swap3A_32 = tpu.vector_load %arg5[%swap3A_31] {strides = array<i32>} : memref<128xf32, #tpu.memory_space<vmem>>, vector<16xf32>,
    %swap3A_33 = vector.shape_cast %swap3A_32 : vector<16xf32> to vector<16xf32>
    %swap3A_34 = vector.shape_cast %broadcast_in_dim3A_1 : vector<16xf32> to vector<16xf32>
    tpu.vector_store %arg5[%swap3A_31], %swap3A_34 {strides = array<i32>} : memref<128xf32, #tpu.memory_space<vmem>>, vector<16xf32>,
    %swap3A_35 = arith.constant 0 : index
    %swap3A_36 = tpu.vector_load %arg6[%swap3A_35] {strides = array<i32>} : memref<640xf32, #tpu.memory_space<vmem>>, vector<16xf32>,
    %swap3A_37 = vector.shape_cast %swap3A_36 : vector<16xf32> to vector<16xf32>
    %swap3A_38 = vector.shape_cast %broadcast_in_dim3A_3 : vector<16xf32> to vector<16xf32>
    tpu.vector_store %arg6[%swap3A_35], %swap3A_38 {strides = array<i32>} : memref<640xf32, #tpu.memory_space<vmem>>, vector<16xf32>,
    %swap3A_39 = arith.constant 16 : index
    %swap3A_40 = tpu.vector_load %arg6[%swap3A_39] {strides = array<i32>} : memref<640xf32, #tpu.memory_space<vmem>>, vector<16xf32>,
    %swap3A_41 = vector.shape_cast %swap3A_40 : vector<16xf32> to vector<16xf32>
    %swap3A_42 = vector.shape_cast %broadcast_in_dim3A_3 : vector<16xf32> to vector<16xf32>
    tpu.vector_store %arg6[%swap3A_39], %swap3A_42 {strides = array<i32>} : memref<640xf32, #tpu.memory_space<vmem>>, vector<16xf32>,
    %swap3A_43 = arith.constant 32 : index
    %swap3A_44 = tpu.vector_load %arg6[%swap3A_43] {strides = array<i32>} : memref<640xf32, #tpu.memory_space<vmem>>, vector<16xf32>,
    %swap3A_45 = vector.shape_cast %swap3A_44 : vector<16xf32> to vector<16xf32>
    %swap3A_46 = vector.shape_cast %broadcast_in_dim3A_3 : vector<16xf32> to vector<16xf32>
    tpu.vector_store %arg6[%swap3A_43], %swap3A_46 {strides = array<i32>} : memref<640xf32, #tpu.memory_space<vmem>>, vector<16xf32>,
    %swap3A_47 = arith.constant 48 : index
    %swap3A_48 = tpu.vector_load %arg6[%swap3A_47] {strides = array<i32>} : memref<640xf32, #tpu.memory_space<vmem>>, vector<16xf32>,
    %swap3A_49 = vector.shape_cast %swap3A_48 : vector<16xf32> to vector<16xf32>
    %swap3A_50 = vector.shape_cast %broadcast_in_dim3A_3 : vector<16xf32> to vector<16xf32>
    tpu.vector_store %arg6[%swap3A_47], %swap3A_50 {strides = array<i32>} : memref<640xf32, #tpu.memory_space<vmem>>, vector<16xf32>,
    %swap3A_51 = arith.constant 64 : index
    %swap3A_52 = tpu.vector_load %arg6[%swap3A_51] {strides = array<i32>} : memref<640xf32, #tpu.memory_space<vmem>>, vector<16xf32>,
    %swap3A_53 = vector.shape_cast %swap3A_52 : vector<16xf32> to vector<16xf32>
    %swap3A_54 = vector.shape_cast %broadcast_in_dim3A_3 : vector<16xf32> to vector<16xf32>
    tpu.vector_store %arg6[%swap3A_51], %swap3A_54 {strides = array<i32>} : memref<640xf32, #tpu.memory_space<vmem>>, vector<16xf32>,
    %swap3A_55 = arith.constant 80 : index
    %swap3A_56 = tpu.vector_load %arg6[%swap3A_55] {strides = array<i32>} : memref<640xf32, #tpu.memory_space<vmem>>, vector<16xf32>,
    %swap3A_57 = vector.shape_cast %swap3A_56 : vector<16xf32> to vector<16xf32>
    %swap3A_58 = vector.shape_cast %broadcast_in_dim3A_3 : vector<16xf32> to vector<16xf32>
    tpu.vector_store %arg6[%swap3A_55], %swap3A_58 {strides = array<i32>} : memref<640xf32, #tpu.memory_space<vmem>>, vector<16xf32>,
    %swap3A_59 = arith.constant 96 : index
    %swap3A_60 = tpu.vector_load %arg6[%swap3A_59] {strides = array<i32>} : memref<640xf32, #tpu.memory_space<vmem>>, vector<16xf32>,
    %swap3A_61 = vector.shape_cast %swap3A_60 : vector<16xf32> to vector<16xf32>
    %swap3A_62 = vector.shape_cast %broadcast_in_dim3A_3 : vector<16xf32> to vector<16xf32>
    tpu.vector_store %arg6[%swap3A_59], %swap3A_62 {strides = array<i32>} : memref<640xf32, #tpu.memory_space<vmem>>, vector<16xf32>,
    %swap3A_63 = arith.constant 112 : index
    %swap3A_64 = tpu.vector_load %arg6[%swap3A_63] {strides = array<i32>} : memref<640xf32, #tpu.memory_space<vmem>>, vector<16xf32>,
    %swap3A_65 = vector.shape_cast %swap3A_64 : vector<16xf32> to vector<16xf32>
    %swap3A_66 = vector.shape_cast %broadcast_in_dim3A_3 : vector<16xf32> to vector<16xf32>
    tpu.vector_store %arg6[%swap3A_63], %swap3A_66 {strides = array<i32>} : memref<640xf32, #tpu.memory_space<vmem>>, vector<16xf32>,
    %swap3A_67 = arith.constant 128 : index
    %swap3A_68 = tpu.vector_load %arg6[%swap3A_67] {strides = array<i32>} : memref<640xf32, #tpu.memory_space<vmem>>, vector<16xf32>,
    %swap3A_69 = vector.shape_cast %swap3A_68 : vector<16xf32> to vector<16xf32>
    %swap3A_70 = vector.shape_cast %broadcast_in_dim3A_3 : vector<16xf32> to vector<16xf32>
    tpu.vector_store %arg6[%swap3A_67], %swap3A_70 {strides = array<i32>} : memref<640xf32, #tpu.memory_space<vmem>>, vector<16xf32>,
    %swap3A_71 = arith.constant 144 : index
    %swap3A_72 = tpu.vector_load %arg6[%swap3A_71] {strides = array<i32>} : memref<640xf32, #tpu.memory_space<vmem>>, vector<16xf32>,
    %swap3A_73 = vector.shape_cast %swap3A_72 : vector<16xf32> to vector<16xf32>
    %swap3A_74 = vector.shape_cast %broadcast_in_dim3A_3 : vector<16xf32> to vector<16xf32>
    tpu.vector_store %arg6[%swap3A_71], %swap3A_74 {strides = array<i32>} : memref<640xf32, #tpu.memory_space<vmem>>, vector<16xf32>,
    %swap3A_75 = arith.constant 160 : index
    %swap3A_76 = tpu.vector_load %arg6[%swap3A_75] {strides = array<i32>} : memref<640xf32, #tpu.memory_space<vmem>>, vector<16xf32>,
    %swap3A_77 = vector.shape_cast %swap3A_76 : vector<16xf32> to vector<16xf32>
    %swap3A_78 = vector.shape_cast %broadcast_in_dim3A_3 : vector<16xf32> to vector<16xf32>
    tpu.vector_store %arg6[%swap3A_75], %swap3A_78 {strides = array<i32>} : memref<640xf32, #tpu.memory_space<vmem>>, vector<16xf32>,
    %swap3A_79 = arith.constant 176 : index
    %swap3A_80 = tpu.vector_load %arg6[%swap3A_79] {strides = array<i32>} : memref<640xf32, #tpu.memory_space<vmem>>, vector<16xf32>,
    %swap3A_81 = vector.shape_cast %swap3A_80 : vector<16xf32> to vector<16xf32>
    %swap3A_82 = vector.shape_cast %broadcast_in_dim3A_3 : vector<16xf32> to vector<16xf32>
    tpu.vector_store %arg6[%swap3A_79], %swap3A_82 {strides = array<i32>} : memref<640xf32, #tpu.memory_space<vmem>>, vector<16xf32>,
    %swap3A_83 = arith.constant 192 : index
    %swap3A_84 = tpu.vector_load %arg6[%swap3A_83] {strides = array<i32>} : memref<640xf32, #tpu.memory_space<vmem>>, vector<16xf32>,
    %swap3A_85 = vector.shape_cast %swap3A_84 : vector<16xf32> to vector<16xf32>
    %swap3A_86 = vector.shape_cast %broadcast_in_dim3A_3 : vector<16xf32> to vector<16xf32>
    tpu.vector_store %arg6[%swap3A_83], %swap3A_86 {strides = array<i32>} : memref<640xf32, #tpu.memory_space<vmem>>, vector<16xf32>,
    %swap3A_87 = arith.constant 208 : index
    %swap3A_88 = tpu.vector_load %arg6[%swap3A_87] {strides = array<i32>} : memref<640xf32, #tpu.memory_space<vmem>>, vector<16xf32>,
    %swap3A_89 = vector.shape_cast %swap3A_88 : vector<16xf32> to vector<16xf32>
    %swap3A_90 = vector.shape_cast %broadcast_in_dim3A_3 : vector<16xf32> to vector<16xf32>
    tpu.vector_store %arg6[%swap3A_87], %swap3A_90 {strides = array<i32>} : memref<640xf32, #tpu.memory_space<vmem>>, vector<16xf32>,
    %swap3A_91 = arith.constant 224 : index
    %swap3A_92 = tpu.vector_load %arg6[%swap3A_91] {strides = array<i32>} : memref<640xf32, #tpu.memory_space<vmem>>, vector<16xf32>,
    %swap3A_93 = vector.shape_cast %swap3A_92 : vector<16xf32> to vector<16xf32>
    %swap3A_94 = vector.shape_cast %broadcast_in_dim3A_3 : vector<16xf32> to vector<16xf32>
    tpu.vector_store %arg6[%swap3A_91], %swap3A_94 {strides = array<i32>} : memref<640xf32, #tpu.memory_space<vmem>>, vector<16xf32>,
    %swap3A_95 = arith.constant 240 : index
    %swap3A_96 = tpu.vector_load %arg6[%swap3A_95] {strides = array<i32>} : memref<640xf32, #tpu.memory_space<vmem>>, vector<16xf32>,
    %swap3A_97 = vector.shape_cast %swap3A_96 : vector<16xf32> to vector<16xf32>
    %swap3A_98 = vector.shape_cast %broadcast_in_dim3A_3 : vector<16xf32> to vector<16xf32>
    tpu.vector_store %arg6[%swap3A_95], %swap3A_98 {strides = array<i32>} : memref<640xf32, #tpu.memory_space<vmem>>, vector<16xf32>,
    %swap3A_99 = arith.constant 256 : index
    %swap3A_100 = tpu.vector_load %arg6[%swap3A_99] {strides = array<i32>} : memref<640xf32, #tpu.memory_space<vmem>>, vector<16xf32>,
    %swap3A_101 = vector.shape_cast %swap3A_100 : vector<16xf32> to vector<16xf32>
    %swap3A_102 = vector.shape_cast %broadcast_in_dim3A_3 : vector<16xf32> to vector<16xf32>
    tpu.vector_store %arg6[%swap3A_99], %swap3A_102 {strides = array<i32>} : memref<640xf32, #tpu.memory_space<vmem>>, vector<16xf32>,
    %swap3A_103 = arith.constant 272 : index
    %swap3A_104 = tpu.vector_load %arg6[%swap3A_103] {strides = array<i32>} : memref<640xf32, #tpu.memory_space<vmem>>, vector<16xf32>,
    %swap3A_105 = vector.shape_cast %swap3A_104 : vector<16xf32> to vector<16xf32>
    %swap3A_106 = vector.shape_cast %broadcast_in_dim3A_3 : vector<16xf32> to vector<16xf32>
    tpu.vector_store %arg6[%swap3A_103], %swap3A_106 {strides = array<i32>} : memref<640xf32, #tpu.memory_space<vmem>>, vector<16xf32>,
    %swap3A_107 = arith.constant 288 : index
    %swap3A_108 = tpu.vector_load %arg6[%swap3A_107] {strides = array<i32>} : memref<640xf32, #tpu.memory_space<vmem>>, vector<16xf32>,
    %swap3A_109 = vector.shape_cast %swap3A_108 : vector<16xf32> to vector<16xf32>
    %swap3A_110 = vector.shape_cast %broadcast_in_dim3A_3 : vector<16xf32> to vector<16xf32>
    tpu.vector_store %arg6[%swap3A_107], %swap3A_110 {strides = array<i32>} : memref<640xf32, #tpu.memory_space<vmem>>, vector<16xf32>,
    %swap3A_111 = arith.constant 304 : index
    %swap3A_112 = tpu.vector_load %arg6[%swap3A_111] {strides = array<i32>} : memref<640xf32, #tpu.memory_space<vmem>>, vector<16xf32>,
    %swap3A_113 = vector.shape_cast %swap3A_112 : vector<16xf32> to vector<16xf32>
    %swap3A_114 = vector.shape_cast %broadcast_in_dim3A_3 : vector<16xf32> to vector<16xf32>
    tpu.vector_store %arg6[%swap3A_111], %swap3A_114 {strides = array<i32>} : memref<640xf32, #tpu.memory_space<vmem>>, vector<16xf32>,
    %swap3A_115 = arith.constant 320 : index
    %swap3A_116 = tpu.vector_load %arg6[%swap3A_115] {strides = array<i32>} : memref<640xf32, #tpu.memory_space<vmem>>, vector<16xf32>,
    %swap3A_117 = vector.shape_cast %swap3A_116 : vector<16xf32> to vector<16xf32>
    %swap3A_118 = vector.shape_cast %broadcast_in_dim3A_3 : vector<16xf32> to vector<16xf32>
    tpu.vector_store %arg6[%swap3A_115], %swap3A_118 {strides = array<i32>} : memref<640xf32, #tpu.memory_space<vmem>>, vector<16xf32>,
    %swap3A_119 = arith.constant 336 : index
    %swap3A_120 = tpu.vector_load %arg6[%swap3A_119] {strides = array<i32>} : memref<640xf32, #tpu.memory_space<vmem>>, vector<16xf32>,
    %swap3A_121 = vector.shape_cast %swap3A_120 : vector<16xf32> to vector<16xf32>
    %swap3A_122 = vector.shape_cast %broadcast_in_dim3A_3 : vector<16xf32> to vector<16xf32>
    tpu.vector_store %arg6[%swap3A_119], %swap3A_122 {strides = array<i32>} : memref<640xf32, #tpu.memory_space<vmem>>, vector<16xf32>,
    %swap3A_123 = arith.constant 352 : index
    %swap3A_124 = tpu.vector_load %arg6[%swap3A_123] {strides = array<i32>} : memref<640xf32, #tpu.memory_space<vmem>>, vector<16xf32>,
    %swap3A_125 = vector.shape_cast %swap3A_124 : vector<16xf32> to vector<16xf32>
    %swap3A_126 = vector.shape_cast %broadcast_in_dim3A_3 : vector<16xf32> to vector<16xf32>
    tpu.vector_store %arg6[%swap3A_123], %swap3A_126 {strides = array<i32>} : memref<640xf32, #tpu.memory_space<vmem>>, vector<16xf32>,
    %swap3A_127 = arith.constant 368 : index
    %swap3A_128 = tpu.vector_load %arg6[%swap3A_127] {strides = array<i32>} : memref<640xf32, #tpu.memory_space<vmem>>, vector<16xf32>,
    %swap3A_129 = vector.shape_cast %swap3A_128 : vector<16xf32> to vector<16xf32>
    %swap3A_130 = vector.shape_cast %broadcast_in_dim3A_3 : vector<16xf32> to vector<16xf32>
    tpu.vector_store %arg6[%swap3A_127], %swap3A_130 {strides = array<i32>} : memref<640xf32, #tpu.memory_space<vmem>>, vector<16xf32>,
    %swap3A_131 = arith.constant 384 : index
    %swap3A_132 = tpu.vector_load %arg6[%swap3A_131] {strides = array<i32>} : memref<640xf32, #tpu.memory_space<vmem>>, vector<16xf32>,
    %swap3A_133 = vector.shape_cast %swap3A_132 : vector<16xf32> to vector<16xf32>
    %swap3A_134 = vector.shape_cast %broadcast_in_dim3A_3 : vector<16xf32> to vector<16xf32>
    tpu.vector_store %arg6[%swap3A_131], %swap3A_134 {strides = array<i32>} : memref<640xf32, #tpu.memory_space<vmem>>, vector<16xf32>,
    %swap3A_135 = arith.constant 400 : index
    %swap3A_136 = tpu.vector_load %arg6[%swap3A_135] {strides = array<i32>} : memref<640xf32, #tpu.memory_space<vmem>>, vector<16xf32>,
    %swap3A_137 = vector.shape_cast %swap3A_136 : vector<16xf32> to vector<16xf32>
    %swap3A_138 = vector.shape_cast %broadcast_in_dim3A_3 : vector<16xf32> to vector<16xf32>
    tpu.vector_store %arg6[%swap3A_135], %swap3A_138 {strides = array<i32>} : memref<640xf32, #tpu.memory_space<vmem>>, vector<16xf32>,
    %swap3A_139 = arith.constant 416 : index
    %swap3A_140 = tpu.vector_load %arg6[%swap3A_139] {strides = array<i32>} : memref<640xf32, #tpu.memory_space<vmem>>, vector<16xf32>,
    %swap3A_141 = vector.shape_cast %swap3A_140 : vector<16xf32> to vector<16xf32>
    %swap3A_142 = vector.shape_cast %broadcast_in_dim3A_3 : vector<16xf32> to vector<16xf32>
    tpu.vector_store %arg6[%swap3A_139], %swap3A_142 {strides = array<i32>} : memref<640xf32, #tpu.memory_space<vmem>>, vector<16xf32>,
    %swap3A_143 = arith.constant 432 : index
    %swap3A_144 = tpu.vector_load %arg6[%swap3A_143] {strides = array<i32>} : memref<640xf32, #tpu.memory_space<vmem>>, vector<16xf32>,
    %swap3A_145 = vector.shape_cast %swap3A_144 : vector<16xf32> to vector<16xf32>
    %swap3A_146 = vector.shape_cast %broadcast_in_dim3A_3 : vector<16xf32> to vector<16xf32>
    tpu.vector_store %arg6[%swap3A_143], %swap3A_146 {strides = array<i32>} : memref<640xf32, #tpu.memory_space<vmem>>, vector<16xf32>,
    %swap3A_147 = arith.constant 448 : index
    %swap3A_148 = tpu.vector_load %arg6[%swap3A_147] {strides = array<i32>} : memref<640xf32, #tpu.memory_space<vmem>>, vector<16xf32>,
    %swap3A_149 = vector.shape_cast %swap3A_148 : vector<16xf32> to vector<16xf32>
    %swap3A_150 = vector.shape_cast %broadcast_in_dim3A_3 : vector<16xf32> to vector<16xf32>
    tpu.vector_store %arg6[%swap3A_147], %swap3A_150 {strides = array<i32>} : memref<640xf32, #tpu.memory_space<vmem>>, vector<16xf32>,
    %swap3A_151 = arith.constant 464 : index
    %swap3A_152 = tpu.vector_load %arg6[%swap3A_151] {strides = array<i32>} : memref<640xf32, #tpu.memory_space<vmem>>, vector<16xf32>,
    %swap3A_153 = vector.shape_cast %swap3A_152 : vector<16xf32> to vector<16xf32>
    %swap3A_154 = vector.shape_cast %broadcast_in_dim3A_3 : vector<16xf32> to vector<16xf32>
    tpu.vector_store %arg6[%swap3A_151], %swap3A_154 {strides = array<i32>} : memref<640xf32, #tpu.memory_space<vmem>>, vector<16xf32>,
    %swap3A_155 = arith.constant 480 : index
    %swap3A_156 = tpu.vector_load %arg6[%swap3A_155] {strides = array<i32>} : memref<640xf32, #tpu.memory_space<vmem>>, vector<16xf32>,
    %swap3A_157 = vector.shape_cast %swap3A_156 : vector<16xf32> to vector<16xf32>
    %swap3A_158 = vector.shape_cast %broadcast_in_dim3A_3 : vector<16xf32> to vector<16xf32>
    tpu.vector_store %arg6[%swap3A_155], %swap3A_158 {strides = array<i32>} : memref<640xf32, #tpu.memory_space<vmem>>, vector<16xf32>,
    %swap3A_159 = arith.constant 496 : index
    %swap3A_160 = tpu.vector_load %arg6[%swap3A_159] {strides = array<i32>} : memref<640xf32, #tpu.memory_space<vmem>>, vector<16xf32>,
    %swap3A_161 = vector.shape_cast %swap3A_160 : vector<16xf32> to vector<16xf32>
    %swap3A_162 = vector.shape_cast %broadcast_in_dim3A_3 : vector<16xf32> to vector<16xf32>
    tpu.vector_store %arg6[%swap3A_159], %swap3A_162 {strides = array<i32>} : memref<640xf32, #tpu.memory_space<vmem>>, vector<16xf32>,
    %swap3A_163 = arith.constant 512 : index
    %swap3A_164 = tpu.vector_load %arg6[%swap3A_163] {strides = array<i32>} : memref<640xf32, #tpu.memory_space<vmem>>, vector<16xf32>,
    %swap3A_165 = vector.shape_cast %swap3A_164 : vector<16xf32> to vector<16xf32>
    %swap3A_166 = vector.shape_cast %broadcast_in_dim3A_3 : vector<16xf32> to vector<16xf32>
    tpu.vector_store %arg6[%swap3A_163], %swap3A_166 {strides = array<i32>} : memref<640xf32, #tpu.memory_space<vmem>>, vector<16xf32>,
    %swap3A_167 = arith.constant 528 : index
    %swap3A_168 = tpu.vector_load %arg6[%swap3A_167] {strides = array<i32>} : memref<640xf32, #tpu.memory_space<vmem>>, vector<16xf32>,
    %swap3A_169 = vector.shape_cast %swap3A_168 : vector<16xf32> to vector<16xf32>
    %swap3A_170 = vector.shape_cast %broadcast_in_dim3A_3 : vector<16xf32> to vector<16xf32>
    tpu.vector_store %arg6[%swap3A_167], %swap3A_170 {strides = array<i32>} : memref<640xf32, #tpu.memory_space<vmem>>, vector<16xf32>,
    %swap3A_171 = arith.constant 544 : index
    %swap3A_172 = tpu.vector_load %arg6[%swap3A_171] {strides = array<i32>} : memref<640xf32, #tpu.memory_space<vmem>>, vector<16xf32>,
    %swap3A_173 = vector.shape_cast %swap3A_172 : vector<16xf32> to vector<16xf32>
    %swap3A_174 = vector.shape_cast %broadcast_in_dim3A_3 : vector<16xf32> to vector<16xf32>
    tpu.vector_store %arg6[%swap3A_171], %swap3A_174 {strides = array<i32>} : memref<640xf32, #tpu.memory_space<vmem>>, vector<16xf32>,
    %swap3A_175 = arith.constant 560 : index
    %swap3A_176 = tpu.vector_load %arg6[%swap3A_175] {strides = array<i32>} : memref<640xf32, #tpu.memory_space<vmem>>, vector<16xf32>,
    %swap3A_177 = vector.shape_cast %swap3A_176 : vector<16xf32> to vector<16xf32>
    %swap3A_178 = vector.shape_cast %broadcast_in_dim3A_3 : vector<16xf32> to vector<16xf32>
    tpu.vector_store %arg6[%swap3A_175], %swap3A_178 {strides = array<i32>} : memref<640xf32, #tpu.memory_space<vmem>>, vector<16xf32>,
    %swap3A_179 = arith.constant 576 : index
    %swap3A_180 = tpu.vector_load %arg6[%swap3A_179] {strides = array<i32>} : memref<640xf32, #tpu.memory_space<vmem>>, vector<16xf32>,
    %swap3A_181 = vector.shape_cast %swap3A_180 : vector<16xf32> to vector<16xf32>
    %swap3A_182 = vector.shape_cast %broadcast_in_dim3A_3 : vector<16xf32> to vector<16xf32>
    tpu.vector_store %arg6[%swap3A_179], %swap3A_182 {strides = array<i32>} : memref<640xf32, #tpu.memory_space<vmem>>, vector<16xf32>,
    %swap3A_183 = arith.constant 592 : index
    %swap3A_184 = tpu.vector_load %arg6[%swap3A_183] {strides = array<i32>} : memref<640xf32, #tpu.memory_space<vmem>>, vector<16xf32>,
    %swap3A_185 = vector.shape_cast %swap3A_184 : vector<16xf32> to vector<16xf32>
    %swap3A_186 = vector.shape_cast %broadcast_in_dim3A_3 : vector<16xf32> to vector<16xf32>
    tpu.vector_store %arg6[%swap3A_183], %swap3A_186 {strides = array<i32>} : memref<640xf32, #tpu.memory_space<vmem>>, vector<16xf32>,
    %swap3A_187 = arith.constant 608 : index
    %swap3A_188 = tpu.vector_load %arg6[%swap3A_187] {strides = array<i32>} : memref<640xf32, #tpu.memory_space<vmem>>, vector<16xf32>,
    %swap3A_189 = vector.shape_cast %swap3A_188 : vector<16xf32> to vector<16xf32>
    %swap3A_190 = vector.shape_cast %broadcast_in_dim3A_3 : vector<16xf32> to vector<16xf32>
    tpu.vector_store %arg6[%swap3A_187], %swap3A_190 {strides = array<i32>} : memref<640xf32, #tpu.memory_space<vmem>>, vector<16xf32>,
    %swap3A_191 = arith.constant 624 : index
    %swap3A_192 = tpu.vector_load %arg6[%swap3A_191] {strides = array<i32>} : memref<640xf32, #tpu.memory_space<vmem>>, vector<16xf32>,
    %swap3A_193 = vector.shape_cast %swap3A_192 : vector<16xf32> to vector<16xf32>
    %swap3A_194 = vector.shape_cast %broadcast_in_dim3A_3 : vector<16xf32> to vector<16xf32>
    tpu.vector_store %arg6[%swap3A_191], %swap3A_194 {strides = array<i32>} : memref<640xf32, #tpu.memory_space<vmem>>, vector<16xf32>,
    %mul3A_195 = arith.constant 640 : i32
    %mul3A_196 = arith.muli %arg1, %mul3A_195 : i32
    "tpu.region"() ({
      %run_scoped3A = tpu.sem_alloc : memref<!tpu.dma_semaphore, #tpu.memory_space<semaphore_mem>>
      %dma_start3A = tpu.memref_slice %arg7[%mul3A_196] : memref<10240xf32, #tpu.memory_space<vmem_shared>> -> memref<640xf32, #tpu.memory_space<vmem_shared>>
      %dma_start3A_209 = tpu.memref_slice %arg7[%mul3A_196] : memref<10240xf32, #tpu.memory_space<vmem_shared>> -> memref<640xf32, #tpu.memory_space<vmem_shared>>
      tpu.enqueue_dma source(%arg6 : memref<640xf32, #tpu.memory_space<vmem>>) target(%dma_start3A_209 : memref<640xf32, #tpu.memory_space<vmem_shared>>) target_semaphore(%run_scoped3A : memref<!tpu.dma_semaphore, #tpu.memory_space<semaphore_mem>>)
      %dma_wait3A = tpu.memref_slice %arg7[%mul3A_196] : memref<10240xf32, #tpu.memory_space<vmem_shared>> -> memref<640xf32, #tpu.memory_space<vmem_shared>>
      %dma_wait3A_210 = tpu.memref_slice %arg7[%mul3A_196] : memref<10240xf32, #tpu.memory_space<vmem_shared>> -> memref<640xf32, #tpu.memory_space<vmem_shared>>
      tpu.wait_dma2 semaphore(%run_scoped3A : memref<!tpu.dma_semaphore, #tpu.memory_space<semaphore_mem>>) src(%arg6 : memref<640xf32, #tpu.memory_space<vmem>>) dst(%dma_wait3A_210 : memref<640xf32, #tpu.memory_space<vmem_shared>>)
      tpu.yield
    }) : () -> ()
    %mul3A_197 = arith.constant 80 : i32
    %mul3A_198 = arith.muli %add3A, %mul3A_197 : i32
    "tpu.region"() ({
      %run_scoped3A = tpu.sem_alloc : memref<!tpu.dma_semaphore, #tpu.memory_space<semaphore_mem>>
      %dma_start3A = arith.constant 0 : i32
      %dma_start3A_209 = tpu.memref_slice %arg2[%mul3A_198, %dma_start3A] : memref<2560x128xi32, #tpu.memory_space<hbm>> -> memref<80x128xi32, #tpu.memory_space<hbm>>
      %dma_start3A_210 = arith.constant 0 : i32
      %dma_start3A_211 = tpu.memref_slice %arg2[%mul3A_198, %dma_start3A_210] : memref<2560x128xi32, #tpu.memory_space<hbm>> -> memref<80x128xi32, #tpu.memory_space<hbm>>
      tpu.enqueue_dma source(%dma_start3A_211 : memref<80x128xi32, #tpu.memory_space<hbm>>) target(%arg4 : memref<80x128xi32, #tpu.memory_space<vmem>>) target_semaphore(%run_scoped3A : memref<!tpu.dma_semaphore, #tpu.memory_space<semaphore_mem>>)
      %dma_wait3A = arith.constant 0 : i32
      %dma_wait3A_212 = tpu.memref_slice %arg2[%mul3A_198, %dma_wait3A] : memref<2560x128xi32, #tpu.memory_space<hbm>> -> memref<80x128xi32, #tpu.memory_space<hbm>>
      %dma_wait3A_213 = arith.constant 0 : i32
      %dma_wait3A_214 = tpu.memref_slice %arg2[%mul3A_198, %dma_wait3A_213] : memref<2560x128xi32, #tpu.memory_space<hbm>> -> memref<80x128xi32, #tpu.memory_space<hbm>>
      tpu.wait_dma2 semaphore(%run_scoped3A : memref<!tpu.dma_semaphore, #tpu.memory_space<semaphore_mem>>) src(%dma_wait3A_214 : memref<80x128xi32, #tpu.memory_space<hbm>>) dst(%arg4 : memref<80x128xi32, #tpu.memory_space<vmem>>)
      tpu.yield
    }) : () -> ()
    %barrier3A = arith.constant 0 : index
    tpu.barrier barrier_id(%barrier3A)
    %scan3A = arith.constant 0 : i32
    %scan3A_199 = arith.constant 0 : i32
    %scan3A_200 = arith.constant 80 : i32
    %scan3A_201 = arith.addi %scan3A_199, %scan3A_200 : i32
    %scan3A_202 = arith.constant 1 : i32
    scf.for %scan3A_209 = %scan3A_199 to %scan3A_201 step %scan3A_202  : i32 {
      "tpu.region"() ({
        %run_scoped3A = tpu.sem_alloc : memref<!tpu.dma_semaphore, #tpu.memory_space<semaphore_mem>>
        %dma_start3A = arith.constant 0 : i32
        %dma_start3A_210 = tpu.memref_slice %arg4[%scan3A_209, %dma_start3A] : memref<80x128xi32, #tpu.memory_space<vmem>> -> memref<1x128xi32, #tpu.memory_space<vmem>>
        %dma_start3A_211 = tpu.memref_squeeze %dma_start3A_210 : memref<1x128xi32, #tpu.memory_space<vmem>> -> memref<128xi32, #tpu.memory_space<vmem>>
        %dma_start3A_212 = arith.constant 0 : i32
        %dma_start3A_213 = tpu.memref_slice %arg7[%dma_start3A_212] : memref<10240xf32, #tpu.memory_space<vmem_shared>> -> memref<10240xf32, #tpu.memory_space<vmem_shared>>
        tpu.enqueue_indirect_dma source(%arg5 : memref<128xf32, #tpu.memory_space<vmem>>) target(%dma_start3A_213 : memref<10240xf32, #tpu.memory_space<vmem_shared>>) offsets(%dma_start3A_211 : memref<128xi32, #tpu.memory_space<vmem>>) semaphore(%run_scoped3A : memref<!tpu.dma_semaphore, #tpu.memory_space<semaphore_mem>>) {add = true}
        %dma_wait3A = arith.constant 0 : i32
        %dma_wait3A_214 = tpu.memref_slice %arg4[%scan3A_209, %dma_wait3A] : memref<80x128xi32, #tpu.memory_space<vmem>> -> memref<1x128xi32, #tpu.memory_space<vmem>>
        %dma_wait3A_215 = tpu.memref_squeeze %dma_wait3A_214 : memref<1x128xi32, #tpu.memory_space<vmem>> -> memref<128xi32, #tpu.memory_space<vmem>>
        %dma_wait3A_216 = arith.constant 0 : i32
        %dma_wait3A_217 = tpu.memref_slice %arg7[%dma_wait3A_216] : memref<10240xf32, #tpu.memory_space<vmem_shared>> -> memref<10240xf32, #tpu.memory_space<vmem_shared>>
        tpu.wait_indirect_dma semaphore(%run_scoped3A : memref<!tpu.dma_semaphore, #tpu.memory_space<semaphore_mem>>) src(%arg5 : memref<128xf32, #tpu.memory_space<vmem>>) dst(%dma_wait3A_217 : memref<10240xf32, #tpu.memory_space<vmem_shared>>)
        tpu.yield
      }) : () -> ()
    }
    %scan3A_203 = arith.constant 80 : i32
    %barrier3A_204 = arith.constant 0 : index
    tpu.barrier barrier_id(%barrier3A_204)
    %mul3A_205 = arith.constant 640 : i32
    %mul3A_206 = arith.muli %arg1, %mul3A_205 : i32
    %mul3A_207 = arith.constant 640 : i32
    %mul3A_208 = arith.muli %arg1, %mul3A_207 : i32
    "tpu.region"() ({
      %run_scoped3A = tpu.sem_alloc : memref<!tpu.dma_semaphore, #tpu.memory_space<semaphore_mem>>
      %dma_start3A = tpu.memref_slice %arg3[%arg0, %mul3A_208] : memref<2x10240xf32, #tpu.memory_space<hbm>> -> memref<1x640xf32, #tpu.memory_space<hbm>>
      %dma_start3A_209 = tpu.memref_squeeze %dma_start3A : memref<1x640xf32, #tpu.memory_space<hbm>> -> memref<640xf32, #tpu.memory_space<hbm>>
      %dma_start3A_210 = tpu.memref_slice %arg7[%mul3A_206] : memref<10240xf32, #tpu.memory_space<vmem_shared>> -> memref<640xf32, #tpu.memory_space<vmem_shared>>
      tpu.enqueue_dma source(%dma_start3A_210 : memref<640xf32, #tpu.memory_space<vmem_shared>>) target(%dma_start3A_209 : memref<640xf32, #tpu.memory_space<hbm>>) target_semaphore(%run_scoped3A : memref<!tpu.dma_semaphore, #tpu.memory_space<semaphore_mem>>)
      %dma_wait3A = tpu.memref_slice %arg3[%arg0, %mul3A_208] : memref<2x10240xf32, #tpu.memory_space<hbm>> -> memref<1x640xf32, #tpu.memory_space<hbm>>
      %dma_wait3A_211 = tpu.memref_squeeze %dma_wait3A : memref<1x640xf32, #tpu.memory_space<hbm>> -> memref<640xf32, #tpu.memory_space<hbm>>
      %dma_wait3A_212 = tpu.memref_slice %arg7[%mul3A_206] : memref<10240xf32, #tpu.memory_space<vmem_shared>> -> memref<640xf32, #tpu.memory_space<vmem_shared>>
      tpu.wait_dma2 semaphore(%run_scoped3A : memref<!tpu.dma_semaphore, #tpu.memory_space<semaphore_mem>>) src(%dma_wait3A_212 : memref<640xf32, #tpu.memory_space<vmem_shared>>) dst(%dma_wait3A_211 : memref<640xf32, #tpu.memory_space<hbm>>)
      tpu.yield
    }) : () -> ()
    return
  }
}

#map = affine_map<(d0, d1) -> (0, 0)>
#map1 = affine_map<(d0, d1) -> (0, 0, 0)>
module attributes {stable_mosaic.version = 14 : i64} {
  func.func @k(%arg0: i32, %arg1: i32, %arg2: memref<10240x64xf32, #tpu.memory_space<hbm>>, %arg3: memref<2560x128xi32, #tpu.memory_space<hbm>>, %arg4: memref<2560x128xi32, #tpu.memory_space<hbm>>, %arg5: memref<2x10240x64xf32, #tpu.memory_space<hbm>>, %arg6: memref<80x128xi32, #tpu.memory_space<vmem>>, %arg7: memref<80x128xi32, #tpu.memory_space<vmem>>, %arg8: memref<128x64xf32, #tpu.memory_space<vmem>>, %arg9: memref<128x64xf32, #tpu.memory_space<vmem>>, %arg10: memref<10240x64xf32, #tpu.memory_space<vmem_shared>>, %arg11: memref<!tpu.dma_semaphore, #tpu.memory_space<semaphore_mem>>, %arg12: memref<!tpu.dma_semaphore, #tpu.memory_space<semaphore_mem>>) attributes {dimension_semantics = [#tpu.dimension_semantics<core_parallel>, #tpu.dimension_semantics<subcore_parallel>], iteration_bounds = array<i64: 2, 16>, scalar_prefetch = 0 : i64, scratch_operands = 7 : i64, tpu.core_type = #tpu.core_type<sc_vector_subcore>, window_params = [{transform_indices = #map}, {transform_indices = #map}, {transform_indices = #map}, {transform_indices = #map1}]} {
    %mul3A = arith.constant 16 : i32
    %mul3A_0 = arith.muli %arg0, %mul3A : i32
    %add3A = arith.addi %mul3A_0, %arg1 : i32
    %mul3A_1 = arith.constant 640 : i32
    %mul3A_2 = arith.muli %arg1, %mul3A_1 : i32
    "tpu.region"() ({
      %run_scoped3A_50 = tpu.sem_alloc : memref<!tpu.dma_semaphore, #tpu.memory_space<semaphore_mem>>
      %dma_start3A_51 = arith.constant 10112 : i32
      %dma_start3A_52 = arith.constant 0 : i32
      %dma_start3A_53 = tpu.memref_slice %arg2[%dma_start3A_51, %dma_start3A_52] : memref<10240x64xf32, #tpu.memory_space<hbm>> -> memref<128x64xf32, #tpu.memory_space<hbm>>
      %dma_start3A_54 = arith.constant 10112 : i32
      %dma_start3A_55 = arith.constant 0 : i32
      %dma_start3A_56 = tpu.memref_slice %arg2[%dma_start3A_54, %dma_start3A_55] : memref<10240x64xf32, #tpu.memory_space<hbm>> -> memref<128x64xf32, #tpu.memory_space<hbm>>
      tpu.enqueue_dma source(%dma_start3A_56 : memref<128x64xf32, #tpu.memory_space<hbm>>) target(%arg8 : memref<128x64xf32, #tpu.memory_space<vmem>>) target_semaphore(%run_scoped3A_50 : memref<!tpu.dma_semaphore, #tpu.memory_space<semaphore_mem>>)
      %dma_wait3A_57 = arith.constant 10112 : i32
      %dma_wait3A_58 = arith.constant 0 : i32
      %dma_wait3A_59 = tpu.memref_slice %arg2[%dma_wait3A_57, %dma_wait3A_58] : memref<10240x64xf32, #tpu.memory_space<hbm>> -> memref<128x64xf32, #tpu.memory_space<hbm>>
      %dma_wait3A_60 = arith.constant 10112 : i32
      %dma_wait3A_61 = arith.constant 0 : i32
      %dma_wait3A_62 = tpu.memref_slice %arg2[%dma_wait3A_60, %dma_wait3A_61] : memref<10240x64xf32, #tpu.memory_space<hbm>> -> memref<128x64xf32, #tpu.memory_space<hbm>>
      tpu.wait_dma2 semaphore(%run_scoped3A_50 : memref<!tpu.dma_semaphore, #tpu.memory_space<semaphore_mem>>) src(%dma_wait3A_62 : memref<128x64xf32, #tpu.memory_space<hbm>>) dst(%arg8 : memref<128x64xf32, #tpu.memory_space<vmem>>)
      tpu.yield
    }) : () -> ()
    %add3A_3 = arith.constant 0 : i32
    %add3A_4 = arith.addi %mul3A_2, %add3A_3 : i32
    "tpu.region"() ({
      %run_scoped3A_50 = tpu.sem_alloc : memref<!tpu.dma_semaphore, #tpu.memory_space<semaphore_mem>>
      %dma_start3A_51 = arith.constant 0 : i32
      %dma_start3A_52 = tpu.memref_slice %arg10[%add3A_4, %dma_start3A_51] : memref<10240x64xf32, #tpu.memory_space<vmem_shared>> -> memref<128x64xf32, #tpu.memory_space<vmem_shared>>
      %dma_start3A_53 = arith.constant 0 : i32
      %dma_start3A_54 = tpu.memref_slice %arg10[%add3A_4, %dma_start3A_53] : memref<10240x64xf32, #tpu.memory_space<vmem_shared>> -> memref<128x64xf32, #tpu.memory_space<vmem_shared>>
      tpu.enqueue_dma source(%arg8 : memref<128x64xf32, #tpu.memory_space<vmem>>) target(%dma_start3A_54 : memref<128x64xf32, #tpu.memory_space<vmem_shared>>) target_semaphore(%run_scoped3A_50 : memref<!tpu.dma_semaphore, #tpu.memory_space<semaphore_mem>>)
      %dma_wait3A_55 = arith.constant 0 : i32
      %dma_wait3A_56 = tpu.memref_slice %arg10[%add3A_4, %dma_wait3A_55] : memref<10240x64xf32, #tpu.memory_space<vmem_shared>> -> memref<128x64xf32, #tpu.memory_space<vmem_shared>>
      %dma_wait3A_57 = arith.constant 0 : i32
      %dma_wait3A_58 = tpu.memref_slice %arg10[%add3A_4, %dma_wait3A_57] : memref<10240x64xf32, #tpu.memory_space<vmem_shared>> -> memref<128x64xf32, #tpu.memory_space<vmem_shared>>
      tpu.wait_dma2 semaphore(%run_scoped3A_50 : memref<!tpu.dma_semaphore, #tpu.memory_space<semaphore_mem>>) src(%arg8 : memref<128x64xf32, #tpu.memory_space<vmem>>) dst(%dma_wait3A_58 : memref<128x64xf32, #tpu.memory_space<vmem_shared>>)
      tpu.yield
    }) : () -> ()
    %add3A_5 = arith.constant 128 : i32
    %add3A_6 = arith.addi %mul3A_2, %add3A_5 : i32
    "tpu.region"() ({
      %run_scoped3A_50 = tpu.sem_alloc : memref<!tpu.dma_semaphore, #tpu.memory_space<semaphore_mem>>
      %dma_start3A_51 = arith.constant 0 : i32
      %dma_start3A_52 = tpu.memref_slice %arg10[%add3A_6, %dma_start3A_51] : memref<10240x64xf32, #tpu.memory_space<vmem_shared>> -> memref<128x64xf32, #tpu.memory_space<vmem_shared>>
      %dma_start3A_53 = arith.constant 0 : i32
      %dma_start3A_54 = tpu.memref_slice %arg10[%add3A_6, %dma_start3A_53] : memref<10240x64xf32, #tpu.memory_space<vmem_shared>> -> memref<128x64xf32, #tpu.memory_space<vmem_shared>>
      tpu.enqueue_dma source(%arg8 : memref<128x64xf32, #tpu.memory_space<vmem>>) target(%dma_start3A_54 : memref<128x64xf32, #tpu.memory_space<vmem_shared>>) target_semaphore(%run_scoped3A_50 : memref<!tpu.dma_semaphore, #tpu.memory_space<semaphore_mem>>)
      %dma_wait3A_55 = arith.constant 0 : i32
      %dma_wait3A_56 = tpu.memref_slice %arg10[%add3A_6, %dma_wait3A_55] : memref<10240x64xf32, #tpu.memory_space<vmem_shared>> -> memref<128x64xf32, #tpu.memory_space<vmem_shared>>
      %dma_wait3A_57 = arith.constant 0 : i32
      %dma_wait3A_58 = tpu.memref_slice %arg10[%add3A_6, %dma_wait3A_57] : memref<10240x64xf32, #tpu.memory_space<vmem_shared>> -> memref<128x64xf32, #tpu.memory_space<vmem_shared>>
      tpu.wait_dma2 semaphore(%run_scoped3A_50 : memref<!tpu.dma_semaphore, #tpu.memory_space<semaphore_mem>>) src(%arg8 : memref<128x64xf32, #tpu.memory_space<vmem>>) dst(%dma_wait3A_58 : memref<128x64xf32, #tpu.memory_space<vmem_shared>>)
      tpu.yield
    }) : () -> ()
    %add3A_7 = arith.constant 256 : i32
    %add3A_8 = arith.addi %mul3A_2, %add3A_7 : i32
    "tpu.region"() ({
      %run_scoped3A_50 = tpu.sem_alloc : memref<!tpu.dma_semaphore, #tpu.memory_space<semaphore_mem>>
      %dma_start3A_51 = arith.constant 0 : i32
      %dma_start3A_52 = tpu.memref_slice %arg10[%add3A_8, %dma_start3A_51] : memref<10240x64xf32, #tpu.memory_space<vmem_shared>> -> memref<128x64xf32, #tpu.memory_space<vmem_shared>>
      %dma_start3A_53 = arith.constant 0 : i32
      %dma_start3A_54 = tpu.memref_slice %arg10[%add3A_8, %dma_start3A_53] : memref<10240x64xf32, #tpu.memory_space<vmem_shared>> -> memref<128x64xf32, #tpu.memory_space<vmem_shared>>
      tpu.enqueue_dma source(%arg8 : memref<128x64xf32, #tpu.memory_space<vmem>>) target(%dma_start3A_54 : memref<128x64xf32, #tpu.memory_space<vmem_shared>>) target_semaphore(%run_scoped3A_50 : memref<!tpu.dma_semaphore, #tpu.memory_space<semaphore_mem>>)
      %dma_wait3A_55 = arith.constant 0 : i32
      %dma_wait3A_56 = tpu.memref_slice %arg10[%add3A_8, %dma_wait3A_55] : memref<10240x64xf32, #tpu.memory_space<vmem_shared>> -> memref<128x64xf32, #tpu.memory_space<vmem_shared>>
      %dma_wait3A_57 = arith.constant 0 : i32
      %dma_wait3A_58 = tpu.memref_slice %arg10[%add3A_8, %dma_wait3A_57] : memref<10240x64xf32, #tpu.memory_space<vmem_shared>> -> memref<128x64xf32, #tpu.memory_space<vmem_shared>>
      tpu.wait_dma2 semaphore(%run_scoped3A_50 : memref<!tpu.dma_semaphore, #tpu.memory_space<semaphore_mem>>) src(%arg8 : memref<128x64xf32, #tpu.memory_space<vmem>>) dst(%dma_wait3A_58 : memref<128x64xf32, #tpu.memory_space<vmem_shared>>)
      tpu.yield
    }) : () -> ()
    %add3A_9 = arith.constant 384 : i32
    %add3A_10 = arith.addi %mul3A_2, %add3A_9 : i32
    "tpu.region"() ({
      %run_scoped3A_50 = tpu.sem_alloc : memref<!tpu.dma_semaphore, #tpu.memory_space<semaphore_mem>>
      %dma_start3A_51 = arith.constant 0 : i32
      %dma_start3A_52 = tpu.memref_slice %arg10[%add3A_10, %dma_start3A_51] : memref<10240x64xf32, #tpu.memory_space<vmem_shared>> -> memref<128x64xf32, #tpu.memory_space<vmem_shared>>
      %dma_start3A_53 = arith.constant 0 : i32
      %dma_start3A_54 = tpu.memref_slice %arg10[%add3A_10, %dma_start3A_53] : memref<10240x64xf32, #tpu.memory_space<vmem_shared>> -> memref<128x64xf32, #tpu.memory_space<vmem_shared>>
      tpu.enqueue_dma source(%arg8 : memref<128x64xf32, #tpu.memory_space<vmem>>) target(%dma_start3A_54 : memref<128x64xf32, #tpu.memory_space<vmem_shared>>) target_semaphore(%run_scoped3A_50 : memref<!tpu.dma_semaphore, #tpu.memory_space<semaphore_mem>>)
      %dma_wait3A_55 = arith.constant 0 : i32
      %dma_wait3A_56 = tpu.memref_slice %arg10[%add3A_10, %dma_wait3A_55] : memref<10240x64xf32, #tpu.memory_space<vmem_shared>> -> memref<128x64xf32, #tpu.memory_space<vmem_shared>>
      %dma_wait3A_57 = arith.constant 0 : i32
      %dma_wait3A_58 = tpu.memref_slice %arg10[%add3A_10, %dma_wait3A_57] : memref<10240x64xf32, #tpu.memory_space<vmem_shared>> -> memref<128x64xf32, #tpu.memory_space<vmem_shared>>
      tpu.wait_dma2 semaphore(%run_scoped3A_50 : memref<!tpu.dma_semaphore, #tpu.memory_space<semaphore_mem>>) src(%arg8 : memref<128x64xf32, #tpu.memory_space<vmem>>) dst(%dma_wait3A_58 : memref<128x64xf32, #tpu.memory_space<vmem_shared>>)
      tpu.yield
    }) : () -> ()
    %add3A_11 = arith.constant 512 : i32
    %add3A_12 = arith.addi %mul3A_2, %add3A_11 : i32
    "tpu.region"() ({
      %run_scoped3A_50 = tpu.sem_alloc : memref<!tpu.dma_semaphore, #tpu.memory_space<semaphore_mem>>
      %dma_start3A_51 = arith.constant 0 : i32
      %dma_start3A_52 = tpu.memref_slice %arg10[%add3A_12, %dma_start3A_51] : memref<10240x64xf32, #tpu.memory_space<vmem_shared>> -> memref<128x64xf32, #tpu.memory_space<vmem_shared>>
      %dma_start3A_53 = arith.constant 0 : i32
      %dma_start3A_54 = tpu.memref_slice %arg10[%add3A_12, %dma_start3A_53] : memref<10240x64xf32, #tpu.memory_space<vmem_shared>> -> memref<128x64xf32, #tpu.memory_space<vmem_shared>>
      tpu.enqueue_dma source(%arg8 : memref<128x64xf32, #tpu.memory_space<vmem>>) target(%dma_start3A_54 : memref<128x64xf32, #tpu.memory_space<vmem_shared>>) target_semaphore(%run_scoped3A_50 : memref<!tpu.dma_semaphore, #tpu.memory_space<semaphore_mem>>)
      %dma_wait3A_55 = arith.constant 0 : i32
      %dma_wait3A_56 = tpu.memref_slice %arg10[%add3A_12, %dma_wait3A_55] : memref<10240x64xf32, #tpu.memory_space<vmem_shared>> -> memref<128x64xf32, #tpu.memory_space<vmem_shared>>
      %dma_wait3A_57 = arith.constant 0 : i32
      %dma_wait3A_58 = tpu.memref_slice %arg10[%add3A_12, %dma_wait3A_57] : memref<10240x64xf32, #tpu.memory_space<vmem_shared>> -> memref<128x64xf32, #tpu.memory_space<vmem_shared>>
      tpu.wait_dma2 semaphore(%run_scoped3A_50 : memref<!tpu.dma_semaphore, #tpu.memory_space<semaphore_mem>>) src(%arg8 : memref<128x64xf32, #tpu.memory_space<vmem>>) dst(%dma_wait3A_58 : memref<128x64xf32, #tpu.memory_space<vmem_shared>>)
      tpu.yield
    }) : () -> ()
    %mul3A_13 = arith.constant 80 : i32
    %mul3A_14 = arith.muli %add3A, %mul3A_13 : i32
    "tpu.region"() ({
      %run_scoped3A_50 = tpu.sem_alloc : memref<!tpu.dma_semaphore, #tpu.memory_space<semaphore_mem>>
      %dma_start3A_51 = arith.constant 0 : i32
      %dma_start3A_52 = tpu.memref_slice %arg3[%mul3A_14, %dma_start3A_51] : memref<2560x128xi32, #tpu.memory_space<hbm>> -> memref<80x128xi32, #tpu.memory_space<hbm>>
      %dma_start3A_53 = arith.constant 0 : i32
      %dma_start3A_54 = tpu.memref_slice %arg3[%mul3A_14, %dma_start3A_53] : memref<2560x128xi32, #tpu.memory_space<hbm>> -> memref<80x128xi32, #tpu.memory_space<hbm>>
      tpu.enqueue_dma source(%dma_start3A_54 : memref<80x128xi32, #tpu.memory_space<hbm>>) target(%arg6 : memref<80x128xi32, #tpu.memory_space<vmem>>) target_semaphore(%run_scoped3A_50 : memref<!tpu.dma_semaphore, #tpu.memory_space<semaphore_mem>>)
      %dma_wait3A_55 = arith.constant 0 : i32
      %dma_wait3A_56 = tpu.memref_slice %arg3[%mul3A_14, %dma_wait3A_55] : memref<2560x128xi32, #tpu.memory_space<hbm>> -> memref<80x128xi32, #tpu.memory_space<hbm>>
      %dma_wait3A_57 = arith.constant 0 : i32
      %dma_wait3A_58 = tpu.memref_slice %arg3[%mul3A_14, %dma_wait3A_57] : memref<2560x128xi32, #tpu.memory_space<hbm>> -> memref<80x128xi32, #tpu.memory_space<hbm>>
      tpu.wait_dma2 semaphore(%run_scoped3A_50 : memref<!tpu.dma_semaphore, #tpu.memory_space<semaphore_mem>>) src(%dma_wait3A_58 : memref<80x128xi32, #tpu.memory_space<hbm>>) dst(%arg6 : memref<80x128xi32, #tpu.memory_space<vmem>>)
      tpu.yield
    }) : () -> ()
    %mul3A_15 = arith.constant 80 : i32
    %mul3A_16 = arith.muli %add3A, %mul3A_15 : i32
    "tpu.region"() ({
      %run_scoped3A_50 = tpu.sem_alloc : memref<!tpu.dma_semaphore, #tpu.memory_space<semaphore_mem>>
      %dma_start3A_51 = arith.constant 0 : i32
      %dma_start3A_52 = tpu.memref_slice %arg4[%mul3A_16, %dma_start3A_51] : memref<2560x128xi32, #tpu.memory_space<hbm>> -> memref<80x128xi32, #tpu.memory_space<hbm>>
      %dma_start3A_53 = arith.constant 0 : i32
      %dma_start3A_54 = tpu.memref_slice %arg4[%mul3A_16, %dma_start3A_53] : memref<2560x128xi32, #tpu.memory_space<hbm>> -> memref<80x128xi32, #tpu.memory_space<hbm>>
      tpu.enqueue_dma source(%dma_start3A_54 : memref<80x128xi32, #tpu.memory_space<hbm>>) target(%arg7 : memref<80x128xi32, #tpu.memory_space<vmem>>) target_semaphore(%run_scoped3A_50 : memref<!tpu.dma_semaphore, #tpu.memory_space<semaphore_mem>>)
      %dma_wait3A_55 = arith.constant 0 : i32
      %dma_wait3A_56 = tpu.memref_slice %arg4[%mul3A_16, %dma_wait3A_55] : memref<2560x128xi32, #tpu.memory_space<hbm>> -> memref<80x128xi32, #tpu.memory_space<hbm>>
      %dma_wait3A_57 = arith.constant 0 : i32
      %dma_wait3A_58 = tpu.memref_slice %arg4[%mul3A_16, %dma_wait3A_57] : memref<2560x128xi32, #tpu.memory_space<hbm>> -> memref<80x128xi32, #tpu.memory_space<hbm>>
      tpu.wait_dma2 semaphore(%run_scoped3A_50 : memref<!tpu.dma_semaphore, #tpu.memory_space<semaphore_mem>>) src(%dma_wait3A_58 : memref<80x128xi32, #tpu.memory_space<hbm>>) dst(%arg7 : memref<80x128xi32, #tpu.memory_space<vmem>>)
      tpu.yield
    }) : () -> ()
    %barrier3A = arith.constant 0 : index
    tpu.barrier barrier_id(%barrier3A)
    %dma_start3A = arith.constant 0 : i32
    %dma_start3A_17 = arith.constant 0 : i32
    %dma_start3A_18 = tpu.memref_slice %arg6[%dma_start3A, %dma_start3A_17] : memref<80x128xi32, #tpu.memory_space<vmem>> -> memref<1x128xi32, #tpu.memory_space<vmem>>
    %dma_start3A_19 = tpu.memref_squeeze %dma_start3A_18 : memref<1x128xi32, #tpu.memory_space<vmem>> -> memref<128xi32, #tpu.memory_space<vmem>>
    %dma_start3A_20 = arith.constant 0 : i32
    %dma_start3A_21 = arith.constant 0 : i32
    %dma_start3A_22 = tpu.memref_slice %arg2[%dma_start3A_20, %dma_start3A_21] : memref<10240x64xf32, #tpu.memory_space<hbm>> -> memref<10240x64xf32, #tpu.memory_space<hbm>>
    tpu.enqueue_indirect_dma source(%dma_start3A_22 : memref<10240x64xf32, #tpu.memory_space<hbm>>) target(%arg8 : memref<128x64xf32, #tpu.memory_space<vmem>>) offsets(%dma_start3A_19 : memref<128xi32, #tpu.memory_space<vmem>>) semaphore(%arg11 : memref<!tpu.dma_semaphore, #tpu.memory_space<semaphore_mem>>)
    %scan3A = arith.constant 0 : i32
    %scan3A_23 = arith.constant 0 : i32
    %scan3A_24 = arith.constant 39 : i32
    %scan3A_25 = arith.addi %scan3A_23, %scan3A_24 : i32
    %scan3A_26 = arith.constant 1 : i32
    scf.for %scan3A_50 = %scan3A_23 to %scan3A_25 step %scan3A_26  : i32 {
      %mul3A_51 = arith.constant 2 : i32
      %mul3A_52 = arith.muli %scan3A_50, %mul3A_51 : i32
      %add3A_53 = arith.constant 1 : i32
      %add3A_54 = arith.addi %mul3A_52, %add3A_53 : i32
      %dma_start3A_55 = arith.constant 0 : i32
      %dma_start3A_56 = tpu.memref_slice %arg6[%add3A_54, %dma_start3A_55] : memref<80x128xi32, #tpu.memory_space<vmem>> -> memref<1x128xi32, #tpu.memory_space<vmem>>
      %dma_start3A_57 = tpu.memref_squeeze %dma_start3A_56 : memref<1x128xi32, #tpu.memory_space<vmem>> -> memref<128xi32, #tpu.memory_space<vmem>>
      %dma_start3A_58 = arith.constant 0 : i32
      %dma_start3A_59 = arith.constant 0 : i32
      %dma_start3A_60 = tpu.memref_slice %arg2[%dma_start3A_58, %dma_start3A_59] : memref<10240x64xf32, #tpu.memory_space<hbm>> -> memref<10240x64xf32, #tpu.memory_space<hbm>>
      tpu.enqueue_indirect_dma source(%dma_start3A_60 : memref<10240x64xf32, #tpu.memory_space<hbm>>) target(%arg9 : memref<128x64xf32, #tpu.memory_space<vmem>>) offsets(%dma_start3A_57 : memref<128xi32, #tpu.memory_space<vmem>>) semaphore(%arg12 : memref<!tpu.dma_semaphore, #tpu.memory_space<semaphore_mem>>)
      %dma_wait3A_61 = arith.constant 0 : i32
      %dma_wait3A_62 = tpu.memref_slice %arg6[%mul3A_52, %dma_wait3A_61] : memref<80x128xi32, #tpu.memory_space<vmem>> -> memref<1x128xi32, #tpu.memory_space<vmem>>
      %dma_wait3A_63 = tpu.memref_squeeze %dma_wait3A_62 : memref<1x128xi32, #tpu.memory_space<vmem>> -> memref<128xi32, #tpu.memory_space<vmem>>
      %dma_wait3A_64 = arith.constant 0 : i32
      %dma_wait3A_65 = arith.constant 0 : i32
      %dma_wait3A_66 = tpu.memref_slice %arg2[%dma_wait3A_64, %dma_wait3A_65] : memref<10240x64xf32, #tpu.memory_space<hbm>> -> memref<10240x64xf32, #tpu.memory_space<hbm>>
      tpu.wait_indirect_dma semaphore(%arg11 : memref<!tpu.dma_semaphore, #tpu.memory_space<semaphore_mem>>) src(%dma_wait3A_66 : memref<10240x64xf32, #tpu.memory_space<hbm>>) dst(%arg8 : memref<128x64xf32, #tpu.memory_space<vmem>>)
      "tpu.region"() ({
        %run_scoped3A_85 = tpu.sem_alloc : memref<!tpu.dma_semaphore, #tpu.memory_space<semaphore_mem>>
        %dma_start3A_86 = arith.constant 0 : i32
        %dma_start3A_87 = tpu.memref_slice %arg7[%mul3A_52, %dma_start3A_86] : memref<80x128xi32, #tpu.memory_space<vmem>> -> memref<1x128xi32, #tpu.memory_space<vmem>>
        %dma_start3A_88 = tpu.memref_squeeze %dma_start3A_87 : memref<1x128xi32, #tpu.memory_space<vmem>> -> memref<128xi32, #tpu.memory_space<vmem>>
        %dma_start3A_89 = arith.constant 0 : i32
        %dma_start3A_90 = arith.constant 0 : i32
        %dma_start3A_91 = tpu.memref_slice %arg10[%dma_start3A_89, %dma_start3A_90] : memref<10240x64xf32, #tpu.memory_space<vmem_shared>> -> memref<10240x64xf32, #tpu.memory_space<vmem_shared>>
        tpu.enqueue_indirect_dma source(%arg8 : memref<128x64xf32, #tpu.memory_space<vmem>>) target(%dma_start3A_91 : memref<10240x64xf32, #tpu.memory_space<vmem_shared>>) offsets(%dma_start3A_88 : memref<128xi32, #tpu.memory_space<vmem>>) semaphore(%run_scoped3A_85 : memref<!tpu.dma_semaphore, #tpu.memory_space<semaphore_mem>>) {add = true}
        %dma_wait3A_92 = arith.constant 0 : i32
        %dma_wait3A_93 = tpu.memref_slice %arg7[%mul3A_52, %dma_wait3A_92] : memref<80x128xi32, #tpu.memory_space<vmem>> -> memref<1x128xi32, #tpu.memory_space<vmem>>
        %dma_wait3A_94 = tpu.memref_squeeze %dma_wait3A_93 : memref<1x128xi32, #tpu.memory_space<vmem>> -> memref<128xi32, #tpu.memory_space<vmem>>
        %dma_wait3A_95 = arith.constant 0 : i32
        %dma_wait3A_96 = arith.constant 0 : i32
        %dma_wait3A_97 = tpu.memref_slice %arg10[%dma_wait3A_95, %dma_wait3A_96] : memref<10240x64xf32, #tpu.memory_space<vmem_shared>> -> memref<10240x64xf32, #tpu.memory_space<vmem_shared>>
        tpu.wait_indirect_dma semaphore(%run_scoped3A_85 : memref<!tpu.dma_semaphore, #tpu.memory_space<semaphore_mem>>) src(%arg8 : memref<128x64xf32, #tpu.memory_space<vmem>>) dst(%dma_wait3A_97 : memref<10240x64xf32, #tpu.memory_space<vmem_shared>>)
        tpu.yield
      }) : () -> ()
      %add3A_67 = arith.constant 2 : i32
      %add3A_68 = arith.addi %mul3A_52, %add3A_67 : i32
      %dma_start3A_69 = arith.constant 0 : i32
      %dma_start3A_70 = tpu.memref_slice %arg6[%add3A_68, %dma_start3A_69] : memref<80x128xi32, #tpu.memory_space<vmem>> -> memref<1x128xi32, #tpu.memory_space<vmem>>
      %dma_start3A_71 = tpu.memref_squeeze %dma_start3A_70 : memref<1x128xi32, #tpu.memory_space<vmem>> -> memref<128xi32, #tpu.memory_space<vmem>>
      %dma_start3A_72 = arith.constant 0 : i32
      %dma_start3A_73 = arith.constant 0 : i32
      %dma_start3A_74 = tpu.memref_slice %arg2[%dma_start3A_72, %dma_start3A_73] : memref<10240x64xf32, #tpu.memory_space<hbm>> -> memref<10240x64xf32, #tpu.memory_space<hbm>>
      tpu.enqueue_indirect_dma source(%dma_start3A_74 : memref<10240x64xf32, #tpu.memory_space<hbm>>) target(%arg8 : memref<128x64xf32, #tpu.memory_space<vmem>>) offsets(%dma_start3A_71 : memref<128xi32, #tpu.memory_space<vmem>>) semaphore(%arg11 : memref<!tpu.dma_semaphore, #tpu.memory_space<semaphore_mem>>)
      %add3A_75 = arith.constant 1 : i32
      %add3A_76 = arith.addi %mul3A_52, %add3A_75 : i32
      %dma_wait3A_77 = arith.constant 0 : i32
      %dma_wait3A_78 = tpu.memref_slice %arg6[%add3A_76, %dma_wait3A_77] : memref<80x128xi32, #tpu.memory_space<vmem>> -> memref<1x128xi32, #tpu.memory_space<vmem>>
      %dma_wait3A_79 = tpu.memref_squeeze %dma_wait3A_78 : memref<1x128xi32, #tpu.memory_space<vmem>> -> memref<128xi32, #tpu.memory_space<vmem>>
      %dma_wait3A_80 = arith.constant 0 : i32
      %dma_wait3A_81 = arith.constant 0 : i32
      %dma_wait3A_82 = tpu.memref_slice %arg2[%dma_wait3A_80, %dma_wait3A_81] : memref<10240x64xf32, #tpu.memory_space<hbm>> -> memref<10240x64xf32, #tpu.memory_space<hbm>>
      tpu.wait_indirect_dma semaphore(%arg12 : memref<!tpu.dma_semaphore, #tpu.memory_space<semaphore_mem>>) src(%dma_wait3A_82 : memref<10240x64xf32, #tpu.memory_space<hbm>>) dst(%arg9 : memref<128x64xf32, #tpu.memory_space<vmem>>)
      %add3A_83 = arith.constant 1 : i32
      %add3A_84 = arith.addi %mul3A_52, %add3A_83 : i32
      "tpu.region"() ({
        %run_scoped3A_85 = tpu.sem_alloc : memref<!tpu.dma_semaphore, #tpu.memory_space<semaphore_mem>>
        %dma_start3A_86 = arith.constant 0 : i32
        %dma_start3A_87 = tpu.memref_slice %arg7[%add3A_84, %dma_start3A_86] : memref<80x128xi32, #tpu.memory_space<vmem>> -> memref<1x128xi32, #tpu.memory_space<vmem>>
        %dma_start3A_88 = tpu.memref_squeeze %dma_start3A_87 : memref<1x128xi32, #tpu.memory_space<vmem>> -> memref<128xi32, #tpu.memory_space<vmem>>
        %dma_start3A_89 = arith.constant 0 : i32
        %dma_start3A_90 = arith.constant 0 : i32
        %dma_start3A_91 = tpu.memref_slice %arg10[%dma_start3A_89, %dma_start3A_90] : memref<10240x64xf32, #tpu.memory_space<vmem_shared>> -> memref<10240x64xf32, #tpu.memory_space<vmem_shared>>
        tpu.enqueue_indirect_dma source(%arg9 : memref<128x64xf32, #tpu.memory_space<vmem>>) target(%dma_start3A_91 : memref<10240x64xf32, #tpu.memory_space<vmem_shared>>) offsets(%dma_start3A_88 : memref<128xi32, #tpu.memory_space<vmem>>) semaphore(%run_scoped3A_85 : memref<!tpu.dma_semaphore, #tpu.memory_space<semaphore_mem>>) {add = true}
        %dma_wait3A_92 = arith.constant 0 : i32
        %dma_wait3A_93 = tpu.memref_slice %arg7[%add3A_84, %dma_wait3A_92] : memref<80x128xi32, #tpu.memory_space<vmem>> -> memref<1x128xi32, #tpu.memory_space<vmem>>
        %dma_wait3A_94 = tpu.memref_squeeze %dma_wait3A_93 : memref<1x128xi32, #tpu.memory_space<vmem>> -> memref<128xi32, #tpu.memory_space<vmem>>
        %dma_wait3A_95 = arith.constant 0 : i32
        %dma_wait3A_96 = arith.constant 0 : i32
        %dma_wait3A_97 = tpu.memref_slice %arg10[%dma_wait3A_95, %dma_wait3A_96] : memref<10240x64xf32, #tpu.memory_space<vmem_shared>> -> memref<10240x64xf32, #tpu.memory_space<vmem_shared>>
        tpu.wait_indirect_dma semaphore(%run_scoped3A_85 : memref<!tpu.dma_semaphore, #tpu.memory_space<semaphore_mem>>) src(%arg9 : memref<128x64xf32, #tpu.memory_space<vmem>>) dst(%dma_wait3A_97 : memref<10240x64xf32, #tpu.memory_space<vmem_shared>>)
        tpu.yield
      }) : () -> ()
    }
    %scan3A_27 = arith.constant 39 : i32
    %dma_start3A_28 = arith.constant 79 : i32
    %dma_start3A_29 = arith.constant 0 : i32
    %dma_start3A_30 = tpu.memref_slice %arg6[%dma_start3A_28, %dma_start3A_29] : memref<80x128xi32, #tpu.memory_space<vmem>> -> memref<1x128xi32, #tpu.memory_space<vmem>>
    %dma_start3A_31 = tpu.memref_squeeze %dma_start3A_30 : memref<1x128xi32, #tpu.memory_space<vmem>> -> memref<128xi32, #tpu.memory_space<vmem>>
    %dma_start3A_32 = arith.constant 0 : i32
    %dma_start3A_33 = arith.constant 0 : i32
    %dma_start3A_34 = tpu.memref_slice %arg2[%dma_start3A_32, %dma_start3A_33] : memref<10240x64xf32, #tpu.memory_space<hbm>> -> memref<10240x64xf32, #tpu.memory_space<hbm>>
    tpu.enqueue_indirect_dma source(%dma_start3A_34 : memref<10240x64xf32, #tpu.memory_space<hbm>>) target(%arg9 : memref<128x64xf32, #tpu.memory_space<vmem>>) offsets(%dma_start3A_31 : memref<128xi32, #tpu.memory_space<vmem>>) semaphore(%arg12 : memref<!tpu.dma_semaphore, #tpu.memory_space<semaphore_mem>>)
    %dma_wait3A = arith.constant 78 : i32
    %dma_wait3A_35 = arith.constant 0 : i32
    %dma_wait3A_36 = tpu.memref_slice %arg6[%dma_wait3A, %dma_wait3A_35] : memref<80x128xi32, #tpu.memory_space<vmem>> -> memref<1x128xi32, #tpu.memory_space<vmem>>
    %dma_wait3A_37 = tpu.memref_squeeze %dma_wait3A_36 : memref<1x128xi32, #tpu.memory_space<vmem>> -> memref<128xi32, #tpu.memory_space<vmem>>
    %dma_wait3A_38 = arith.constant 0 : i32
    %dma_wait3A_39 = arith.constant 0 : i32
    %dma_wait3A_40 = tpu.memref_slice %arg2[%dma_wait3A_38, %dma_wait3A_39] : memref<10240x64xf32, #tpu.memory_space<hbm>> -> memref<10240x64xf32, #tpu.memory_space<hbm>>
    tpu.wait_indirect_dma semaphore(%arg11 : memref<!tpu.dma_semaphore, #tpu.memory_space<semaphore_mem>>) src(%dma_wait3A_40 : memref<10240x64xf32, #tpu.memory_space<hbm>>) dst(%arg8 : memref<128x64xf32, #tpu.memory_space<vmem>>)
    %run_scoped3A = arith.constant 78 : i32
    "tpu.region"() ({
      %run_scoped3A_50 = tpu.sem_alloc : memref<!tpu.dma_semaphore, #tpu.memory_space<semaphore_mem>>
      %dma_start3A_51 = arith.constant 0 : i32
      %dma_start3A_52 = tpu.memref_slice %arg7[%run_scoped3A, %dma_start3A_51] : memref<80x128xi32, #tpu.memory_space<vmem>> -> memref<1x128xi32, #tpu.memory_space<vmem>>
      %dma_start3A_53 = tpu.memref_squeeze %dma_start3A_52 : memref<1x128xi32, #tpu.memory_space<vmem>> -> memref<128xi32, #tpu.memory_space<vmem>>
      %dma_start3A_54 = arith.constant 0 : i32
      %dma_start3A_55 = arith.constant 0 : i32
      %dma_start3A_56 = tpu.memref_slice %arg10[%dma_start3A_54, %dma_start3A_55] : memref<10240x64xf32, #tpu.memory_space<vmem_shared>> -> memref<10240x64xf32, #tpu.memory_space<vmem_shared>>
      tpu.enqueue_indirect_dma source(%arg8 : memref<128x64xf32, #tpu.memory_space<vmem>>) target(%dma_start3A_56 : memref<10240x64xf32, #tpu.memory_space<vmem_shared>>) offsets(%dma_start3A_53 : memref<128xi32, #tpu.memory_space<vmem>>) semaphore(%run_scoped3A_50 : memref<!tpu.dma_semaphore, #tpu.memory_space<semaphore_mem>>) {add = true}
      %dma_wait3A_57 = arith.constant 0 : i32
      %dma_wait3A_58 = tpu.memref_slice %arg7[%run_scoped3A, %dma_wait3A_57] : memref<80x128xi32, #tpu.memory_space<vmem>> -> memref<1x128xi32, #tpu.memory_space<vmem>>
      %dma_wait3A_59 = tpu.memref_squeeze %dma_wait3A_58 : memref<1x128xi32, #tpu.memory_space<vmem>> -> memref<128xi32, #tpu.memory_space<vmem>>
      %dma_wait3A_60 = arith.constant 0 : i32
      %dma_wait3A_61 = arith.constant 0 : i32
      %dma_wait3A_62 = tpu.memref_slice %arg10[%dma_wait3A_60, %dma_wait3A_61] : memref<10240x64xf32, #tpu.memory_space<vmem_shared>> -> memref<10240x64xf32, #tpu.memory_space<vmem_shared>>
      tpu.wait_indirect_dma semaphore(%run_scoped3A_50 : memref<!tpu.dma_semaphore, #tpu.memory_space<semaphore_mem>>) src(%arg8 : memref<128x64xf32, #tpu.memory_space<vmem>>) dst(%dma_wait3A_62 : memref<10240x64xf32, #tpu.memory_space<vmem_shared>>)
      tpu.yield
    }) : () -> ()
    %dma_wait3A_41 = arith.constant 79 : i32
    %dma_wait3A_42 = arith.constant 0 : i32
    %dma_wait3A_43 = tpu.memref_slice %arg6[%dma_wait3A_41, %dma_wait3A_42] : memref<80x128xi32, #tpu.memory_space<vmem>> -> memref<1x128xi32, #tpu.memory_space<vmem>>
    %dma_wait3A_44 = tpu.memref_squeeze %dma_wait3A_43 : memref<1x128xi32, #tpu.memory_space<vmem>> -> memref<128xi32, #tpu.memory_space<vmem>>
    %dma_wait3A_45 = arith.constant 0 : i32
    %dma_wait3A_46 = arith.constant 0 : i32
    %dma_wait3A_47 = tpu.memref_slice %arg2[%dma_wait3A_45, %dma_wait3A_46] : memref<10240x64xf32, #tpu.memory_space<hbm>> -> memref<10240x64xf32, #tpu.memory_space<hbm>>
    tpu.wait_indirect_dma semaphore(%arg12 : memref<!tpu.dma_semaphore, #tpu.memory_space<semaphore_mem>>) src(%dma_wait3A_47 : memref<10240x64xf32, #tpu.memory_space<hbm>>) dst(%arg9 : memref<128x64xf32, #tpu.memory_space<vmem>>)
    %run_scoped3A_48 = arith.constant 79 : i32
    "tpu.region"() ({
      %run_scoped3A_50 = tpu.sem_alloc : memref<!tpu.dma_semaphore, #tpu.memory_space<semaphore_mem>>
      %dma_start3A_51 = arith.constant 0 : i32
      %dma_start3A_52 = tpu.memref_slice %arg7[%run_scoped3A_48, %dma_start3A_51] : memref<80x128xi32, #tpu.memory_space<vmem>> -> memref<1x128xi32, #tpu.memory_space<vmem>>
      %dma_start3A_53 = tpu.memref_squeeze %dma_start3A_52 : memref<1x128xi32, #tpu.memory_space<vmem>> -> memref<128xi32, #tpu.memory_space<vmem>>
      %dma_start3A_54 = arith.constant 0 : i32
      %dma_start3A_55 = arith.constant 0 : i32
      %dma_start3A_56 = tpu.memref_slice %arg10[%dma_start3A_54, %dma_start3A_55] : memref<10240x64xf32, #tpu.memory_space<vmem_shared>> -> memref<10240x64xf32, #tpu.memory_space<vmem_shared>>
      tpu.enqueue_indirect_dma source(%arg9 : memref<128x64xf32, #tpu.memory_space<vmem>>) target(%dma_start3A_56 : memref<10240x64xf32, #tpu.memory_space<vmem_shared>>) offsets(%dma_start3A_53 : memref<128xi32, #tpu.memory_space<vmem>>) semaphore(%run_scoped3A_50 : memref<!tpu.dma_semaphore, #tpu.memory_space<semaphore_mem>>) {add = true}
      %dma_wait3A_57 = arith.constant 0 : i32
      %dma_wait3A_58 = tpu.memref_slice %arg7[%run_scoped3A_48, %dma_wait3A_57] : memref<80x128xi32, #tpu.memory_space<vmem>> -> memref<1x128xi32, #tpu.memory_space<vmem>>
      %dma_wait3A_59 = tpu.memref_squeeze %dma_wait3A_58 : memref<1x128xi32, #tpu.memory_space<vmem>> -> memref<128xi32, #tpu.memory_space<vmem>>
      %dma_wait3A_60 = arith.constant 0 : i32
      %dma_wait3A_61 = arith.constant 0 : i32
      %dma_wait3A_62 = tpu.memref_slice %arg10[%dma_wait3A_60, %dma_wait3A_61] : memref<10240x64xf32, #tpu.memory_space<vmem_shared>> -> memref<10240x64xf32, #tpu.memory_space<vmem_shared>>
      tpu.wait_indirect_dma semaphore(%run_scoped3A_50 : memref<!tpu.dma_semaphore, #tpu.memory_space<semaphore_mem>>) src(%arg9 : memref<128x64xf32, #tpu.memory_space<vmem>>) dst(%dma_wait3A_62 : memref<10240x64xf32, #tpu.memory_space<vmem_shared>>)
      tpu.yield
    }) : () -> ()
    %barrier3A_49 = arith.constant 0 : index
    tpu.barrier barrier_id(%barrier3A_49)
    "tpu.region"() ({
      %run_scoped3A_50 = tpu.sem_alloc : memref<!tpu.dma_semaphore, #tpu.memory_space<semaphore_mem>>
      %dma_start3A_51 = arith.constant 0 : i32
      %dma_start3A_52 = tpu.memref_slice %arg5[%arg0, %mul3A_2, %dma_start3A_51] : memref<2x10240x64xf32, #tpu.memory_space<hbm>> -> memref<1x640x64xf32, #tpu.memory_space<hbm>>
      %dma_start3A_53 = tpu.memref_squeeze %dma_start3A_52 : memref<1x640x64xf32, #tpu.memory_space<hbm>> -> memref<640x64xf32, #tpu.memory_space<hbm>>
      %dma_start3A_54 = arith.constant 0 : i32
      %dma_start3A_55 = tpu.memref_slice %arg10[%mul3A_2, %dma_start3A_54] : memref<10240x64xf32, #tpu.memory_space<vmem_shared>> -> memref<640x64xf32, #tpu.memory_space<vmem_shared>>
      tpu.enqueue_dma source(%dma_start3A_55 : memref<640x64xf32, #tpu.memory_space<vmem_shared>>) target(%dma_start3A_53 : memref<640x64xf32, #tpu.memory_space<hbm>>) target_semaphore(%run_scoped3A_50 : memref<!tpu.dma_semaphore, #tpu.memory_space<semaphore_mem>>)
      %dma_wait3A_56 = arith.constant 0 : i32
      %dma_wait3A_57 = tpu.memref_slice %arg5[%arg0, %mul3A_2, %dma_wait3A_56] : memref<2x10240x64xf32, #tpu.memory_space<hbm>> -> memref<1x640x64xf32, #tpu.memory_space<hbm>>
      %dma_wait3A_58 = tpu.memref_squeeze %dma_wait3A_57 : memref<1x640x64xf32, #tpu.memory_space<hbm>> -> memref<640x64xf32, #tpu.memory_space<hbm>>
      %dma_wait3A_59 = arith.constant 0 : i32
      %dma_wait3A_60 = tpu.memref_slice %arg10[%mul3A_2, %dma_wait3A_59] : memref<10240x64xf32, #tpu.memory_space<vmem_shared>> -> memref<640x64xf32, #tpu.memory_space<vmem_shared>>
      tpu.wait_dma2 semaphore(%run_scoped3A_50 : memref<!tpu.dma_semaphore, #tpu.memory_space<semaphore_mem>>) src(%dma_wait3A_60 : memref<640x64xf32, #tpu.memory_space<vmem_shared>>) dst(%dma_wait3A_58 : memref<640x64xf32, #tpu.memory_space<hbm>>)
      tpu.yield
    }) : () -> ()
    return
  }
}

#map = affine_map<(d0, d1) -> (0, 0)>
#map1 = affine_map<(d0, d1) -> (0, 0, 0)>
module attributes {stable_mosaic.version = 14 : i64} {
  func.func @k(%arg0: i32, %arg1: i32, %arg2: memref<10240x8xf32, #tpu.memory_space<hbm>>, %arg3: memref<2560x128xi32, #tpu.memory_space<hbm>>, %arg4: memref<2560x128xi32, #tpu.memory_space<hbm>>, %arg5: memref<2x10240x8xf32, #tpu.memory_space<hbm>>, %arg6: memref<80x128xi32, #tpu.memory_space<vmem>>, %arg7: memref<80x128xi32, #tpu.memory_space<vmem>>, %arg8: memref<128x8xf32, #tpu.memory_space<vmem>>, %arg9: memref<128x8xf32, #tpu.memory_space<vmem>>, %arg10: memref<10240x8xf32, #tpu.memory_space<vmem_shared>>, %arg11: memref<!tpu.dma_semaphore, #tpu.memory_space<semaphore_mem>>, %arg12: memref<!tpu.dma_semaphore, #tpu.memory_space<semaphore_mem>>) attributes {dimension_semantics = [#tpu.dimension_semantics<core_parallel>, #tpu.dimension_semantics<subcore_parallel>], iteration_bounds = array<i64: 2, 16>, scalar_prefetch = 0 : i64, scratch_operands = 7 : i64, tpu.core_type = #tpu.core_type<sc_vector_subcore>, window_params = [{transform_indices = #map}, {transform_indices = #map}, {transform_indices = #map}, {transform_indices = #map1}]} {
    %mul3A = arith.constant 16 : i32
    %mul3A_0 = arith.muli %arg0, %mul3A : i32
    %add3A = arith.addi %mul3A_0, %arg1 : i32
    %mul3A_1 = arith.constant 640 : i32
    %mul3A_2 = arith.muli %arg1, %mul3A_1 : i32
    "tpu.region"() ({
      %run_scoped3A_50 = tpu.sem_alloc : memref<!tpu.dma_semaphore, #tpu.memory_space<semaphore_mem>>
      %dma_start3A_51 = arith.constant 10112 : i32
      %dma_start3A_52 = arith.constant 0 : i32
      %dma_start3A_53 = tpu.memref_slice %arg2[%dma_start3A_51, %dma_start3A_52] : memref<10240x8xf32, #tpu.memory_space<hbm>> -> memref<128x8xf32, #tpu.memory_space<hbm>>
      %dma_start3A_54 = arith.constant 10112 : i32
      %dma_start3A_55 = arith.constant 0 : i32
      %dma_start3A_56 = tpu.memref_slice %arg2[%dma_start3A_54, %dma_start3A_55] : memref<10240x8xf32, #tpu.memory_space<hbm>> -> memref<128x8xf32, #tpu.memory_space<hbm>>
      tpu.enqueue_dma source(%dma_start3A_56 : memref<128x8xf32, #tpu.memory_space<hbm>>) target(%arg8 : memref<128x8xf32, #tpu.memory_space<vmem>>) target_semaphore(%run_scoped3A_50 : memref<!tpu.dma_semaphore, #tpu.memory_space<semaphore_mem>>)
      %dma_wait3A_57 = arith.constant 10112 : i32
      %dma_wait3A_58 = arith.constant 0 : i32
      %dma_wait3A_59 = tpu.memref_slice %arg2[%dma_wait3A_57, %dma_wait3A_58] : memref<10240x8xf32, #tpu.memory_space<hbm>> -> memref<128x8xf32, #tpu.memory_space<hbm>>
      %dma_wait3A_60 = arith.constant 10112 : i32
      %dma_wait3A_61 = arith.constant 0 : i32
      %dma_wait3A_62 = tpu.memref_slice %arg2[%dma_wait3A_60, %dma_wait3A_61] : memref<10240x8xf32, #tpu.memory_space<hbm>> -> memref<128x8xf32, #tpu.memory_space<hbm>>
      tpu.wait_dma2 semaphore(%run_scoped3A_50 : memref<!tpu.dma_semaphore, #tpu.memory_space<semaphore_mem>>) src(%dma_wait3A_62 : memref<128x8xf32, #tpu.memory_space<hbm>>) dst(%arg8 : memref<128x8xf32, #tpu.memory_space<vmem>>)
      tpu.yield
    }) : () -> ()
    %add3A_3 = arith.constant 0 : i32
    %add3A_4 = arith.addi %mul3A_2, %add3A_3 : i32
    "tpu.region"() ({
      %run_scoped3A_50 = tpu.sem_alloc : memref<!tpu.dma_semaphore, #tpu.memory_space<semaphore_mem>>
      %dma_start3A_51 = arith.constant 0 : i32
      %dma_start3A_52 = tpu.memref_slice %arg10[%add3A_4, %dma_start3A_51] : memref<10240x8xf32, #tpu.memory_space<vmem_shared>> -> memref<128x8xf32, #tpu.memory_space<vmem_shared>>
      %dma_start3A_53 = arith.constant 0 : i32
      %dma_start3A_54 = tpu.memref_slice %arg10[%add3A_4, %dma_start3A_53] : memref<10240x8xf32, #tpu.memory_space<vmem_shared>> -> memref<128x8xf32, #tpu.memory_space<vmem_shared>>
      tpu.enqueue_dma source(%arg8 : memref<128x8xf32, #tpu.memory_space<vmem>>) target(%dma_start3A_54 : memref<128x8xf32, #tpu.memory_space<vmem_shared>>) target_semaphore(%run_scoped3A_50 : memref<!tpu.dma_semaphore, #tpu.memory_space<semaphore_mem>>)
      %dma_wait3A_55 = arith.constant 0 : i32
      %dma_wait3A_56 = tpu.memref_slice %arg10[%add3A_4, %dma_wait3A_55] : memref<10240x8xf32, #tpu.memory_space<vmem_shared>> -> memref<128x8xf32, #tpu.memory_space<vmem_shared>>
      %dma_wait3A_57 = arith.constant 0 : i32
      %dma_wait3A_58 = tpu.memref_slice %arg10[%add3A_4, %dma_wait3A_57] : memref<10240x8xf32, #tpu.memory_space<vmem_shared>> -> memref<128x8xf32, #tpu.memory_space<vmem_shared>>
      tpu.wait_dma2 semaphore(%run_scoped3A_50 : memref<!tpu.dma_semaphore, #tpu.memory_space<semaphore_mem>>) src(%arg8 : memref<128x8xf32, #tpu.memory_space<vmem>>) dst(%dma_wait3A_58 : memref<128x8xf32, #tpu.memory_space<vmem_shared>>)
      tpu.yield
    }) : () -> ()
    %add3A_5 = arith.constant 128 : i32
    %add3A_6 = arith.addi %mul3A_2, %add3A_5 : i32
    "tpu.region"() ({
      %run_scoped3A_50 = tpu.sem_alloc : memref<!tpu.dma_semaphore, #tpu.memory_space<semaphore_mem>>
      %dma_start3A_51 = arith.constant 0 : i32
      %dma_start3A_52 = tpu.memref_slice %arg10[%add3A_6, %dma_start3A_51] : memref<10240x8xf32, #tpu.memory_space<vmem_shared>> -> memref<128x8xf32, #tpu.memory_space<vmem_shared>>
      %dma_start3A_53 = arith.constant 0 : i32
      %dma_start3A_54 = tpu.memref_slice %arg10[%add3A_6, %dma_start3A_53] : memref<10240x8xf32, #tpu.memory_space<vmem_shared>> -> memref<128x8xf32, #tpu.memory_space<vmem_shared>>
      tpu.enqueue_dma source(%arg8 : memref<128x8xf32, #tpu.memory_space<vmem>>) target(%dma_start3A_54 : memref<128x8xf32, #tpu.memory_space<vmem_shared>>) target_semaphore(%run_scoped3A_50 : memref<!tpu.dma_semaphore, #tpu.memory_space<semaphore_mem>>)
      %dma_wait3A_55 = arith.constant 0 : i32
      %dma_wait3A_56 = tpu.memref_slice %arg10[%add3A_6, %dma_wait3A_55] : memref<10240x8xf32, #tpu.memory_space<vmem_shared>> -> memref<128x8xf32, #tpu.memory_space<vmem_shared>>
      %dma_wait3A_57 = arith.constant 0 : i32
      %dma_wait3A_58 = tpu.memref_slice %arg10[%add3A_6, %dma_wait3A_57] : memref<10240x8xf32, #tpu.memory_space<vmem_shared>> -> memref<128x8xf32, #tpu.memory_space<vmem_shared>>
      tpu.wait_dma2 semaphore(%run_scoped3A_50 : memref<!tpu.dma_semaphore, #tpu.memory_space<semaphore_mem>>) src(%arg8 : memref<128x8xf32, #tpu.memory_space<vmem>>) dst(%dma_wait3A_58 : memref<128x8xf32, #tpu.memory_space<vmem_shared>>)
      tpu.yield
    }) : () -> ()
    %add3A_7 = arith.constant 256 : i32
    %add3A_8 = arith.addi %mul3A_2, %add3A_7 : i32
    "tpu.region"() ({
      %run_scoped3A_50 = tpu.sem_alloc : memref<!tpu.dma_semaphore, #tpu.memory_space<semaphore_mem>>
      %dma_start3A_51 = arith.constant 0 : i32
      %dma_start3A_52 = tpu.memref_slice %arg10[%add3A_8, %dma_start3A_51] : memref<10240x8xf32, #tpu.memory_space<vmem_shared>> -> memref<128x8xf32, #tpu.memory_space<vmem_shared>>
      %dma_start3A_53 = arith.constant 0 : i32
      %dma_start3A_54 = tpu.memref_slice %arg10[%add3A_8, %dma_start3A_53] : memref<10240x8xf32, #tpu.memory_space<vmem_shared>> -> memref<128x8xf32, #tpu.memory_space<vmem_shared>>
      tpu.enqueue_dma source(%arg8 : memref<128x8xf32, #tpu.memory_space<vmem>>) target(%dma_start3A_54 : memref<128x8xf32, #tpu.memory_space<vmem_shared>>) target_semaphore(%run_scoped3A_50 : memref<!tpu.dma_semaphore, #tpu.memory_space<semaphore_mem>>)
      %dma_wait3A_55 = arith.constant 0 : i32
      %dma_wait3A_56 = tpu.memref_slice %arg10[%add3A_8, %dma_wait3A_55] : memref<10240x8xf32, #tpu.memory_space<vmem_shared>> -> memref<128x8xf32, #tpu.memory_space<vmem_shared>>
      %dma_wait3A_57 = arith.constant 0 : i32
      %dma_wait3A_58 = tpu.memref_slice %arg10[%add3A_8, %dma_wait3A_57] : memref<10240x8xf32, #tpu.memory_space<vmem_shared>> -> memref<128x8xf32, #tpu.memory_space<vmem_shared>>
      tpu.wait_dma2 semaphore(%run_scoped3A_50 : memref<!tpu.dma_semaphore, #tpu.memory_space<semaphore_mem>>) src(%arg8 : memref<128x8xf32, #tpu.memory_space<vmem>>) dst(%dma_wait3A_58 : memref<128x8xf32, #tpu.memory_space<vmem_shared>>)
      tpu.yield
    }) : () -> ()
    %add3A_9 = arith.constant 384 : i32
    %add3A_10 = arith.addi %mul3A_2, %add3A_9 : i32
    "tpu.region"() ({
      %run_scoped3A_50 = tpu.sem_alloc : memref<!tpu.dma_semaphore, #tpu.memory_space<semaphore_mem>>
      %dma_start3A_51 = arith.constant 0 : i32
      %dma_start3A_52 = tpu.memref_slice %arg10[%add3A_10, %dma_start3A_51] : memref<10240x8xf32, #tpu.memory_space<vmem_shared>> -> memref<128x8xf32, #tpu.memory_space<vmem_shared>>
      %dma_start3A_53 = arith.constant 0 : i32
      %dma_start3A_54 = tpu.memref_slice %arg10[%add3A_10, %dma_start3A_53] : memref<10240x8xf32, #tpu.memory_space<vmem_shared>> -> memref<128x8xf32, #tpu.memory_space<vmem_shared>>
      tpu.enqueue_dma source(%arg8 : memref<128x8xf32, #tpu.memory_space<vmem>>) target(%dma_start3A_54 : memref<128x8xf32, #tpu.memory_space<vmem_shared>>) target_semaphore(%run_scoped3A_50 : memref<!tpu.dma_semaphore, #tpu.memory_space<semaphore_mem>>)
      %dma_wait3A_55 = arith.constant 0 : i32
      %dma_wait3A_56 = tpu.memref_slice %arg10[%add3A_10, %dma_wait3A_55] : memref<10240x8xf32, #tpu.memory_space<vmem_shared>> -> memref<128x8xf32, #tpu.memory_space<vmem_shared>>
      %dma_wait3A_57 = arith.constant 0 : i32
      %dma_wait3A_58 = tpu.memref_slice %arg10[%add3A_10, %dma_wait3A_57] : memref<10240x8xf32, #tpu.memory_space<vmem_shared>> -> memref<128x8xf32, #tpu.memory_space<vmem_shared>>
      tpu.wait_dma2 semaphore(%run_scoped3A_50 : memref<!tpu.dma_semaphore, #tpu.memory_space<semaphore_mem>>) src(%arg8 : memref<128x8xf32, #tpu.memory_space<vmem>>) dst(%dma_wait3A_58 : memref<128x8xf32, #tpu.memory_space<vmem_shared>>)
      tpu.yield
    }) : () -> ()
    %add3A_11 = arith.constant 512 : i32
    %add3A_12 = arith.addi %mul3A_2, %add3A_11 : i32
    "tpu.region"() ({
      %run_scoped3A_50 = tpu.sem_alloc : memref<!tpu.dma_semaphore, #tpu.memory_space<semaphore_mem>>
      %dma_start3A_51 = arith.constant 0 : i32
      %dma_start3A_52 = tpu.memref_slice %arg10[%add3A_12, %dma_start3A_51] : memref<10240x8xf32, #tpu.memory_space<vmem_shared>> -> memref<128x8xf32, #tpu.memory_space<vmem_shared>>
      %dma_start3A_53 = arith.constant 0 : i32
      %dma_start3A_54 = tpu.memref_slice %arg10[%add3A_12, %dma_start3A_53] : memref<10240x8xf32, #tpu.memory_space<vmem_shared>> -> memref<128x8xf32, #tpu.memory_space<vmem_shared>>
      tpu.enqueue_dma source(%arg8 : memref<128x8xf32, #tpu.memory_space<vmem>>) target(%dma_start3A_54 : memref<128x8xf32, #tpu.memory_space<vmem_shared>>) target_semaphore(%run_scoped3A_50 : memref<!tpu.dma_semaphore, #tpu.memory_space<semaphore_mem>>)
      %dma_wait3A_55 = arith.constant 0 : i32
      %dma_wait3A_56 = tpu.memref_slice %arg10[%add3A_12, %dma_wait3A_55] : memref<10240x8xf32, #tpu.memory_space<vmem_shared>> -> memref<128x8xf32, #tpu.memory_space<vmem_shared>>
      %dma_wait3A_57 = arith.constant 0 : i32
      %dma_wait3A_58 = tpu.memref_slice %arg10[%add3A_12, %dma_wait3A_57] : memref<10240x8xf32, #tpu.memory_space<vmem_shared>> -> memref<128x8xf32, #tpu.memory_space<vmem_shared>>
      tpu.wait_dma2 semaphore(%run_scoped3A_50 : memref<!tpu.dma_semaphore, #tpu.memory_space<semaphore_mem>>) src(%arg8 : memref<128x8xf32, #tpu.memory_space<vmem>>) dst(%dma_wait3A_58 : memref<128x8xf32, #tpu.memory_space<vmem_shared>>)
      tpu.yield
    }) : () -> ()
    %mul3A_13 = arith.constant 80 : i32
    %mul3A_14 = arith.muli %add3A, %mul3A_13 : i32
    "tpu.region"() ({
      %run_scoped3A_50 = tpu.sem_alloc : memref<!tpu.dma_semaphore, #tpu.memory_space<semaphore_mem>>
      %dma_start3A_51 = arith.constant 0 : i32
      %dma_start3A_52 = tpu.memref_slice %arg3[%mul3A_14, %dma_start3A_51] : memref<2560x128xi32, #tpu.memory_space<hbm>> -> memref<80x128xi32, #tpu.memory_space<hbm>>
      %dma_start3A_53 = arith.constant 0 : i32
      %dma_start3A_54 = tpu.memref_slice %arg3[%mul3A_14, %dma_start3A_53] : memref<2560x128xi32, #tpu.memory_space<hbm>> -> memref<80x128xi32, #tpu.memory_space<hbm>>
      tpu.enqueue_dma source(%dma_start3A_54 : memref<80x128xi32, #tpu.memory_space<hbm>>) target(%arg6 : memref<80x128xi32, #tpu.memory_space<vmem>>) target_semaphore(%run_scoped3A_50 : memref<!tpu.dma_semaphore, #tpu.memory_space<semaphore_mem>>)
      %dma_wait3A_55 = arith.constant 0 : i32
      %dma_wait3A_56 = tpu.memref_slice %arg3[%mul3A_14, %dma_wait3A_55] : memref<2560x128xi32, #tpu.memory_space<hbm>> -> memref<80x128xi32, #tpu.memory_space<hbm>>
      %dma_wait3A_57 = arith.constant 0 : i32
      %dma_wait3A_58 = tpu.memref_slice %arg3[%mul3A_14, %dma_wait3A_57] : memref<2560x128xi32, #tpu.memory_space<hbm>> -> memref<80x128xi32, #tpu.memory_space<hbm>>
      tpu.wait_dma2 semaphore(%run_scoped3A_50 : memref<!tpu.dma_semaphore, #tpu.memory_space<semaphore_mem>>) src(%dma_wait3A_58 : memref<80x128xi32, #tpu.memory_space<hbm>>) dst(%arg6 : memref<80x128xi32, #tpu.memory_space<vmem>>)
      tpu.yield
    }) : () -> ()
    %mul3A_15 = arith.constant 80 : i32
    %mul3A_16 = arith.muli %add3A, %mul3A_15 : i32
    "tpu.region"() ({
      %run_scoped3A_50 = tpu.sem_alloc : memref<!tpu.dma_semaphore, #tpu.memory_space<semaphore_mem>>
      %dma_start3A_51 = arith.constant 0 : i32
      %dma_start3A_52 = tpu.memref_slice %arg4[%mul3A_16, %dma_start3A_51] : memref<2560x128xi32, #tpu.memory_space<hbm>> -> memref<80x128xi32, #tpu.memory_space<hbm>>
      %dma_start3A_53 = arith.constant 0 : i32
      %dma_start3A_54 = tpu.memref_slice %arg4[%mul3A_16, %dma_start3A_53] : memref<2560x128xi32, #tpu.memory_space<hbm>> -> memref<80x128xi32, #tpu.memory_space<hbm>>
      tpu.enqueue_dma source(%dma_start3A_54 : memref<80x128xi32, #tpu.memory_space<hbm>>) target(%arg7 : memref<80x128xi32, #tpu.memory_space<vmem>>) target_semaphore(%run_scoped3A_50 : memref<!tpu.dma_semaphore, #tpu.memory_space<semaphore_mem>>)
      %dma_wait3A_55 = arith.constant 0 : i32
      %dma_wait3A_56 = tpu.memref_slice %arg4[%mul3A_16, %dma_wait3A_55] : memref<2560x128xi32, #tpu.memory_space<hbm>> -> memref<80x128xi32, #tpu.memory_space<hbm>>
      %dma_wait3A_57 = arith.constant 0 : i32
      %dma_wait3A_58 = tpu.memref_slice %arg4[%mul3A_16, %dma_wait3A_57] : memref<2560x128xi32, #tpu.memory_space<hbm>> -> memref<80x128xi32, #tpu.memory_space<hbm>>
      tpu.wait_dma2 semaphore(%run_scoped3A_50 : memref<!tpu.dma_semaphore, #tpu.memory_space<semaphore_mem>>) src(%dma_wait3A_58 : memref<80x128xi32, #tpu.memory_space<hbm>>) dst(%arg7 : memref<80x128xi32, #tpu.memory_space<vmem>>)
      tpu.yield
    }) : () -> ()
    %barrier3A = arith.constant 0 : index
    tpu.barrier barrier_id(%barrier3A)
    %dma_start3A = arith.constant 0 : i32
    %dma_start3A_17 = arith.constant 0 : i32
    %dma_start3A_18 = tpu.memref_slice %arg6[%dma_start3A, %dma_start3A_17] : memref<80x128xi32, #tpu.memory_space<vmem>> -> memref<1x128xi32, #tpu.memory_space<vmem>>
    %dma_start3A_19 = tpu.memref_squeeze %dma_start3A_18 : memref<1x128xi32, #tpu.memory_space<vmem>> -> memref<128xi32, #tpu.memory_space<vmem>>
    %dma_start3A_20 = arith.constant 0 : i32
    %dma_start3A_21 = arith.constant 0 : i32
    %dma_start3A_22 = tpu.memref_slice %arg2[%dma_start3A_20, %dma_start3A_21] : memref<10240x8xf32, #tpu.memory_space<hbm>> -> memref<10240x8xf32, #tpu.memory_space<hbm>>
    tpu.enqueue_indirect_dma source(%dma_start3A_22 : memref<10240x8xf32, #tpu.memory_space<hbm>>) target(%arg8 : memref<128x8xf32, #tpu.memory_space<vmem>>) offsets(%dma_start3A_19 : memref<128xi32, #tpu.memory_space<vmem>>) semaphore(%arg11 : memref<!tpu.dma_semaphore, #tpu.memory_space<semaphore_mem>>)
    %scan3A = arith.constant 0 : i32
    %scan3A_23 = arith.constant 0 : i32
    %scan3A_24 = arith.constant 39 : i32
    %scan3A_25 = arith.addi %scan3A_23, %scan3A_24 : i32
    %scan3A_26 = arith.constant 1 : i32
    scf.for %scan3A_50 = %scan3A_23 to %scan3A_25 step %scan3A_26  : i32 {
      %mul3A_51 = arith.constant 2 : i32
      %mul3A_52 = arith.muli %scan3A_50, %mul3A_51 : i32
      %add3A_53 = arith.constant 1 : i32
      %add3A_54 = arith.addi %mul3A_52, %add3A_53 : i32
      %dma_start3A_55 = arith.constant 0 : i32
      %dma_start3A_56 = tpu.memref_slice %arg6[%add3A_54, %dma_start3A_55] : memref<80x128xi32, #tpu.memory_space<vmem>> -> memref<1x128xi32, #tpu.memory_space<vmem>>
      %dma_start3A_57 = tpu.memref_squeeze %dma_start3A_56 : memref<1x128xi32, #tpu.memory_space<vmem>> -> memref<128xi32, #tpu.memory_space<vmem>>
      %dma_start3A_58 = arith.constant 0 : i32
      %dma_start3A_59 = arith.constant 0 : i32
      %dma_start3A_60 = tpu.memref_slice %arg2[%dma_start3A_58, %dma_start3A_59] : memref<10240x8xf32, #tpu.memory_space<hbm>> -> memref<10240x8xf32, #tpu.memory_space<hbm>>
      tpu.enqueue_indirect_dma source(%dma_start3A_60 : memref<10240x8xf32, #tpu.memory_space<hbm>>) target(%arg9 : memref<128x8xf32, #tpu.memory_space<vmem>>) offsets(%dma_start3A_57 : memref<128xi32, #tpu.memory_space<vmem>>) semaphore(%arg12 : memref<!tpu.dma_semaphore, #tpu.memory_space<semaphore_mem>>)
      %dma_wait3A_61 = arith.constant 0 : i32
      %dma_wait3A_62 = tpu.memref_slice %arg6[%mul3A_52, %dma_wait3A_61] : memref<80x128xi32, #tpu.memory_space<vmem>> -> memref<1x128xi32, #tpu.memory_space<vmem>>
      %dma_wait3A_63 = tpu.memref_squeeze %dma_wait3A_62 : memref<1x128xi32, #tpu.memory_space<vmem>> -> memref<128xi32, #tpu.memory_space<vmem>>
      %dma_wait3A_64 = arith.constant 0 : i32
      %dma_wait3A_65 = arith.constant 0 : i32
      %dma_wait3A_66 = tpu.memref_slice %arg2[%dma_wait3A_64, %dma_wait3A_65] : memref<10240x8xf32, #tpu.memory_space<hbm>> -> memref<10240x8xf32, #tpu.memory_space<hbm>>
      tpu.wait_indirect_dma semaphore(%arg11 : memref<!tpu.dma_semaphore, #tpu.memory_space<semaphore_mem>>) src(%dma_wait3A_66 : memref<10240x8xf32, #tpu.memory_space<hbm>>) dst(%arg8 : memref<128x8xf32, #tpu.memory_space<vmem>>)
      "tpu.region"() ({
        %run_scoped3A_85 = tpu.sem_alloc : memref<!tpu.dma_semaphore, #tpu.memory_space<semaphore_mem>>
        %dma_start3A_86 = arith.constant 0 : i32
        %dma_start3A_87 = tpu.memref_slice %arg7[%mul3A_52, %dma_start3A_86] : memref<80x128xi32, #tpu.memory_space<vmem>> -> memref<1x128xi32, #tpu.memory_space<vmem>>
        %dma_start3A_88 = tpu.memref_squeeze %dma_start3A_87 : memref<1x128xi32, #tpu.memory_space<vmem>> -> memref<128xi32, #tpu.memory_space<vmem>>
        %dma_start3A_89 = arith.constant 0 : i32
        %dma_start3A_90 = arith.constant 0 : i32
        %dma_start3A_91 = tpu.memref_slice %arg10[%dma_start3A_89, %dma_start3A_90] : memref<10240x8xf32, #tpu.memory_space<vmem_shared>> -> memref<10240x8xf32, #tpu.memory_space<vmem_shared>>
        tpu.enqueue_indirect_dma source(%arg8 : memref<128x8xf32, #tpu.memory_space<vmem>>) target(%dma_start3A_91 : memref<10240x8xf32, #tpu.memory_space<vmem_shared>>) offsets(%dma_start3A_88 : memref<128xi32, #tpu.memory_space<vmem>>) semaphore(%run_scoped3A_85 : memref<!tpu.dma_semaphore, #tpu.memory_space<semaphore_mem>>) {add = true}
        %dma_wait3A_92 = arith.constant 0 : i32
        %dma_wait3A_93 = tpu.memref_slice %arg7[%mul3A_52, %dma_wait3A_92] : memref<80x128xi32, #tpu.memory_space<vmem>> -> memref<1x128xi32, #tpu.memory_space<vmem>>
        %dma_wait3A_94 = tpu.memref_squeeze %dma_wait3A_93 : memref<1x128xi32, #tpu.memory_space<vmem>> -> memref<128xi32, #tpu.memory_space<vmem>>
        %dma_wait3A_95 = arith.constant 0 : i32
        %dma_wait3A_96 = arith.constant 0 : i32
        %dma_wait3A_97 = tpu.memref_slice %arg10[%dma_wait3A_95, %dma_wait3A_96] : memref<10240x8xf32, #tpu.memory_space<vmem_shared>> -> memref<10240x8xf32, #tpu.memory_space<vmem_shared>>
        tpu.wait_indirect_dma semaphore(%run_scoped3A_85 : memref<!tpu.dma_semaphore, #tpu.memory_space<semaphore_mem>>) src(%arg8 : memref<128x8xf32, #tpu.memory_space<vmem>>) dst(%dma_wait3A_97 : memref<10240x8xf32, #tpu.memory_space<vmem_shared>>)
        tpu.yield
      }) : () -> ()
      %add3A_67 = arith.constant 2 : i32
      %add3A_68 = arith.addi %mul3A_52, %add3A_67 : i32
      %dma_start3A_69 = arith.constant 0 : i32
      %dma_start3A_70 = tpu.memref_slice %arg6[%add3A_68, %dma_start3A_69] : memref<80x128xi32, #tpu.memory_space<vmem>> -> memref<1x128xi32, #tpu.memory_space<vmem>>
      %dma_start3A_71 = tpu.memref_squeeze %dma_start3A_70 : memref<1x128xi32, #tpu.memory_space<vmem>> -> memref<128xi32, #tpu.memory_space<vmem>>
      %dma_start3A_72 = arith.constant 0 : i32
      %dma_start3A_73 = arith.constant 0 : i32
      %dma_start3A_74 = tpu.memref_slice %arg2[%dma_start3A_72, %dma_start3A_73] : memref<10240x8xf32, #tpu.memory_space<hbm>> -> memref<10240x8xf32, #tpu.memory_space<hbm>>
      tpu.enqueue_indirect_dma source(%dma_start3A_74 : memref<10240x8xf32, #tpu.memory_space<hbm>>) target(%arg8 : memref<128x8xf32, #tpu.memory_space<vmem>>) offsets(%dma_start3A_71 : memref<128xi32, #tpu.memory_space<vmem>>) semaphore(%arg11 : memref<!tpu.dma_semaphore, #tpu.memory_space<semaphore_mem>>)
      %add3A_75 = arith.constant 1 : i32
      %add3A_76 = arith.addi %mul3A_52, %add3A_75 : i32
      %dma_wait3A_77 = arith.constant 0 : i32
      %dma_wait3A_78 = tpu.memref_slice %arg6[%add3A_76, %dma_wait3A_77] : memref<80x128xi32, #tpu.memory_space<vmem>> -> memref<1x128xi32, #tpu.memory_space<vmem>>
      %dma_wait3A_79 = tpu.memref_squeeze %dma_wait3A_78 : memref<1x128xi32, #tpu.memory_space<vmem>> -> memref<128xi32, #tpu.memory_space<vmem>>
      %dma_wait3A_80 = arith.constant 0 : i32
      %dma_wait3A_81 = arith.constant 0 : i32
      %dma_wait3A_82 = tpu.memref_slice %arg2[%dma_wait3A_80, %dma_wait3A_81] : memref<10240x8xf32, #tpu.memory_space<hbm>> -> memref<10240x8xf32, #tpu.memory_space<hbm>>
      tpu.wait_indirect_dma semaphore(%arg12 : memref<!tpu.dma_semaphore, #tpu.memory_space<semaphore_mem>>) src(%dma_wait3A_82 : memref<10240x8xf32, #tpu.memory_space<hbm>>) dst(%arg9 : memref<128x8xf32, #tpu.memory_space<vmem>>)
      %add3A_83 = arith.constant 1 : i32
      %add3A_84 = arith.addi %mul3A_52, %add3A_83 : i32
      "tpu.region"() ({
        %run_scoped3A_85 = tpu.sem_alloc : memref<!tpu.dma_semaphore, #tpu.memory_space<semaphore_mem>>
        %dma_start3A_86 = arith.constant 0 : i32
        %dma_start3A_87 = tpu.memref_slice %arg7[%add3A_84, %dma_start3A_86] : memref<80x128xi32, #tpu.memory_space<vmem>> -> memref<1x128xi32, #tpu.memory_space<vmem>>
        %dma_start3A_88 = tpu.memref_squeeze %dma_start3A_87 : memref<1x128xi32, #tpu.memory_space<vmem>> -> memref<128xi32, #tpu.memory_space<vmem>>
        %dma_start3A_89 = arith.constant 0 : i32
        %dma_start3A_90 = arith.constant 0 : i32
        %dma_start3A_91 = tpu.memref_slice %arg10[%dma_start3A_89, %dma_start3A_90] : memref<10240x8xf32, #tpu.memory_space<vmem_shared>> -> memref<10240x8xf32, #tpu.memory_space<vmem_shared>>
        tpu.enqueue_indirect_dma source(%arg9 : memref<128x8xf32, #tpu.memory_space<vmem>>) target(%dma_start3A_91 : memref<10240x8xf32, #tpu.memory_space<vmem_shared>>) offsets(%dma_start3A_88 : memref<128xi32, #tpu.memory_space<vmem>>) semaphore(%run_scoped3A_85 : memref<!tpu.dma_semaphore, #tpu.memory_space<semaphore_mem>>) {add = true}
        %dma_wait3A_92 = arith.constant 0 : i32
        %dma_wait3A_93 = tpu.memref_slice %arg7[%add3A_84, %dma_wait3A_92] : memref<80x128xi32, #tpu.memory_space<vmem>> -> memref<1x128xi32, #tpu.memory_space<vmem>>
        %dma_wait3A_94 = tpu.memref_squeeze %dma_wait3A_93 : memref<1x128xi32, #tpu.memory_space<vmem>> -> memref<128xi32, #tpu.memory_space<vmem>>
        %dma_wait3A_95 = arith.constant 0 : i32
        %dma_wait3A_96 = arith.constant 0 : i32
        %dma_wait3A_97 = tpu.memref_slice %arg10[%dma_wait3A_95, %dma_wait3A_96] : memref<10240x8xf32, #tpu.memory_space<vmem_shared>> -> memref<10240x8xf32, #tpu.memory_space<vmem_shared>>
        tpu.wait_indirect_dma semaphore(%run_scoped3A_85 : memref<!tpu.dma_semaphore, #tpu.memory_space<semaphore_mem>>) src(%arg9 : memref<128x8xf32, #tpu.memory_space<vmem>>) dst(%dma_wait3A_97 : memref<10240x8xf32, #tpu.memory_space<vmem_shared>>)
        tpu.yield
      }) : () -> ()
    }
    %scan3A_27 = arith.constant 39 : i32
    %dma_start3A_28 = arith.constant 79 : i32
    %dma_start3A_29 = arith.constant 0 : i32
    %dma_start3A_30 = tpu.memref_slice %arg6[%dma_start3A_28, %dma_start3A_29] : memref<80x128xi32, #tpu.memory_space<vmem>> -> memref<1x128xi32, #tpu.memory_space<vmem>>
    %dma_start3A_31 = tpu.memref_squeeze %dma_start3A_30 : memref<1x128xi32, #tpu.memory_space<vmem>> -> memref<128xi32, #tpu.memory_space<vmem>>
    %dma_start3A_32 = arith.constant 0 : i32
    %dma_start3A_33 = arith.constant 0 : i32
    %dma_start3A_34 = tpu.memref_slice %arg2[%dma_start3A_32, %dma_start3A_33] : memref<10240x8xf32, #tpu.memory_space<hbm>> -> memref<10240x8xf32, #tpu.memory_space<hbm>>
    tpu.enqueue_indirect_dma source(%dma_start3A_34 : memref<10240x8xf32, #tpu.memory_space<hbm>>) target(%arg9 : memref<128x8xf32, #tpu.memory_space<vmem>>) offsets(%dma_start3A_31 : memref<128xi32, #tpu.memory_space<vmem>>) semaphore(%arg12 : memref<!tpu.dma_semaphore, #tpu.memory_space<semaphore_mem>>)
    %dma_wait3A = arith.constant 78 : i32
    %dma_wait3A_35 = arith.constant 0 : i32
    %dma_wait3A_36 = tpu.memref_slice %arg6[%dma_wait3A, %dma_wait3A_35] : memref<80x128xi32, #tpu.memory_space<vmem>> -> memref<1x128xi32, #tpu.memory_space<vmem>>
    %dma_wait3A_37 = tpu.memref_squeeze %dma_wait3A_36 : memref<1x128xi32, #tpu.memory_space<vmem>> -> memref<128xi32, #tpu.memory_space<vmem>>
    %dma_wait3A_38 = arith.constant 0 : i32
    %dma_wait3A_39 = arith.constant 0 : i32
    %dma_wait3A_40 = tpu.memref_slice %arg2[%dma_wait3A_38, %dma_wait3A_39] : memref<10240x8xf32, #tpu.memory_space<hbm>> -> memref<10240x8xf32, #tpu.memory_space<hbm>>
    tpu.wait_indirect_dma semaphore(%arg11 : memref<!tpu.dma_semaphore, #tpu.memory_space<semaphore_mem>>) src(%dma_wait3A_40 : memref<10240x8xf32, #tpu.memory_space<hbm>>) dst(%arg8 : memref<128x8xf32, #tpu.memory_space<vmem>>)
    %run_scoped3A = arith.constant 78 : i32
    "tpu.region"() ({
      %run_scoped3A_50 = tpu.sem_alloc : memref<!tpu.dma_semaphore, #tpu.memory_space<semaphore_mem>>
      %dma_start3A_51 = arith.constant 0 : i32
      %dma_start3A_52 = tpu.memref_slice %arg7[%run_scoped3A, %dma_start3A_51] : memref<80x128xi32, #tpu.memory_space<vmem>> -> memref<1x128xi32, #tpu.memory_space<vmem>>
      %dma_start3A_53 = tpu.memref_squeeze %dma_start3A_52 : memref<1x128xi32, #tpu.memory_space<vmem>> -> memref<128xi32, #tpu.memory_space<vmem>>
      %dma_start3A_54 = arith.constant 0 : i32
      %dma_start3A_55 = arith.constant 0 : i32
      %dma_start3A_56 = tpu.memref_slice %arg10[%dma_start3A_54, %dma_start3A_55] : memref<10240x8xf32, #tpu.memory_space<vmem_shared>> -> memref<10240x8xf32, #tpu.memory_space<vmem_shared>>
      tpu.enqueue_indirect_dma source(%arg8 : memref<128x8xf32, #tpu.memory_space<vmem>>) target(%dma_start3A_56 : memref<10240x8xf32, #tpu.memory_space<vmem_shared>>) offsets(%dma_start3A_53 : memref<128xi32, #tpu.memory_space<vmem>>) semaphore(%run_scoped3A_50 : memref<!tpu.dma_semaphore, #tpu.memory_space<semaphore_mem>>) {add = true}
      %dma_wait3A_57 = arith.constant 0 : i32
      %dma_wait3A_58 = tpu.memref_slice %arg7[%run_scoped3A, %dma_wait3A_57] : memref<80x128xi32, #tpu.memory_space<vmem>> -> memref<1x128xi32, #tpu.memory_space<vmem>>
      %dma_wait3A_59 = tpu.memref_squeeze %dma_wait3A_58 : memref<1x128xi32, #tpu.memory_space<vmem>> -> memref<128xi32, #tpu.memory_space<vmem>>
      %dma_wait3A_60 = arith.constant 0 : i32
      %dma_wait3A_61 = arith.constant 0 : i32
      %dma_wait3A_62 = tpu.memref_slice %arg10[%dma_wait3A_60, %dma_wait3A_61] : memref<10240x8xf32, #tpu.memory_space<vmem_shared>> -> memref<10240x8xf32, #tpu.memory_space<vmem_shared>>
      tpu.wait_indirect_dma semaphore(%run_scoped3A_50 : memref<!tpu.dma_semaphore, #tpu.memory_space<semaphore_mem>>) src(%arg8 : memref<128x8xf32, #tpu.memory_space<vmem>>) dst(%dma_wait3A_62 : memref<10240x8xf32, #tpu.memory_space<vmem_shared>>)
      tpu.yield
    }) : () -> ()
    %dma_wait3A_41 = arith.constant 79 : i32
    %dma_wait3A_42 = arith.constant 0 : i32
    %dma_wait3A_43 = tpu.memref_slice %arg6[%dma_wait3A_41, %dma_wait3A_42] : memref<80x128xi32, #tpu.memory_space<vmem>> -> memref<1x128xi32, #tpu.memory_space<vmem>>
    %dma_wait3A_44 = tpu.memref_squeeze %dma_wait3A_43 : memref<1x128xi32, #tpu.memory_space<vmem>> -> memref<128xi32, #tpu.memory_space<vmem>>
    %dma_wait3A_45 = arith.constant 0 : i32
    %dma_wait3A_46 = arith.constant 0 : i32
    %dma_wait3A_47 = tpu.memref_slice %arg2[%dma_wait3A_45, %dma_wait3A_46] : memref<10240x8xf32, #tpu.memory_space<hbm>> -> memref<10240x8xf32, #tpu.memory_space<hbm>>
    tpu.wait_indirect_dma semaphore(%arg12 : memref<!tpu.dma_semaphore, #tpu.memory_space<semaphore_mem>>) src(%dma_wait3A_47 : memref<10240x8xf32, #tpu.memory_space<hbm>>) dst(%arg9 : memref<128x8xf32, #tpu.memory_space<vmem>>)
    %run_scoped3A_48 = arith.constant 79 : i32
    "tpu.region"() ({
      %run_scoped3A_50 = tpu.sem_alloc : memref<!tpu.dma_semaphore, #tpu.memory_space<semaphore_mem>>
      %dma_start3A_51 = arith.constant 0 : i32
      %dma_start3A_52 = tpu.memref_slice %arg7[%run_scoped3A_48, %dma_start3A_51] : memref<80x128xi32, #tpu.memory_space<vmem>> -> memref<1x128xi32, #tpu.memory_space<vmem>>
      %dma_start3A_53 = tpu.memref_squeeze %dma_start3A_52 : memref<1x128xi32, #tpu.memory_space<vmem>> -> memref<128xi32, #tpu.memory_space<vmem>>
      %dma_start3A_54 = arith.constant 0 : i32
      %dma_start3A_55 = arith.constant 0 : i32
      %dma_start3A_56 = tpu.memref_slice %arg10[%dma_start3A_54, %dma_start3A_55] : memref<10240x8xf32, #tpu.memory_space<vmem_shared>> -> memref<10240x8xf32, #tpu.memory_space<vmem_shared>>
      tpu.enqueue_indirect_dma source(%arg9 : memref<128x8xf32, #tpu.memory_space<vmem>>) target(%dma_start3A_56 : memref<10240x8xf32, #tpu.memory_space<vmem_shared>>) offsets(%dma_start3A_53 : memref<128xi32, #tpu.memory_space<vmem>>) semaphore(%run_scoped3A_50 : memref<!tpu.dma_semaphore, #tpu.memory_space<semaphore_mem>>) {add = true}
      %dma_wait3A_57 = arith.constant 0 : i32
      %dma_wait3A_58 = tpu.memref_slice %arg7[%run_scoped3A_48, %dma_wait3A_57] : memref<80x128xi32, #tpu.memory_space<vmem>> -> memref<1x128xi32, #tpu.memory_space<vmem>>
      %dma_wait3A_59 = tpu.memref_squeeze %dma_wait3A_58 : memref<1x128xi32, #tpu.memory_space<vmem>> -> memref<128xi32, #tpu.memory_space<vmem>>
      %dma_wait3A_60 = arith.constant 0 : i32
      %dma_wait3A_61 = arith.constant 0 : i32
      %dma_wait3A_62 = tpu.memref_slice %arg10[%dma_wait3A_60, %dma_wait3A_61] : memref<10240x8xf32, #tpu.memory_space<vmem_shared>> -> memref<10240x8xf32, #tpu.memory_space<vmem_shared>>
      tpu.wait_indirect_dma semaphore(%run_scoped3A_50 : memref<!tpu.dma_semaphore, #tpu.memory_space<semaphore_mem>>) src(%arg9 : memref<128x8xf32, #tpu.memory_space<vmem>>) dst(%dma_wait3A_62 : memref<10240x8xf32, #tpu.memory_space<vmem_shared>>)
      tpu.yield
    }) : () -> ()
    %barrier3A_49 = arith.constant 0 : index
    tpu.barrier barrier_id(%barrier3A_49)
    "tpu.region"() ({
      %run_scoped3A_50 = tpu.sem_alloc : memref<!tpu.dma_semaphore, #tpu.memory_space<semaphore_mem>>
      %dma_start3A_51 = arith.constant 0 : i32
      %dma_start3A_52 = tpu.memref_slice %arg5[%arg0, %mul3A_2, %dma_start3A_51] : memref<2x10240x8xf32, #tpu.memory_space<hbm>> -> memref<1x640x8xf32, #tpu.memory_space<hbm>>
      %dma_start3A_53 = tpu.memref_squeeze %dma_start3A_52 : memref<1x640x8xf32, #tpu.memory_space<hbm>> -> memref<640x8xf32, #tpu.memory_space<hbm>>
      %dma_start3A_54 = arith.constant 0 : i32
      %dma_start3A_55 = tpu.memref_slice %arg10[%mul3A_2, %dma_start3A_54] : memref<10240x8xf32, #tpu.memory_space<vmem_shared>> -> memref<640x8xf32, #tpu.memory_space<vmem_shared>>
      tpu.enqueue_dma source(%dma_start3A_55 : memref<640x8xf32, #tpu.memory_space<vmem_shared>>) target(%dma_start3A_53 : memref<640x8xf32, #tpu.memory_space<hbm>>) target_semaphore(%run_scoped3A_50 : memref<!tpu.dma_semaphore, #tpu.memory_space<semaphore_mem>>)
      %dma_wait3A_56 = arith.constant 0 : i32
      %dma_wait3A_57 = tpu.memref_slice %arg5[%arg0, %mul3A_2, %dma_wait3A_56] : memref<2x10240x8xf32, #tpu.memory_space<hbm>> -> memref<1x640x8xf32, #tpu.memory_space<hbm>>
      %dma_wait3A_58 = tpu.memref_squeeze %dma_wait3A_57 : memref<1x640x8xf32, #tpu.memory_space<hbm>> -> memref<640x8xf32, #tpu.memory_space<hbm>>
      %dma_wait3A_59 = arith.constant 0 : i32
      %dma_wait3A_60 = tpu.memref_slice %arg10[%mul3A_2, %dma_wait3A_59] : memref<10240x8xf32, #tpu.memory_space<vmem_shared>> -> memref<640x8xf32, #tpu.memory_space<vmem_shared>>
      tpu.wait_dma2 semaphore(%run_scoped3A_50 : memref<!tpu.dma_semaphore, #tpu.memory_space<semaphore_mem>>) src(%dma_wait3A_60 : memref<640x8xf32, #tpu.memory_space<vmem_shared>>) dst(%dma_wait3A_58 : memref<640x8xf32, #tpu.memory_space<hbm>>)
      tpu.yield
    }) : () -> ()
    return
  }
}

module attributes {stable_mosaic.version = 14 : i64} {
  func.func @body(%arg0: i32, %arg1: memref<256x128xf32, #tpu.memory_space<vmem>>, %arg2: memref<128x128xf32, #tpu.memory_space<vmem>>, %arg3: memref<256x2xf32, #tpu.memory_space<vmem>>, %arg4: memref<256x64xf32, #tpu.memory_space<vmem>>, %arg5: memref<256x64xf32, #tpu.memory_space<vmem>>, %arg6: memref<256x1xf32, #tpu.memory_space<vmem>>) attributes {dimension_semantics = [#tpu.dimension_semantics<arbitrary>], iteration_bounds = array<i64: 40>, scalar_prefetch = 0 : i64, scratch_operands = 0 : i64, tpu.core_type = #tpu.core_type<tc>, window_params = [{transform_indices = @transform_0, window_bounds = array<i64: 256, 128>}, {pipeline_mode = #tpu.pipeline_mode<synchronous>, transform_indices = @transform_1, window_bounds = array<i64: 128, 128>}, {transform_indices = @transform_2, window_bounds = array<i64: 256, 2>}, {transform_indices = @transform_3, window_bounds = array<i64: 256, 64>}, {transform_indices = @transform_4, window_bounds = array<i64: 256, 64>}, {transform_indices = @transform_5, window_bounds = array<i64: 256, 1>}]} {
    %get3A = arith.constant 0 : index
    %get3A_0 = arith.constant 0 : index
    %get3A_1 = vector.load %arg3[%get3A, %get3A_0] : memref<256x2xf32, #tpu.memory_space<vmem>>, vector<256x1xf32>
    %get3A_2 = arith.constant 0 : index
    %get3A_3 = arith.constant 1 : index
    %get3A_4 = vector.load %arg3[%get3A_2, %get3A_3] : memref<256x2xf32, #tpu.memory_space<vmem>>, vector<256x1xf32>
    %add3A = arith.addf %get3A_1, %get3A_4 : vector<256x1xf32>
    %add3A_5 = arith.constant 1.000000e+00 : f32
    %add3A_6 = vector.broadcast %add3A_5 : f32 to vector<256x1xf32>
    %add3A_7 = arith.addf %add3A, %add3A_6 : vector<256x1xf32>
    %iota3A = tpu.iota {dimensions = array<i32: 0>} : vector<256x1xi32>
    %mul3A = arith.constant 256 : i32
    %mul3A_8 = arith.muli %arg0, %mul3A : i32
    %add3A_9 = vector.broadcast %mul3A_8 : i32 to vector<256x1xi32>
    %add3A_10 = arith.addi %iota3A, %add3A_9 : vector<256x1xi32>
    %lt3A = arith.constant 10000 : i32
    %lt3A_11 = vector.broadcast %lt3A : i32 to vector<256x1xi32>
    %lt3A_12 = arith.cmpi slt, %add3A_10, %lt3A_11 : vector<256x1xi32>
    %rsqrt3A = math.rsqrt %add3A_7 : vector<256x1xf32>
    %jit3A = arith.constant 0.000000e+00 : f32
    %broadcast_in_dim3A = vector.broadcast %jit3A : f32 to vector<256x1xf32>
    %select_n3A = arith.select %lt3A_12, %rsqrt3A, %broadcast_in_dim3A : vector<256x1xi1>, vector<256x1xf32>
    %get3A_13 = arith.constant 0 : index
    %get3A_14 = arith.constant 0 : index
    %get3A_15 = vector.load %arg1[%get3A_13, %get3A_14] : memref<256x128xf32, #tpu.memory_space<vmem>>, vector<256x128xf32>
    %get3A_16 = arith.constant 0 : index
    %get3A_17 = arith.constant 0 : index
    %get3A_18 = vector.load %arg2[%get3A_16, %get3A_17] : memref<128x128xf32, #tpu.memory_space<vmem>>, vector<128x128xf32>
    %dot_general3A = arith.constant dense<0.000000e+00> : vector<256x128xf32>
    %dot_general3A_19 = tpu.matmul %get3A_15, %get3A_18, %dot_general3A {dimension_numbers = #tpu.dot_dimension_numbers<[1], [0], [0], [1], [0, 0, 1, 1], [], []>, transpose_lhs_hint = false} : vector<256x128xf32>, vector<128x128xf32>, vector<256x128xf32> -> vector<256x128xf32>
    %mul3A_20 = vector.broadcast %select_n3A : vector<256x1xf32> to vector<256x128xf32>
    %mul3A_21 = arith.mulf %dot_general3A_19, %mul3A_20 : vector<256x128xf32>
    %slice3A = vector.extract_strided_slice %mul3A_21 {offsets = [0, 0], sizes = [256, 64], strides = [1, 1]} : vector<256x128xf32> to vector<256x64xf32>
    %swap3A = arith.constant 0 : index
    %swap3A_22 = arith.constant 0 : index
    %swap3A_23 = vector.load %arg4[%swap3A, %swap3A_22] : memref<256x64xf32, #tpu.memory_space<vmem>>, vector<256x64xf32>
    tpu.vector_store %arg4[%swap3A, %swap3A_22], %slice3A {strides = array<i32>} : memref<256x64xf32, #tpu.memory_space<vmem>>, vector<256x64xf32>,
    %slice3A_24 = vector.extract_strided_slice %mul3A_21 {offsets = [0, 64], sizes = [256, 64], strides = [1, 1]} : vector<256x128xf32> to vector<256x64xf32>
    %swap3A_25 = arith.constant 0 : index
    %swap3A_26 = arith.constant 0 : index
    %swap3A_27 = vector.load %arg5[%swap3A_25, %swap3A_26] : memref<256x64xf32, #tpu.memory_space<vmem>>, vector<256x64xf32>
    tpu.vector_store %arg5[%swap3A_25, %swap3A_26], %slice3A_24 {strides = array<i32>} : memref<256x64xf32, #tpu.memory_space<vmem>>, vector<256x64xf32>,
    %swap3A_28 = arith.constant 0 : index
    %swap3A_29 = arith.constant 0 : index
    %swap3A_30 = vector.load %arg6[%swap3A_28, %swap3A_29] : memref<256x1xf32, #tpu.memory_space<vmem>>, vector<256x1xf32>
    tpu.vector_store %arg6[%swap3A_28, %swap3A_29], %select_n3A {strides = array<i32>} : memref<256x1xf32, #tpu.memory_space<vmem>>, vector<256x1xf32>,
    return
  }
  func.func @transform_0(%arg0: i32) -> (i32, i32) {
    %c0_i32 = arith.constant 0 : i32
    %c0_i32_0 = arith.constant 0 : i32
    return %arg0, %c0_i32 : i32, i32
  }
  func.func @transform_1(%arg0: i32) -> (i32, i32) {
    %c0_i32 = arith.constant 0 : i32
    %c0_i32_0 = arith.constant 0 : i32
    %c0_i32_1 = arith.constant 0 : i32
    return %c0_i32, %c0_i32_0 : i32, i32
  }
  func.func @transform_2(%arg0: i32) -> (i32, i32) {
    %c0_i32 = arith.constant 0 : i32
    %c0_i32_0 = arith.constant 0 : i32
    return %arg0, %c0_i32 : i32, i32
  }
  func.func @transform_3(%arg0: i32) -> (i32, i32) {
    %c0_i32 = arith.constant 0 : i32
    %c0_i32_0 = arith.constant 0 : i32
    return %arg0, %c0_i32 : i32, i32
  }
  func.func @transform_4(%arg0: i32) -> (i32, i32) {
    %c0_i32 = arith.constant 0 : i32
    %c0_i32_0 = arith.constant 0 : i32
    return %arg0, %c0_i32 : i32, i32
  }
  func.func @transform_5(%arg0: i32) -> (i32, i32) {
    %c0_i32 = arith.constant 0 : i32
    %c0_i32_0 = arith.constant 0 : i32
    return %arg0, %c0_i32 : i32, i32
  }
}

module attributes {stable_mosaic.version = 14 : i64} {
  func.func @body(%arg0: i32, %arg1: memref<256x64xf32, #tpu.memory_space<vmem>>, %arg2: memref<256x64xf32, #tpu.memory_space<vmem>>, %arg3: memref<256x64xf32, #tpu.memory_space<vmem>>, %arg4: memref<256x64xf32, #tpu.memory_space<vmem>>, %arg5: memref<256x64xf32, #tpu.memory_space<vmem>>, %arg6: memref<256x64xf32, #tpu.memory_space<vmem>>, %arg7: memref<256x1xf32, #tpu.memory_space<vmem>>, %arg8: memref<1x64xf32, #tpu.memory_space<vmem>>, %arg9: memref<1x64xf32, #tpu.memory_space<vmem>>, %arg10: memref<64x8xf32, #tpu.memory_space<vmem>>, %arg11: memref<64x8xf32, #tpu.memory_space<vmem>>, %arg12: memref<256x8xf32, #tpu.memory_space<vmem>>) attributes {dimension_semantics = [#tpu.dimension_semantics<arbitrary>], iteration_bounds = array<i64: 40>, scalar_prefetch = 0 : i64, scratch_operands = 0 : i64, tpu.core_type = #tpu.core_type<tc>, window_params = [{transform_indices = @transform_0, window_bounds = array<i64: 256, 64>}, {transform_indices = @transform_1, window_bounds = array<i64: 256, 64>}, {transform_indices = @transform_2, window_bounds = array<i64: 256, 64>}, {transform_indices = @transform_3, window_bounds = array<i64: 256, 64>}, {transform_indices = @transform_4, window_bounds = array<i64: 256, 64>}, {transform_indices = @transform_5, window_bounds = array<i64: 256, 64>}, {transform_indices = @transform_6, window_bounds = array<i64: 256, 1>}, {pipeline_mode = #tpu.pipeline_mode<synchronous>, transform_indices = @transform_7, window_bounds = array<i64: 1, 64>}, {pipeline_mode = #tpu.pipeline_mode<synchronous>, transform_indices = @transform_8, window_bounds = array<i64: 1, 64>}, {pipeline_mode = #tpu.pipeline_mode<synchronous>, transform_indices = @transform_9, window_bounds = array<i64: 64, 8>}, {pipeline_mode = #tpu.pipeline_mode<synchronous>, transform_indices = @transform_10, window_bounds = array<i64: 64, 8>}, {transform_indices = @transform_11, window_bounds = array<i64: 256, 8>}]} {
    %get3A = arith.constant 0 : index
    %get3A_0 = arith.constant 0 : index
    %get3A_1 = vector.load %arg7[%get3A, %get3A_0] : memref<256x1xf32, #tpu.memory_space<vmem>>, vector<256x1xf32>
    %get3A_2 = arith.constant 0 : index
    %get3A_3 = arith.constant 0 : index
    %get3A_4 = vector.load %arg1[%get3A_2, %get3A_3] : memref<256x64xf32, #tpu.memory_space<vmem>>, vector<256x64xf32>
    %get3A_5 = arith.constant 0 : index
    %get3A_6 = arith.constant 0 : index
    %get3A_7 = vector.load %arg2[%get3A_5, %get3A_6] : memref<256x64xf32, #tpu.memory_space<vmem>>, vector<256x64xf32>
    %add3A = arith.addf %get3A_4, %get3A_7 : vector<256x64xf32>
    %get3A_8 = arith.constant 0 : index
    %get3A_9 = arith.constant 0 : index
    %get3A_10 = vector.load %arg5[%get3A_8, %get3A_9] : memref<256x64xf32, #tpu.memory_space<vmem>>, vector<256x64xf32>
    %add3A_11 = arith.addf %add3A, %get3A_10 : vector<256x64xf32>
    %mul3A = vector.broadcast %get3A_1 : vector<256x1xf32> to vector<256x64xf32>
    %mul3A_12 = arith.mulf %mul3A, %add3A_11 : vector<256x64xf32>
    %get3A_13 = arith.constant 0 : index
    %get3A_14 = arith.constant 0 : index
    %get3A_15 = vector.load %arg8[%get3A_13, %get3A_14] : memref<1x64xf32, #tpu.memory_space<vmem>>, vector<1x64xf32>
    %add3A_16 = vector.broadcast %get3A_15 : vector<1x64xf32> to vector<256x64xf32>
    %add3A_17 = arith.addf %mul3A_12, %add3A_16 : vector<256x64xf32>
    %get3A_18 = arith.constant 0 : index
    %get3A_19 = arith.constant 0 : index
    %get3A_20 = vector.load %arg3[%get3A_18, %get3A_19] : memref<256x64xf32, #tpu.memory_space<vmem>>, vector<256x64xf32>
    %get3A_21 = arith.constant 0 : index
    %get3A_22 = arith.constant 0 : index
    %get3A_23 = vector.load %arg4[%get3A_21, %get3A_22] : memref<256x64xf32, #tpu.memory_space<vmem>>, vector<256x64xf32>
    %add3A_24 = arith.addf %get3A_20, %get3A_23 : vector<256x64xf32>
    %get3A_25 = arith.constant 0 : index
    %get3A_26 = arith.constant 0 : index
    %get3A_27 = vector.load %arg6[%get3A_25, %get3A_26] : memref<256x64xf32, #tpu.memory_space<vmem>>, vector<256x64xf32>
    %add3A_28 = arith.addf %add3A_24, %get3A_27 : vector<256x64xf32>
    %mul3A_29 = vector.broadcast %get3A_1 : vector<256x1xf32> to vector<256x64xf32>
    %mul3A_30 = arith.mulf %mul3A_29, %add3A_28 : vector<256x64xf32>
    %get3A_31 = arith.constant 0 : index
    %get3A_32 = arith.constant 0 : index
    %get3A_33 = vector.load %arg9[%get3A_31, %get3A_32] : memref<1x64xf32, #tpu.memory_space<vmem>>, vector<1x64xf32>
    %add3A_34 = vector.broadcast %get3A_33 : vector<1x64xf32> to vector<256x64xf32>
    %add3A_35 = arith.addf %mul3A_30, %add3A_34 : vector<256x64xf32>
    %max3A = arith.constant 0.000000e+00 : f32
    %max3A_36 = vector.broadcast %max3A : f32 to vector<256x64xf32>
    %max3A_37 = arith.maximumf %add3A_17, %max3A_36 : vector<256x64xf32>
    %max3A_38 = arith.constant 0.000000e+00 : f32
    %max3A_39 = vector.broadcast %max3A_38 : f32 to vector<256x64xf32>
    %max3A_40 = arith.maximumf %add3A_35, %max3A_39 : vector<256x64xf32>
    %get3A_41 = arith.constant 0 : index
    %get3A_42 = arith.constant 0 : index
    %get3A_43 = vector.load %arg10[%get3A_41, %get3A_42] : memref<64x8xf32, #tpu.memory_space<vmem>>, vector<64x8xf32>
    %dot_general3A = arith.constant dense<0.000000e+00> : vector<256x8xf32>
    %dot_general3A_44 = tpu.matmul %max3A_37, %get3A_43, %dot_general3A {dimension_numbers = #tpu.dot_dimension_numbers<[1], [0], [0], [1], [0, 0, 1, 1], [], []>, transpose_lhs_hint = false} : vector<256x64xf32>, vector<64x8xf32>, vector<256x8xf32> -> vector<256x8xf32>
    %get3A_45 = arith.constant 0 : index
    %get3A_46 = arith.constant 0 : index
    %get3A_47 = vector.load %arg11[%get3A_45, %get3A_46] : memref<64x8xf32, #tpu.memory_space<vmem>>, vector<64x8xf32>
    %dot_general3A_48 = arith.constant dense<0.000000e+00> : vector<256x8xf32>
    %dot_general3A_49 = tpu.matmul %max3A_40, %get3A_47, %dot_general3A_48 {dimension_numbers = #tpu.dot_dimension_numbers<[1], [0], [0], [1], [0, 0, 1, 1], [], []>, transpose_lhs_hint = false} : vector<256x64xf32>, vector<64x8xf32>, vector<256x8xf32> -> vector<256x8xf32>
    %add3A_50 = arith.addf %dot_general3A_44, %dot_general3A_49 : vector<256x8xf32>
    %mul3A_51 = vector.broadcast %get3A_1 : vector<256x1xf32> to vector<256x8xf32>
    %mul3A_52 = arith.mulf %add3A_50, %mul3A_51 : vector<256x8xf32>
    %swap3A = arith.constant 0 : index
    %swap3A_53 = arith.constant 0 : index
    %swap3A_54 = vector.load %arg12[%swap3A, %swap3A_53] : memref<256x8xf32, #tpu.memory_space<vmem>>, vector<256x8xf32>
    tpu.vector_store %arg12[%swap3A, %swap3A_53], %mul3A_52 {strides = array<i32>} : memref<256x8xf32, #tpu.memory_space<vmem>>, vector<256x8xf32>,
    return
  }
  func.func @transform_0(%arg0: i32) -> (i32, i32) {
    %c0_i32 = arith.constant 0 : i32
    %c0_i32_0 = arith.constant 0 : i32
    return %arg0, %c0_i32 : i32, i32
  }
  func.func @transform_1(%arg0: i32) -> (i32, i32) {
    %c0_i32 = arith.constant 0 : i32
    %c0_i32_0 = arith.constant 0 : i32
    return %arg0, %c0_i32 : i32, i32
  }
  func.func @transform_2(%arg0: i32) -> (i32, i32) {
    %c0_i32 = arith.constant 0 : i32
    %c0_i32_0 = arith.constant 0 : i32
    return %arg0, %c0_i32 : i32, i32
  }
  func.func @transform_3(%arg0: i32) -> (i32, i32) {
    %c0_i32 = arith.constant 0 : i32
    %c0_i32_0 = arith.constant 0 : i32
    return %arg0, %c0_i32 : i32, i32
  }
  func.func @transform_4(%arg0: i32) -> (i32, i32) {
    %c0_i32 = arith.constant 0 : i32
    %c0_i32_0 = arith.constant 0 : i32
    return %arg0, %c0_i32 : i32, i32
  }
  func.func @transform_5(%arg0: i32) -> (i32, i32) {
    %c0_i32 = arith.constant 0 : i32
    %c0_i32_0 = arith.constant 0 : i32
    return %arg0, %c0_i32 : i32, i32
  }
  func.func @transform_6(%arg0: i32) -> (i32, i32) {
    %c0_i32 = arith.constant 0 : i32
    %c0_i32_0 = arith.constant 0 : i32
    return %arg0, %c0_i32 : i32, i32
  }
  func.func @transform_7(%arg0: i32) -> (i32, i32) {
    %c0_i32 = arith.constant 0 : i32
    %c0_i32_0 = arith.constant 0 : i32
    %c0_i32_1 = arith.constant 0 : i32
    return %c0_i32, %c0_i32_0 : i32, i32
  }
  func.func @transform_8(%arg0: i32) -> (i32, i32) {
    %c0_i32 = arith.constant 0 : i32
    %c0_i32_0 = arith.constant 0 : i32
    %c0_i32_1 = arith.constant 0 : i32
    return %c0_i32, %c0_i32_0 : i32, i32
  }
  func.func @transform_9(%arg0: i32) -> (i32, i32) {
    %c0_i32 = arith.constant 0 : i32
    %c0_i32_0 = arith.constant 0 : i32
    %c0_i32_1 = arith.constant 0 : i32
    return %c0_i32, %c0_i32_0 : i32, i32
  }
  func.func @transform_10(%arg0: i32) -> (i32, i32) {
    %c0_i32 = arith.constant 0 : i32
    %c0_i32_0 = arith.constant 0 : i32
    %c0_i32_1 = arith.constant 0 : i32
    return %c0_i32, %c0_i32_0 : i32, i32
  }
  func.func @transform_11(%arg0: i32) -> (i32, i32) {
    %c0_i32 = arith.constant 0 : i32
    %c0_i32_0 = arith.constant 0 : i32
    return %arg0, %c0_i32 : i32, i32
  }
}

module attributes {stable_mosaic.version = 14 : i64} {
  func.func @body(%arg0: i32, %arg1: memref<256x8xf32, #tpu.memory_space<vmem>>, %arg2: memref<256x8xf32, #tpu.memory_space<vmem>>, %arg3: memref<256x8xf32, #tpu.memory_space<vmem>>, %arg4: memref<256x1xf32, #tpu.memory_space<vmem>>, %arg5: memref<1x8xf32, #tpu.memory_space<vmem>>, %arg6: memref<256x8xf32, #tpu.memory_space<vmem>>) attributes {dimension_semantics = [#tpu.dimension_semantics<arbitrary>], iteration_bounds = array<i64: 40>, scalar_prefetch = 0 : i64, scratch_operands = 0 : i64, tpu.core_type = #tpu.core_type<tc>, window_params = [{transform_indices = @transform_0, window_bounds = array<i64: 256, 8>}, {transform_indices = @transform_1, window_bounds = array<i64: 256, 8>}, {transform_indices = @transform_2, window_bounds = array<i64: 256, 8>}, {transform_indices = @transform_3, window_bounds = array<i64: 256, 1>}, {pipeline_mode = #tpu.pipeline_mode<synchronous>, transform_indices = @transform_4, window_bounds = array<i64: 1, 8>}, {transform_indices = @transform_5, window_bounds = array<i64: 256, 8>}]} {
    %get3A = arith.constant 0 : index
    %get3A_0 = arith.constant 0 : index
    %get3A_1 = vector.load %arg4[%get3A, %get3A_0] : memref<256x1xf32, #tpu.memory_space<vmem>>, vector<256x1xf32>
    %get3A_2 = arith.constant 0 : index
    %get3A_3 = arith.constant 0 : index
    %get3A_4 = vector.load %arg1[%get3A_2, %get3A_3] : memref<256x8xf32, #tpu.memory_space<vmem>>, vector<256x8xf32>
    %get3A_5 = arith.constant 0 : index
    %get3A_6 = arith.constant 0 : index
    %get3A_7 = vector.load %arg2[%get3A_5, %get3A_6] : memref<256x8xf32, #tpu.memory_space<vmem>>, vector<256x8xf32>
    %add3A = arith.addf %get3A_4, %get3A_7 : vector<256x8xf32>
    %get3A_8 = arith.constant 0 : index
    %get3A_9 = arith.constant 0 : index
    %get3A_10 = vector.load %arg3[%get3A_8, %get3A_9] : memref<256x8xf32, #tpu.memory_space<vmem>>, vector<256x8xf32>
    %add3A_11 = arith.addf %add3A, %get3A_10 : vector<256x8xf32>
    %mul3A = vector.broadcast %get3A_1 : vector<256x1xf32> to vector<256x8xf32>
    %mul3A_12 = arith.mulf %mul3A, %add3A_11 : vector<256x8xf32>
    %get3A_13 = arith.constant 0 : index
    %get3A_14 = arith.constant 0 : index
    %get3A_15 = vector.load %arg5[%get3A_13, %get3A_14] : memref<1x8xf32, #tpu.memory_space<vmem>>, vector<1x8xf32>
    %add3A_16 = vector.broadcast %get3A_15 : vector<1x8xf32> to vector<256x8xf32>
    %add3A_17 = arith.addf %mul3A_12, %add3A_16 : vector<256x8xf32>
    %swap3A = arith.constant 0 : index
    %swap3A_18 = arith.constant 0 : index
    %swap3A_19 = vector.load %arg6[%swap3A, %swap3A_18] : memref<256x8xf32, #tpu.memory_space<vmem>>, vector<256x8xf32>
    tpu.vector_store %arg6[%swap3A, %swap3A_18], %add3A_17 {strides = array<i32>} : memref<256x8xf32, #tpu.memory_space<vmem>>, vector<256x8xf32>,
    return
  }
  func.func @transform_0(%arg0: i32) -> (i32, i32) {
    %c0_i32 = arith.constant 0 : i32
    %c0_i32_0 = arith.constant 0 : i32
    return %arg0, %c0_i32 : i32, i32
  }
  func.func @transform_1(%arg0: i32) -> (i32, i32) {
    %c0_i32 = arith.constant 0 : i32
    %c0_i32_0 = arith.constant 0 : i32
    return %arg0, %c0_i32 : i32, i32
  }
  func.func @transform_2(%arg0: i32) -> (i32, i32) {
    %c0_i32 = arith.constant 0 : i32
    %c0_i32_0 = arith.constant 0 : i32
    return %arg0, %c0_i32 : i32, i32
  }
  func.func @transform_3(%arg0: i32) -> (i32, i32) {
    %c0_i32 = arith.constant 0 : i32
    %c0_i32_0 = arith.constant 0 : i32
    return %arg0, %c0_i32 : i32, i32
  }
  func.func @transform_4(%arg0: i32) -> (i32, i32) {
    %c0_i32 = arith.constant 0 : i32
    %c0_i32_0 = arith.constant 0 : i32
    %c0_i32_1 = arith.constant 0 : i32
    return %c0_i32, %c0_i32_0 : i32, i32
  }
  func.func @transform_5(%arg0: i32) -> (i32, i32) {
    %c0_i32 = arith.constant 0 : i32
    %c0_i32_0 = arith.constant 0 : i32
    return %arg0, %c0_i32 : i32, i32
  }
}

</mosaic_0001>

<sc_bundles>
// kernel: kernel.12.cloned.1.call-start
scs
__scs_entry_jumppad:
0x0: {  	(pc) =	sbr.rel $0x88, $3  }
0x1: {  	(tag) =	ssettag $0x0;
	lr =	simm.s32 $0x1  }
0x2: {  	[smem:$0x3F9B] =	sst lr;
	_ =	strace $0xD0000000  }
0x3: {  	_ = 	snop  }
0x4: {  	_ = 	snop  }
0x5: {  	_ = 	snop  }
0x6: {  	_ = 	snop  }
0x7: {  	_ = 	snop  }
__scs_overlays_trampoline_lowered:
0x8: {  	[smem:$0x3FAA] =	sst s0  }
0x9: {  	[smem:$0x3FAB] =	sst s1  }
0xa: {  	[smem:$0x3FAC] =	sst s2  }
0xb: {  	[smem:$0x3FAD] =	sst s3  }
0xc: {  	[smem:$0x3FAE] =	sst s4  }
0xd: {  	[smem:$0x3FAF] =	sst s5  }
0xe: {  	[smem:$0x3FB0] =	sst s6  }
0xf: {  	[smem:$0x3FB1] =	sst s7  }
0x10: {  	[smem:$0x3FB2] =	sst s8  }
0x11: {  	[smem:$0x3FB3] =	sst s9;
	s0 =	simm.s32 @!p0 $0x0  }
0x12: {  	s1 =	sld [smem:$0x3F99];
	s0 =	simm.s32 @p0 $0x1  }
0x13: {  	[smem:$0x3FB4] =	sst s0;
	s0 =	simm.s32 @!p1 $0x0  }
0x14: {  	s2 =	sld [smem:$0x3F98];
	s0 =	simm.s32 @p1 $0x1  }
0x15: {  	[smem:$0x3FB5] =	sst s0;
	s0 =	simm.s32 @!p2 $0x0  }
0x16: {  	s3 =	sld [smem:$0x3FDB];
	s0 =	simm.s32 @p2 $0x1  }
0x17: {  	s4 =	simm.s32 $0x1BF5;
	[smem:$0x3FB7] =	sst s0  }
0x18: {  	s0 =	sld [smem:$0x3F9A];
	_ =	swait.ge [sflag:s4], $0x0  }
0x19: {  	s7 =	sld [smem:$0x3F9B]  }
0x1a: {  	s8 =	sadd.s32 $0xFFFFE003, lr  }
0x1b: {  	s9 =	sadd.s32 $0xFFFFFEF7, lr;
	s5 =	simm.s32 $0xFFFFFFFF;
	p2 =	slt.u32 s8, $0xFFFFF086  }
0x1c: {  	p1 =	slt.u32 s9, $0xF7A;
	s5 =	simm.s32 @!p2 $0x0  }
0x1d: {  	s5 =	simm.s32 @p1 $0x1;
	p0 =	seq.s32 s7, s2  }
0x1e: {  	s7 =	smul.u32 @!p0 $0xF7A, s2;
	p2 =	seq.s32 @!p0 s5, $0x0  }
0x1f: {  	s9 =	smul.u32 $0xF7A, s1;
	s8 =	simm.s32 @!p0 $0x1BF5;
	p2 =	por !p2, p0  }
0x20: {  	[sflag:s8] =	ssyncset.s32 @!p0 $0xFFFFF086;
	s6 =	sadd.s32 @!p0 s3, s7;
	s7 =	simm.s32 @!p0 $0x108  }
0x21: {  	s3 =	sadd.s32 s3, s9;
	s6 =	sadd.s32 @!p0 $0x88, s6;
	s7 =	simm.s32 @p2 $0x1082  }
0x22: {  	[simem:s7], [sflag:s8] =	dma.local @!p0 [hbm:s6], $0xF7A  }
0x23: {  	s9 =	sor.u32 $0xD0000000, s2;
	s6 =	simm.s32 $0x108;
	_ =	swait.ge @!p0 [sflag:s8], $0x0  }
0x24: {  	s3 =	sadd.s32 $0x88, s3;
	s6 =	simm.s32 @!p1 $0x1082;
	[sflag:s4] =	ssyncset.s32 $0xFFFFF086  }
0x25: {  	[simem:s6], [sflag:s4] =	dma.local [hbm:s3], $0xF7A  }
0x26: {  	[smem:$0x3F9B] =	sst s1;
	(tag) =	ssettag s2;
	_ =	strace s9  }
0x27: {  	s1 =	sld [smem:$0x3FAB]  }
0x28: {  	s2 =	sld [smem:$0x3FAC]  }
0x29: {  	s4 =	sld [smem:$0x3FAE]  }
0x2a: {  	p0 =	seq.s32 s5, $0x0;
	s5 =	sld [smem:$0x3FAF]  }
0x2b: {  	s6 =	sld [smem:$0x3FB0]  }
0x2c: {  	s7 =	sld [smem:$0x3FB1]  }
0x2d: {  	s3 =	simm.s32 $0x108;
	s8 =	sld [smem:$0x3FB2]  }
0x2e: {  	s3 =	simm.s32 @!p0 $0x1082;
	s9 =	sld [smem:$0x3FB3]  }
0x2f: {  	lr =	sadd.s32 s0, s3;
	s0 =	sld [smem:$0x3FAA]  }
0x30: {  	s3 =	sld [smem:$0x3FAD]  }
0x31: {  	[smem:$0x3FB6] =	sst s10  }
0x32: {  	s10 =	sld [smem:$0x3FB4];
	_ =	sdelay $0x3  }
0x33: {  	p0 =	seq.s32 s10, $0x1;
	s10 =	sld [smem:$0x3FB6];
	_ =	sdelay $0x3  }
0x34: {  	[smem:$0x3FB6] =	sst s10  }
0x35: {  	s10 =	sld [smem:$0x3FB5];
	_ =	sdelay $0x3  }
0x36: {  	p1 =	seq.s32 s10, $0x1;
	s10 =	sld [smem:$0x3FB6];
	_ =	sdelay $0x3  }
0x37: {  	[smem:$0x3FB6] =	sst s10  }
0x38: {  	s10 =	sld [smem:$0x3FB7]  }
0x39: {  	_ = 	snop;
	(pc) =	sbr.ind lr, $3  }
0x3a: {  	_ = 	snop  }
0x3b: {  	_ = 	snop  }
0x3c: {  	p2 =	seq.s32 s10, $0x1;
	s10 =	sld [smem:$0x3FB6]  }
0x3d: {  	_ =	shalt  }
0x3e: {  	_ =	shalt  }
0x3f: {  	_ =	shalt  }
0x40: {  	_ =	shalt  }
0x41: {  	_ =	shalt  }
0x42: {  	_ =	shalt  }
0x43: {  	_ =	shalt  }
0x44: {  	_ =	shalt  }
0x45: {  	_ =	shalt  }
0x46: {  	_ =	shalt  }
0x47: {  	_ =	shalt  }
0x48: {  	_ =	shalt  }
0x49: {  	_ =	shalt  }
0x4a: {  	_ =	shalt  }
0x4b: {  	_ =	shalt  }
0x4c: {  	_ =	shalt  }
0x4d: {  	_ =	shalt  }
0x4e: {  	_ =	shalt  }
0x4f: {  	_ =	shalt  }
0x50: {  	_ =	shalt  }
0x51: {  	_ =	shalt  }
0x52: {  	_ =	shalt  }
0x53: {  	_ =	shalt  }
0x54: {  	_ =	shalt  }
0x55: {  	_ =	shalt  }
0x56: {  	_ =	shalt  }
0x57: {  	_ =	shalt  }
0x58: {  	_ =	shalt  }
0x59: {  	_ =	shalt  }
0x5a: {  	_ =	shalt  }
0x5b: {  	_ =	shalt  }
0x5c: {  	_ =	shalt  }
0x5d: {  	_ =	shalt  }
0x5e: {  	_ =	shalt  }
0x5f: {  	_ =	shalt  }
0x60: {  	_ =	shalt  }
0x61: {  	_ =	shalt  }
0x62: {  	_ =	shalt  }
0x63: {  	_ =	shalt  }
0x64: {  	_ =	shalt  }
0x65: {  	_ =	shalt  }
0x66: {  	_ =	shalt  }
0x67: {  	_ =	shalt  }
0x68: {  	_ =	shalt  }
0x69: {  	_ =	shalt  }
0x6a: {  	_ =	shalt  }
0x6b: {  	_ =	shalt  }
0x6c: {  	_ =	shalt  }
0x6d: {  	_ =	shalt  }
0x6e: {  	_ =	shalt  }
0x6f: {  	_ =	shalt  }
0x70: {  	_ =	shalt  }
0x71: {  	_ =	shalt  }
0x72: {  	_ =	shalt  }
0x73: {  	_ =	shalt  }
0x74: {  	_ =	shalt  }
0x75: {  	_ =	shalt  }
0x76: {  	_ =	shalt  }
0x77: {  	_ =	shalt  }
0x78: {  	_ =	shalt  }
0x79: {  	_ =	shalt  }
0x7a: {  	_ =	shalt  }
0x7b: {  	_ =	shalt  }
0x7c: {  	_ =	shalt  }
0x7d: {  	_ =	shalt  }
0x7e: {  	_ =	shalt  }
0x7f: {  	_ =	shalt  }
0x80: {  	_ =	shalt  }
0x81: {  	_ =	shalt  }
0x82: {  	_ =	shalt  }
0x83: {  	_ =	shalt  }
0x84: {  	_ =	shalt  }
0x85: {  	_ =	shalt  }
0x86: {  	_ =	shalt  }
0x87: {  	_ =	shalt  }
.Lfunc_end0:
.L_simem_size_0:
called_computation.1_lowered:
.L_overlay_start_0:
0x88: {  	s2 =	sld [smem:$0x3FD9]  }
0x89: {  	s3 =	sld [smem:$0x3FFE];
	_ =	sdelay $0x1  }
0x8a: {  	s1 =	srdreg.scid  }
0x8b: {  	s0 =	sand.u32 $0x1, s1  }
0x8c: {  	s16 =	sshll.u32 s0, $0xA;
	s2 =	sadd.s32 s3, s2  }
0x8d: {  	s2 =	sadd.s32 s2, s16  }
0x8e: {  	[smem:$0x3FC2] =	sst s2  }
0x8f: {  	_ = 	snop  }
0x90: {  	(tm) =	ssettm $0x1  }
0x91: {  	s17 =	sld [smem:$0x3FFB];
	_ =	sdelay $0x3  }
0x92: {  	_ =	strace s17  }
0x93: {  	s2 =	sld [smem:$0x3FFC];
	_ =	sdelay $0x3  }
0x94: {  	_ =	strace s2  }
0x95: {  	s2 =	sld [smem:$0x3FFD];
	_ =	sdelay $0x3  }
0x96: {  	_ =	strace s2  }
0x97: {  	_ =	strace $0x8FFFFFFF  }
0x98: {  	s18 =	sld [smem:$0x3FDB];
	_ =	sdelay $0x1  }
0x99: {  	s19 =	simm.s32 $_scs_section_size  }
0x9a: {  	s4 =	simm.s32 $_size__tile_overlayer_lowered;
	s5 =	simm.s32 $_tile_overlayer_lowered  }
0x9b: {  	s22 =	simm.s32 $0x1BFF;
	s21 =	sshll.u32 s5, $0x1;
	s2 =	sadd.s32 s19, s18  }
0x9c: {  	s6 =	simm.s32 $0x0;
	s20 =	sshll.u32 s4, $0x1;
	s4 =	sadd.s32 s21, s2  }
0x9d: {  	[timem:s6], [sflag:s22] =	dma.local [hbm:s4], s20  }
0x9e: {  	_ =	swait.ge [sflag:s22], s20  }
0x9f: {  	s3 =	ssub.s32 $0x0, s20;
	[sflag:s22] =	ssyncset.done $0x0  }
0xa0: {  	[sflag:s22] =	ssyncadd.s32 s3;
	_ =	sdelay $0x1  }
0xa1: {  	s23 =	simm.s32 $0x1B8B  }
0xa2: {  	_ =	swait.ge [sflag:s23], $0x1  }
0xa3: {  	[sflag:s23] =	ssyncset.done $0x0  }
0xa4: {  	s25 =	simm.s32 $0x1B8E;
	s24 =	sld [smem:$0x3FFE];
	[sflag:s23] =	ssyncadd.s32 $0xFFFFFFFF  }
0xa5: {  	s26 =	simm.s32 $execute0_lowered;
	[smem:$0x3FD2] =	sst s25  }
0xa6: {  	s4 =	sshll.u32 s26, $0x1;
	_ =	strace $0x80000049;
	[dreg:$0x1] =	wrdreg $0xFFFFFFFF  }
0xa7: {  	s28 =	simm.s32 $_size_execute0_lowered;
	s2 =	sadd.s32 s2, s4;
	[dreg:$0x0] =	wrdreg $0x0  }
0xa8: {  	s4 =	sshll.u32 s28, $0x1;
	[dreg:$0x2] =	wrdreg s2  }
0xa9: {  	[dreg:$0x3] =	wrdreg s4  }
0xaa: {  	[dreg:$0x4] =	wrdreg $0xC0  }
0xab: {  	_ =	task [dreg:s6], $0x5FFFF  }
0xac: {  	[dreg:$0x1] =	wrdreg $0xFFFFFFFF  }
0xad: {  	[dreg:$0x0] =	wrdreg $0x60  }
0xae: {  	[dreg:$0x2] =	wrdreg s24  }
0xaf: {  	[dreg:$0x3] =	wrdreg $0x90000  }
0xb0: {  	[dreg:$0x4] =	wrdreg $0x9  }
0xb1: {  	_ =	task.clear_ibuf [dreg:s6], $0x5FFFF;
	_ =	strace $0x90000049  }
0xb2: {  	s29 =	simm.s32 $0x9;
	_ =	strace $0x8000004B  }
0xb3: {  	_ =	swait.ge [sflag:s29], $0x1  }
0xb4: {  	[sflag:s29] =	ssyncadd.s32 $0xFFFFFFFF  }
0xb5: {  	_ =	strace $0x9000004B  }
0xb6: {  	_ =	sfence  }
0xb7: {  	s30 =	sld [smem:$0x0];
	_ =	sdelay $0x2  }
0xb8: {  	s31 =	sshll.u32 s1, $0xD;
	s1 =	sshrl.u32 s1, $0x2  }
0xb9: {  	s3 =	sand.u32 $0x4000, s31;
	s1 =	sadd.s32 s1, s30  }
0xba: {  	s0 =	sor.u32 s3, s0;
	s1 =	sshll.u32 s1, $0x11  }
0xbb: {  	s0 =	sor.u32 s1, s0  }
0xbc: {  	s0 =	sadd.s32 $0x8F2B, s0  }
0xbd: {  	[sflag:s0] =	ssyncadd.remote.s32 $0x1  }
0xbe: {  	_ =	sfence.sel $0xFFFF  }
0xbf: {  	[dreg:$0x0] =	wrdreg $0xFFFFFFFF;
	(pc) =	sbr.abs _section_cstart, $3  }
0xc0: {  	[dreg:$0x1] =	wrdreg $0xFFFFFFFF  }
0xc1: {  	_ =	task.clear_ibuf [dreg:s6], $0x2FFFF;
	_ =	strace $0x9FFFFFFF  }
0xc2: {  	(tm) =	ssettm $0x7FFFFFFF  }
0xc3: {  	_ =	shalt  }
tec
execute0_lowered:
.L_overlay_start_1:
0x0: {  	(tag) =	ssettag $0x1  }
0x1: {  	s6 =	rddreg [dreg:$0x0]  }
0x2: {  	s0 =	srdreg.scid;
	s2 =	rddreg [dreg:$0x1];
	s3 =	simm.s32 $0x0  }
0x3: {  	s15 =	simm.s32 $0x5000;
	s16 =	simm.s32 $0x3;
	s17 =	simm.s32 $0x2800  }
0x4: {  	s18 =	simm.s32 $0x80;
	s19 =	simm.s32 $0x7000;
	s20 =	simm.s32 $0x1  }
0x5: {  	s21 =	simm.s32 $0x2;
	s22 =	simm.s32 $0x2780;
	s23 =	simm.s32 $0x4F00  }
0x6: {  	s24 =	simm.s32 $0x4F80;
	s5 =	sand.u32 $0x1, s0;
	s0 =	stileid.u32  }
0x7: {  	s25 =	simm.s32 $0x0;
	[smem:$0x7FF] =	sst s3;
	s8 =	smul.u32 $0xA000, s0  }
0x8: {  	s4 =	sadd.s32 $0x8E800, s6;
	s1 =	sshll.u32 s5, $0x4;
	s9 =	smul.u32 $0xA0000, s5  }
0x9: {  	s10 =	smul.u32 $0x28000, s0;
	s5 =	ssub.s32 $0x2, s5;
	s1 =	sor.u32 s0, s1  }
0xa: {  	s31 =	sshrl.u32 s5, $0x1;
	s7 =	smul.u32 $0x500, s1;
	s1 =	rddreg [dreg:$0x2]  }
0xb: {  	_ =	strace $0x8000004A;
	s30 =	sadd.s32 s8, s9;
	s10 =	sshrl.u32 s10, $0x2  }
0xc: {  	s14 =	ssub.s32 s5, s31;
	s5 =	sadd.s32 $0xA2400, s6;
	s10 =	sadd.s32 s10, s2  }
0xd: {  	s14 =	smax.u32 s14, $0x1;
	s12 =	sadd.s32 s7, s6;
	s7 =	sshrl.u32 s30, $0x3  }
0xe: {  	s9 =	sadd.s32 $0x6000, s10;
	s13 =	sadd.s32 s7, s6;
	s6 =	sadd.s32 s8, s2  }
0xf: {  	s7 =	sadd.s32 $0x2000, s10;
	s8 =	sadd.s32 $0x4000, s10;
	s10 =	sadd.s32 $0x8000, s10  }
0x10: {  	s11 =	sadd.s32 $0xC800, s12;
	s12 =	sadd.s32 $0x2800, s12;
	s13 =	sadd.s32 $0xA2800, s13  }
.LBB2_1:
0x11: {  	[tilespmem:s15], [sflag:$0x3] =	stream.linear.gather [hbm4b:s5+s3], $0x2000, $0x38;
	[tilespmem:$0x13000] =	vst v63  }
0x12: {  	_ =	swait.ge [sflag:s16], $0x2000  }
0x13: {  	[sflag:s16] =	ssyncset.done $0x0  }
0x14: {  	[sflag:s16] =	ssyncadd.s32 $0xFFFFE000  }
0x15: {  	[spmem:s6] =	stream.linear.scatter [tilespmem:s15], [sflag:$0x3], $0x2000, $0x38;
	[tilespmem:$0x13000] =	vst v63  }
0x16: {  	_ =	swait.ge [sflag:s16], $0x2000  }
0x17: {  	[sflag:s16] =	ssyncset.done $0x0  }
0x18: {  	[sflag:s16] =	ssyncadd.s32 $0xFFFFE000  }
0x19: {  	[spmem:s7] =	stream.linear.scatter [tilespmem:s15], [sflag:$0x3], $0x2000, $0x38;
	[tilespmem:$0x13000] =	vst v63  }
0x1a: {  	_ =	swait.ge [sflag:s16], $0x2000  }
0x1b: {  	[sflag:s16] =	ssyncset.done $0x0  }
0x1c: {  	[sflag:s16] =	ssyncadd.s32 $0xFFFFE000  }
0x1d: {  	[spmem:s8] =	stream.linear.scatter [tilespmem:s15], [sflag:$0x3], $0x2000, $0x38;
	[tilespmem:$0x13000] =	vst v63  }
0x1e: {  	_ =	swait.ge [sflag:s16], $0x2000  }
0x1f: {  	[sflag:s16] =	ssyncset.done $0x0  }
0x20: {  	[sflag:s16] =	ssyncadd.s32 $0xFFFFE000  }
0x21: {  	[spmem:s9] =	stream.linear.scatter [tilespmem:s15], [sflag:$0x3], $0x2000, $0x38;
	[tilespmem:$0x13000] =	vst v63  }
0x22: {  	_ =	swait.ge [sflag:s16], $0x2000  }
0x23: {  	[sflag:s16] =	ssyncset.done $0x0  }
0x24: {  	[sflag:s16] =	ssyncadd.s32 $0xFFFFE000  }
0x25: {  	[spmem:s10] =	stream.linear.scatter [tilespmem:s15], [sflag:$0x3], $0x2000, $0x38;
	[tilespmem:$0x13000] =	vst v63  }
0x26: {  	_ =	swait.ge [sflag:s16], $0x2000  }
0x27: {  	[sflag:s16] =	ssyncset.done $0x0  }
0x28: {  	[sflag:s16] =	ssyncadd.s32 $0xFFFFE000  }
0x29: {  	[tilespmem:s3], [sflag:$0x3] =	stream.linear.gather [hbm4b:s11+s3], $0x2800, $0x38;
	[tilespmem:$0x13000] =	vst v63  }
0x2a: {  	_ =	swait.ge [sflag:s16], $0x2800  }
0x2b: {  	[sflag:s16] =	ssyncset.done $0x0  }
0x2c: {  	[sflag:s16] =	ssyncadd.s32 $0xFFFFD800  }
0x2d: {  	[tilespmem:s17], [sflag:$0x3] =	stream.linear.gather [hbm4b:s12+s3], $0x2800, $0x38;
	[tilespmem:$0x13000] =	vst v63  }
0x2e: {  	_ =	swait.ge [sflag:s16], $0x2800  }
0x2f: {  	[sflag:s16] =	ssyncset.done $0x0  }
0x30: {  	[sflag:s16] =	ssyncadd.s32 $0xFFFFD800  }
0x31: {  	[bflag:$0x0] =	sbarrier.arrive $0xFFFF  }
0x32: {  	[tilespmem:s15], [sflag:$0x1] =	stream.indirect.gather [hbm4b:s4+s18], $0x40, s3, s18, $0xb8;
	[tilespmem:$0x13000] =	vst v63  }
0x33: {  	s26 =	simm.s32 $0x80  }
0x34: {  	[tilespmem:s19], [sflag:$0x2] =	stream.indirect.gather [hbm4b:s4+s18], $0x40, s26, s18, $0xb8;
	[tilespmem:$0x13000] =	vst v63  }
0x35: {  	_ =	swait.ge [sflag:s20], $0x2000  }
0x36: {  	[sflag:s20] =	ssyncset.done $0x0  }
0x37: {  	s29 =	simm.s32 $0x2800;
	[sflag:s20] =	ssyncadd.s32 $0xFFFFE000  }
0x38: {  	[spmem:s2] =	stream.indirect.scatter.add.f32 [tilespmem:s15], [sflag:$0x3], $0x40, s29, s18, $0xb8;
	[tilespmem:$0x13000] =	vst v63  }
0x39: {  	_ =	swait.ge [sflag:s16], $0x2000  }
0x3a: {  	[sflag:s16] =	ssyncset.done $0x0  }
0x3b: {  	s30 =	simm.s32 $0x100;
	[sflag:s16] =	ssyncadd.s32 $0xFFFFE000  }
0x3c: {  	[tilespmem:s15], [sflag:$0x1] =	stream.indirect.gather [hbm4b:s4+s18], $0x40, s30, s18, $0xb8;
	[tilespmem:$0x13000] =	vst v63  }
0x3d: {  	_ =	swait.ge [sflag:s21], $0x2000  }
0x3e: {  	[sflag:s21] =	ssyncset.done $0x0  }
0x3f: {  	s31 =	simm.s32 $0x2880;
	[sflag:s21] =	ssyncadd.s32 $0xFFFFE000  }
0x40: {  	[spmem:s2] =	stream.indirect.scatter.add.f32 [tilespmem:s19], [sflag:$0x3], $0x40, s31, s18, $0xb8;
	[tilespmem:$0x13000] =	vst v63  }
0x41: {  	_ =	swait.ge [sflag:s16], $0x2000  }
0x42: {  	s28 =	simm.s32 $0x800;
	s26 =	simm.s32 $0x100;
	[sflag:s16] =	ssyncset.done $0x0  }
.LBB2_2:
0x43: {  	s29 =	sadd.s32 $0x80, s26  }
0x44: {  	[sflag:s16] =	ssyncadd.s32 $0xFFFFE000;
	s30 =	smov.u32 s28;
	s31 =	sadd.s32 $0x400, s28  }
0x45: {  	[tilespmem:s19], [sflag:$0x2] =	stream.indirect.gather [hbm4b:s4+s18], $0x40, s29, s18, $0xb8;
	[tilespmem:$0x13000] =	vst v63  }
0x46: {  	p0 =	sne.s32 s28, $0x9800;
	_ =	swait.ge [sflag:s20], $0x2000  }
0x47: {  	[sflag:s20] =	ssyncset.done $0x0  }
0x48: {  	s28 =	sadd.s32 $0x2800, s26;
	[sflag:s20] =	ssyncadd.s32 $0xFFFFE000  }
0x49: {  	[spmem:s2] =	stream.indirect.scatter.add.f32 [tilespmem:s15], [sflag:$0x3], $0x40, s28, s18, $0xb8;
	[tilespmem:$0x13000] =	vst v63  }
0x4a: {  	_ =	swait.ge [sflag:s16], $0x2000  }
0x4b: {  	[sflag:s16] =	ssyncset.done $0x0  }
0x4c: {  	s28 =	sadd.s32 $0x100, s26;
	[sflag:s16] =	ssyncadd.s32 $0xFFFFE000  }
0x4d: {  	[tilespmem:s15], [sflag:$0x1] =	stream.indirect.gather [hbm4b:s4+s18], $0x40, s28, s18, $0xb8;
	[tilespmem:$0x13000] =	vst v63  }
0x4e: {  	_ =	swait.ge [sflag:s21], $0x2000  }
.Ltmp0:
0x4f: {  	[sflag:s21] =	ssyncset.done $0x0;
	(pc) =	sbr.rel @p0 .LBB2_2-.Ltmp0, $4  }
0x50: {  	s26 =	sadd.s32 $0x2880, s26;
	[sflag:s21] =	ssyncadd.s32 $0xFFFFE000  }
0x51: {  	[spmem:s2] =	stream.indirect.scatter.add.f32 [tilespmem:s19], [sflag:$0x3], $0x40, s26, s18, $0xb8;
	[tilespmem:$0x13000] =	vst v63  }
0x52: {  	_ =	swait.ge [sflag:s16], $0x2000  }
0x53: {  	s28 =	smov.u32 s31;
	s26 =	sshra.s32 s30, $0x2;
	[sflag:s16] =	ssyncset.done $0x0  }
0x54: {  	s28 =	sadd.s32 $0x80, s26;
	[sflag:s16] =	ssyncadd.s32 $0xFFFFE000  }
0x55: {  	[tilespmem:s19], [sflag:$0x2] =	stream.indirect.gather [hbm4b:s4+s18], $0x40, s28, s18, $0xb8;
	[tilespmem:$0x13000] =	vst v63  }
0x56: {  	_ =	swait.ge [sflag:s20], $0x2000  }
0x57: {  	[sflag:s20] =	ssyncset.done $0x0  }
0x58: {  	s30 =	sadd.s32 $0x2800, s26;
	[sflag:s20] =	ssyncadd.s32 $0xFFFFE000  }
0x59: {  	[spmem:s2] =	stream.indirect.scatter.add.f32 [tilespmem:s15], [sflag:$0x3], $0x40, s30, s18, $0xb8;
	[tilespmem:$0x13000] =	vst v63  }
0x5a: {  	_ =	swait.ge [sflag:s16], $0x2000  }
0x5b: {  	[sflag:s16] =	ssyncset.done $0x0  }
0x5c: {  	s31 =	sadd.s32 $0x100, s26;
	[sflag:s16] =	ssyncadd.s32 $0xFFFFE000  }
0x5d: {  	[tilespmem:s15], [sflag:$0x1] =	stream.indirect.gather [hbm4b:s4+s18], $0x40, s31, s18, $0xb8;
	[tilespmem:$0x13000] =	vst v63  }
0x5e: {  	_ =	swait.ge [sflag:s21], $0x2000  }
0x5f: {  	[sflag:s21] =	ssyncset.done $0x0  }
0x60: {  	s29 =	sadd.s32 $0x2880, s26;
	[sflag:s21] =	ssyncadd.s32 $0xFFFFE000  }
0x61: {  	[spmem:s2] =	stream.indirect.scatter.add.f32 [tilespmem:s19], [sflag:$0x3], $0x40, s29, s18, $0xb8;
	[tilespmem:$0x13000] =	vst v63  }
0x62: {  	_ =	swait.ge [sflag:s16], $0x2000  }
0x63: {  	[sflag:s16] =	ssyncset.done $0x0  }
0x64: {  	[sflag:s16] =	ssyncadd.s32 $0xFFFFE000  }
0x65: {  	[tilespmem:s19], [sflag:$0x2] =	stream.indirect.gather [hbm4b:s4+s18], $0x40, s22, s18, $0xb8;
	[tilespmem:$0x13000] =	vst v63  }
0x66: {  	_ =	swait.ge [sflag:s20], $0x2000  }
0x67: {  	[sflag:s20] =	ssyncset.done $0x0  }
0x68: {  	[sflag:s20] =	ssyncadd.s32 $0xFFFFE000  }
0x69: {  	[spmem:s2] =	stream.indirect.scatter.add.f32 [tilespmem:s15], [sflag:$0x3], $0x40, s23, s18, $0xb8;
	[tilespmem:$0x13000] =	vst v63  }
0x6a: {  	_ =	swait.ge [sflag:s16], $0x2000  }
0x6b: {  	[sflag:s16] =	ssyncset.done $0x0  }
0x6c: {  	[sflag:s16] =	ssyncadd.s32 $0xFFFFE000  }
0x6d: {  	_ =	swait.ge [sflag:s21], $0x2000  }
0x6e: {  	[sflag:s21] =	ssyncset.done $0x0  }
0x6f: {  	[sflag:s21] =	ssyncadd.s32 $0xFFFFE000  }
0x70: {  	[spmem:s2] =	stream.indirect.scatter.add.f32 [tilespmem:s19], [sflag:$0x3], $0x40, s24, s18, $0xb8;
	[tilespmem:$0x13000] =	vst v63  }
0x71: {  	_ =	swait.ge [sflag:s16], $0x2000  }
0x72: {  	s25 =	sadd.s32 $0x1, s25;
	s30 =	sshll.u32 s0, $0x6;
	[sflag:s16] =	ssyncset.done $0x0  }
0x73: {  	p0 =	sne.s32 s25, s14;
	s26 =	sor.u32 $0x1C03, s30;
	[sflag:s16] =	ssyncadd.s32 $0xFFFFE000  }
.Ltmp1:
0x74: {  	s31 =	sshrl.u32 s6, $0x3;
	[bflag:$0x0] =	sbarrier.arrive $0xFFFF;
	(pc) =	sbr.rel @p0 .LBB2_1-.Ltmp1, $4  }
0x75: {  	[hbm:s13], [sflag:s26] =	dma.local [spmem:s31], $0x1400  }
0x76: {  	_ =	swait.ge [sflag:s16], $0x1400  }
0x77: {  	[sflag:s16] =	ssyncset.done $0x0  }
0x78: {  	[sflag:s16] =	ssyncadd.s32 $0xFFFFEC00  }
0x79: {  	_ =	sfence.sel $0x180000  }
0x7a: {  	[bflag:$0x0] =	sbarrier.arrive $0xFFFF  }
0x7b: {  	p0 =	sne.s32 s0, $0x0;
	_ =	strace $0x9000004A  }
0x7c: {  	s0 =	sadd.s32 @!p0 $0x100000, s1;
	[bflag:$0x2] =	sbarrier.arrive $0xFFFF  }
0x7d: {  	[sflag:s0] =	ssyncadd.tile.s32 @!p0 $0x1;
	_ =	shalt  }
.Lfunc_end2:
_tile_overlayer_lowered:
.L_overlay_start_2:
0x7e: {  	(tag) =	ssettag $0x2  }
0x7f: {  	s0 =	rddreg [dreg:$0x0];
	s2 =	stileid.u32  }
0x80: {  	s1 =	rddreg [dreg:$0x1];
	p0 =	sne.s32 s2, $0x0  }
0x81: {  	s3 =	rddreg [dreg:$0x2];
	[bflag:$0x3] =	sbarrier.arrive $0xFFFF;
	s2 =	simm.s32 @!p0 $0x1C03  }
0x82: {  	[timem:s3], [sflag:s2] =	dma.local @!p0 [hbm:s0], s1  }
0x83: {  	s0 =	simm.s32 @!p0 $0x3  }
0x84: {  	_ =	swait.ge @!p0 [sflag:s0], s1  }
0x85: {  	s1 =	ssub.s32 @!p0 $0x0, s1;
	[sflag:s0] =	ssyncset.done @!p0 $0x0  }
0x86: {  	[sflag:s0] =	ssyncadd.s32 @!p0 s1  }
0x87: {  	[bflag:$0x3] =	sbarrier.arrive $0xFFFF  }
0x88: {  	_ =	shalt  }

// kernel: kernel.15.cloned.1.call-start
scs
__scs_entry_jumppad:
0x0: {  	(pc) =	sbr.rel $0x88, $3  }
0x1: {  	(tag) =	ssettag $0x0;
	lr =	simm.s32 $0x1  }
0x2: {  	[smem:$0x3F9B] =	sst lr;
	_ =	strace $0xD0000000  }
0x3: {  	_ = 	snop  }
0x4: {  	_ = 	snop  }
0x5: {  	_ = 	snop  }
0x6: {  	_ = 	snop  }
0x7: {  	_ = 	snop  }
__scs_overlays_trampoline_lowered:
0x8: {  	[smem:$0x3FAA] =	sst s0  }
0x9: {  	[smem:$0x3FAB] =	sst s1  }
0xa: {  	[smem:$0x3FAC] =	sst s2  }
0xb: {  	[smem:$0x3FAD] =	sst s3  }
0xc: {  	[smem:$0x3FAE] =	sst s4  }
0xd: {  	[smem:$0x3FAF] =	sst s5  }
0xe: {  	[smem:$0x3FB0] =	sst s6  }
0xf: {  	[smem:$0x3FB1] =	sst s7  }
0x10: {  	[smem:$0x3FB2] =	sst s8  }
0x11: {  	[smem:$0x3FB3] =	sst s9;
	s0 =	simm.s32 @!p0 $0x0  }
0x12: {  	s1 =	sld [smem:$0x3F99];
	s0 =	simm.s32 @p0 $0x1  }
0x13: {  	[smem:$0x3FB4] =	sst s0;
	s0 =	simm.s32 @!p1 $0x0  }
0x14: {  	s2 =	sld [smem:$0x3F98];
	s0 =	simm.s32 @p1 $0x1  }
0x15: {  	[smem:$0x3FB5] =	sst s0;
	s0 =	simm.s32 @!p2 $0x0  }
0x16: {  	s3 =	sld [smem:$0x3FDB];
	s0 =	simm.s32 @p2 $0x1  }
0x17: {  	s4 =	simm.s32 $0x1BF5;
	[smem:$0x3FB7] =	sst s0  }
0x18: {  	s0 =	sld [smem:$0x3F9A];
	_ =	swait.ge [sflag:s4], $0x0  }
0x19: {  	s7 =	sld [smem:$0x3F9B]  }
0x1a: {  	s8 =	sadd.s32 $0xFFFFE003, lr  }
0x1b: {  	s9 =	sadd.s32 $0xFFFFFEF7, lr;
	s5 =	simm.s32 $0xFFFFFFFF;
	p2 =	slt.u32 s8, $0xFFFFF086  }
0x1c: {  	p1 =	slt.u32 s9, $0xF7A;
	s5 =	simm.s32 @!p2 $0x0  }
0x1d: {  	s5 =	simm.s32 @p1 $0x1;
	p0 =	seq.s32 s7, s2  }
0x1e: {  	s7 =	smul.u32 @!p0 $0xF7A, s2;
	p2 =	seq.s32 @!p0 s5, $0x0  }
0x1f: {  	s9 =	smul.u32 $0xF7A, s1;
	s8 =	simm.s32 @!p0 $0x1BF5;
	p2 =	por !p2, p0  }
0x20: {  	[sflag:s8] =	ssyncset.s32 @!p0 $0xFFFFF086;
	s6 =	sadd.s32 @!p0 s3, s7;
	s7 =	simm.s32 @!p0 $0x108  }
0x21: {  	s3 =	sadd.s32 s3, s9;
	s6 =	sadd.s32 @!p0 $0x88, s6;
	s7 =	simm.s32 @p2 $0x1082  }
0x22: {  	[simem:s7], [sflag:s8] =	dma.local @!p0 [hbm:s6], $0xF7A  }
0x23: {  	s9 =	sor.u32 $0xD0000000, s2;
	s6 =	simm.s32 $0x108;
	_ =	swait.ge @!p0 [sflag:s8], $0x0  }
0x24: {  	s3 =	sadd.s32 $0x88, s3;
	s6 =	simm.s32 @!p1 $0x1082;
	[sflag:s4] =	ssyncset.s32 $0xFFFFF086  }
0x25: {  	[simem:s6], [sflag:s4] =	dma.local [hbm:s3], $0xF7A  }
0x26: {  	[smem:$0x3F9B] =	sst s1;
	(tag) =	ssettag s2;
	_ =	strace s9  }
0x27: {  	s1 =	sld [smem:$0x3FAB]  }
0x28: {  	s2 =	sld [smem:$0x3FAC]  }
0x29: {  	s4 =	sld [smem:$0x3FAE]  }
0x2a: {  	p0 =	seq.s32 s5, $0x0;
	s5 =	sld [smem:$0x3FAF]  }
0x2b: {  	s6 =	sld [smem:$0x3FB0]  }
0x2c: {  	s7 =	sld [smem:$0x3FB1]  }
0x2d: {  	s3 =	simm.s32 $0x108;
	s8 =	sld [smem:$0x3FB2]  }
0x2e: {  	s3 =	simm.s32 @!p0 $0x1082;
	s9 =	sld [smem:$0x3FB3]  }
0x2f: {  	lr =	sadd.s32 s0, s3;
	s0 =	sld [smem:$0x3FAA]  }
0x30: {  	s3 =	sld [smem:$0x3FAD]  }
0x31: {  	[smem:$0x3FB6] =	sst s10  }
0x32: {  	s10 =	sld [smem:$0x3FB4];
	_ =	sdelay $0x3  }
0x33: {  	p0 =	seq.s32 s10, $0x1;
	s10 =	sld [smem:$0x3FB6];
	_ =	sdelay $0x3  }
0x34: {  	[smem:$0x3FB6] =	sst s10  }
0x35: {  	s10 =	sld [smem:$0x3FB5];
	_ =	sdelay $0x3  }
0x36: {  	p1 =	seq.s32 s10, $0x1;
	s10 =	sld [smem:$0x3FB6];
	_ =	sdelay $0x3  }
0x37: {  	[smem:$0x3FB6] =	sst s10  }
0x38: {  	s10 =	sld [smem:$0x3FB7]  }
0x39: {  	_ = 	snop;
	(pc) =	sbr.ind lr, $3  }
0x3a: {  	_ = 	snop  }
0x3b: {  	_ = 	snop  }
0x3c: {  	p2 =	seq.s32 s10, $0x1;
	s10 =	sld [smem:$0x3FB6]  }
0x3d: {  	_ =	shalt  }
0x3e: {  	_ =	shalt  }
0x3f: {  	_ =	shalt  }
0x40: {  	_ =	shalt  }
0x41: {  	_ =	shalt  }
0x42: {  	_ =	shalt  }
0x43: {  	_ =	shalt  }
0x44: {  	_ =	shalt  }
0x45: {  	_ =	shalt  }
0x46: {  	_ =	shalt  }
0x47: {  	_ =	shalt  }
0x48: {  	_ =	shalt  }
0x49: {  	_ =	shalt  }
0x4a: {  	_ =	shalt  }
0x4b: {  	_ =	shalt  }
0x4c: {  	_ =	shalt  }
0x4d: {  	_ =	shalt  }
0x4e: {  	_ =	shalt  }
0x4f: {  	_ =	shalt  }
0x50: {  	_ =	shalt  }
0x51: {  	_ =	shalt  }
0x52: {  	_ =	shalt  }
0x53: {  	_ =	shalt  }
0x54: {  	_ =	shalt  }
0x55: {  	_ =	shalt  }
0x56: {  	_ =	shalt  }
0x57: {  	_ =	shalt  }
0x58: {  	_ =	shalt  }
0x59: {  	_ =	shalt  }
0x5a: {  	_ =	shalt  }
0x5b: {  	_ =	shalt  }
0x5c: {  	_ =	shalt  }
0x5d: {  	_ =	shalt  }
0x5e: {  	_ =	shalt  }
0x5f: {  	_ =	shalt  }
0x60: {  	_ =	shalt  }
0x61: {  	_ =	shalt  }
0x62: {  	_ =	shalt  }
0x63: {  	_ =	shalt  }
0x64: {  	_ =	shalt  }
0x65: {  	_ =	shalt  }
0x66: {  	_ =	shalt  }
0x67: {  	_ =	shalt  }
0x68: {  	_ =	shalt  }
0x69: {  	_ =	shalt  }
0x6a: {  	_ =	shalt  }
0x6b: {  	_ =	shalt  }
0x6c: {  	_ =	shalt  }
0x6d: {  	_ =	shalt  }
0x6e: {  	_ =	shalt  }
0x6f: {  	_ =	shalt  }
0x70: {  	_ =	shalt  }
0x71: {  	_ =	shalt  }
0x72: {  	_ =	shalt  }
0x73: {  	_ =	shalt  }
0x74: {  	_ =	shalt  }
0x75: {  	_ =	shalt  }
0x76: {  	_ =	shalt  }
0x77: {  	_ =	shalt  }
0x78: {  	_ =	shalt  }
0x79: {  	_ =	shalt  }
0x7a: {  	_ =	shalt  }
0x7b: {  	_ =	shalt  }
0x7c: {  	_ =	shalt  }
0x7d: {  	_ =	shalt  }
0x7e: {  	_ =	shalt  }
0x7f: {  	_ =	shalt  }
0x80: {  	_ =	shalt  }
0x81: {  	_ =	shalt  }
0x82: {  	_ =	shalt  }
0x83: {  	_ =	shalt  }
0x84: {  	_ =	shalt  }
0x85: {  	_ =	shalt  }
0x86: {  	_ =	shalt  }
0x87: {  	_ =	shalt  }
.Lfunc_end0:
.L_simem_size_0:
called_computation.2_lowered:
.L_overlay_start_0:
0x88: {  	s2 =	sld [smem:$0x3FD9]  }
0x89: {  	s3 =	sld [smem:$0x3FFE];
	_ =	sdelay $0x1  }
0x8a: {  	s1 =	srdreg.scid  }
0x8b: {  	s0 =	sand.u32 $0x1, s1  }
0x8c: {  	s17 =	sshll.u32 s0, $0xA;
	s2 =	sadd.s32 s3, s2  }
0x8d: {  	s2 =	sadd.s32 s2, s17  }
0x8e: {  	[smem:$0x3FC2] =	sst s2  }
0x8f: {  	_ = 	snop  }
0x90: {  	(tm) =	ssettm $0x1  }
0x91: {  	s18 =	sld [smem:$0x3FFB];
	_ =	sdelay $0x3  }
0x92: {  	_ =	strace s18  }
0x93: {  	s2 =	sld [smem:$0x3FFC];
	_ =	sdelay $0x3  }
0x94: {  	_ =	strace s2  }
0x95: {  	s2 =	sld [smem:$0x3FFD];
	_ =	sdelay $0x3  }
0x96: {  	_ =	strace s2  }
0x97: {  	_ =	strace $0x8FFFFFFF  }
0x98: {  	s19 =	sld [smem:$0x3FDB];
	_ =	sdelay $0x1  }
0x99: {  	s20 =	simm.s32 $_scs_section_size  }
0x9a: {  	s4 =	simm.s32 $_size__tile_overlayer_lowered;
	s5 =	simm.s32 $_tile_overlayer_lowered  }
0x9b: {  	s6 =	simm.s32 $0x1BFF;
	s21 =	sshll.u32 s5, $0x1;
	s3 =	sadd.s32 s20, s19  }
0x9c: {  	s22 =	simm.s32 $0x0;
	s4 =	sshll.u32 s4, $0x1;
	s5 =	sadd.s32 s21, s3  }
0x9d: {  	[timem:s22], [sflag:s6] =	dma.local [hbm:s5], s4  }
0x9e: {  	_ =	swait.ge [sflag:s6], s4  }
0x9f: {  	s4 =	ssub.s32 $0x0, s4;
	[sflag:s6] =	ssyncset.done $0x0  }
0xa0: {  	[sflag:s6] =	ssyncadd.s32 s4;
	_ =	sdelay $0x1  }
0xa1: {  	s23 =	simm.s32 $0x1B8B  }
0xa2: {  	_ =	swait.ge [sflag:s23], $0x1  }
0xa3: {  	[sflag:s23] =	ssyncset.done $0x0  }
0xa4: {  	[sflag:s23] =	ssyncadd.s32 $0xFFFFFFFF  }
0xa5: {  	s4 =	sld [smem:$0x0]  }
0xa6: {  	s5 =	sand.u32 $0xFFFFFFFE, s1  }
0xa7: {  	p0 =	sne.s32 s1, s5  }
0xa8: {  	s5 =	sshll.u32 @p0 s5, $0xE  }
0xa9: {  	s5 =	sadd.s32 @p0 $0x11B8D, s5;
	s6 =	sshll.u32 @p0 s4, $0x11  }
0xaa: {  	s5 =	sor.u32 @p0 s6, s5  }
0xab: {  	[sflag:s5] =	ssyncadd.remote.s32 @p0 $0x1;
	_ =	sdelay $0x1  }
0xac: {  	s5 =	simm.s32 @p0 $0x1B8D  }
0xad: {  	_ =	swait.eq @p0 [sflag:s5], $0x1  }
0xae: {  	[sflag:s5] =	ssyncadd.s32 @p0 $0xFFFFFFFF  }
0xaf: {  	s6 =	sshll.u32 @!p0 s1, $0xE  }
0xb0: {  	s6 =	sor.u32 @!p0 $0x4000, s6;
	s5 =	simm.s32 @!p0 $0x1B8D  }
0xb1: {  	s4 =	sshll.u32 @!p0 s4, $0x11;
	s6 =	sadd.s32 @!p0 $0x11B8D, s6;
	_ =	swait.eq @!p0 [sflag:s5], $0x1  }
0xb2: {  	s4 =	sor.u32 @!p0 s4, s6;
	[sflag:s5] =	ssyncadd.s32 @!p0 $0xFFFFFFFF  }
0xb3: {  	s25 =	simm.s32 $0x1B8E;
	s24 =	sld [smem:$0x3FFE];
	[sflag:s4] =	ssyncadd.remote.s32 @!p0 $0x1  }
0xb4: {  	s26 =	simm.s32 $execute0_lowered;
	[smem:$0x3FD2] =	sst s25  }
0xb5: {  	s5 =	sshll.u32 s26, $0x1;
	_ =	strace $0x8000004C;
	[dreg:$0x1] =	wrdreg $0xFFFFFFFF  }
0xb6: {  	s28 =	simm.s32 $_size_execute0_lowered;
	s3 =	sadd.s32 s3, s5;
	[dreg:$0x0] =	wrdreg $0x0  }
0xb7: {  	s5 =	sshll.u32 s28, $0x1;
	[dreg:$0x2] =	wrdreg s3  }
0xb8: {  	[dreg:$0x3] =	wrdreg s5  }
0xb9: {  	[dreg:$0x4] =	wrdreg $0xC0  }
0xba: {  	_ =	task [dreg:s22], $0x5FFFF  }
0xbb: {  	[dreg:$0x1] =	wrdreg $0xFFFFFFFF  }
0xbc: {  	[dreg:$0x0] =	wrdreg $0x60  }
0xbd: {  	[dreg:$0x2] =	wrdreg s24  }
0xbe: {  	[dreg:$0x3] =	wrdreg $0x90000  }
0xbf: {  	[dreg:$0x4] =	wrdreg $0xA  }
0xc0: {  	_ =	task.clear_ibuf [dreg:s22], $0x5FFFF;
	_ =	strace $0x9000004C  }
0xc1: {  	s29 =	simm.s32 $0xA;
	_ =	strace $0x8000004E  }
0xc2: {  	_ =	swait.ge [sflag:s29], $0x1  }
0xc3: {  	[sflag:s29] =	ssyncadd.s32 $0xFFFFFFFF  }
0xc4: {  	_ =	strace $0x9000004E  }
0xc5: {  	_ =	sfence  }
0xc6: {  	s30 =	sld [smem:$0x0];
	_ =	sdelay $0x2  }
0xc7: {  	s31 =	sshll.u32 s1, $0xD;
	s1 =	sshrl.u32 s1, $0x2  }
0xc8: {  	s4 =	sand.u32 $0x4000, s31;
	s1 =	sadd.s32 s1, s30  }
0xc9: {  	s0 =	sor.u32 s4, s0;
	s1 =	sshll.u32 s1, $0x11  }
0xca: {  	s0 =	sor.u32 s1, s0  }
0xcb: {  	s0 =	sadd.s32 $0x8F2B, s0  }
0xcc: {  	[sflag:s0] =	ssyncadd.remote.s32 $0x1  }
0xcd: {  	_ =	sfence.sel $0xFFFF  }
0xce: {  	[dreg:$0x0] =	wrdreg $0xFFFFFFFF;
	(pc) =	sbr.abs _section_cstart, $3  }
0xcf: {  	[dreg:$0x1] =	wrdreg $0xFFFFFFFF  }
0xd0: {  	_ =	task.clear_ibuf [dreg:s22], $0x2FFFF;
	_ =	strace $0x9FFFFFFF  }
0xd1: {  	(tm) =	ssettm $0x7FFFFFFF  }
tec
execute0_lowered:
.L_overlay_start_1:
0x0: {  	(tag) =	ssettag $0x1  }
0x1: {  	s6 =	rddreg [dreg:$0x0]  }
0x2: {  	s0 =	srdreg.scid;
	s2 =	rddreg [dreg:$0x1];
	s3 =	simm.s32 $0x0  }
0x3: {  	s15 =	simm.s32 $0x5000;
	s16 =	simm.s32 $0x3;
	s17 =	simm.s32 $0x2800  }
0x4: {  	s18 =	simm.s32 $0x80;
	s19 =	simm.s32 $0x7000;
	s20 =	simm.s32 $0x1  }
0x5: {  	s21 =	simm.s32 $0x2;
	s22 =	simm.s32 $0x2780;
	s23 =	simm.s32 $0x4F00  }
0x6: {  	s24 =	simm.s32 $0x4F80;
	s5 =	sand.u32 $0x1, s0;
	s0 =	stileid.u32  }
0x7: {  	s25 =	simm.s32 $0x0;
	[smem:$0x7FF] =	sst s3;
	s8 =	smul.u32 $0xA000, s0  }
0x8: {  	s4 =	sadd.s32 $0xCA800, s6;
	s1 =	sshll.u32 s5, $0x4;
	s9 =	smul.u32 $0xA0000, s5  }
0x9: {  	s10 =	smul.u32 $0x28000, s0;
	s5 =	ssub.s32 $0x2, s5;
	s1 =	sor.u32 s0, s1  }
0xa: {  	s31 =	sshrl.u32 s5, $0x1;
	s7 =	smul.u32 $0x500, s1;
	s1 =	rddreg [dreg:$0x2]  }
0xb: {  	_ =	strace $0x8000004D;
	s30 =	sadd.s32 s8, s9;
	s10 =	sshrl.u32 s10, $0x2  }
0xc: {  	s14 =	ssub.s32 s5, s31;
	s5 =	sadd.s32 $0xDE400, s6;
	s10 =	sadd.s32 s10, s2  }
0xd: {  	s14 =	smax.u32 s14, $0x1;
	s12 =	sadd.s32 s7, s6;
	s7 =	sshrl.u32 s30, $0x3  }
0xe: {  	s9 =	sadd.s32 $0x6000, s10;
	s13 =	sadd.s32 s7, s6;
	s6 =	sadd.s32 s8, s2  }
0xf: {  	s7 =	sadd.s32 $0x2000, s10;
	s8 =	sadd.s32 $0x4000, s10;
	s10 =	sadd.s32 $0x8000, s10  }
0x10: {  	s11 =	sadd.s32 $0xC800, s12;
	s12 =	sadd.s32 $0x2800, s12;
	s13 =	sadd.s32 $0xDE800, s13  }
.LBB2_1:
0x11: {  	[tilespmem:s15], [sflag:$0x3] =	stream.linear.gather [hbm4b:s5+s3], $0x2000, $0x38;
	[tilespmem:$0x13000] =	vst v63  }
0x12: {  	_ =	swait.ge [sflag:s16], $0x2000  }
0x13: {  	[sflag:s16] =	ssyncset.done $0x0  }
0x14: {  	[sflag:s16] =	ssyncadd.s32 $0xFFFFE000  }
0x15: {  	[spmem:s6] =	stream.linear.scatter [tilespmem:s15], [sflag:$0x3], $0x2000, $0x38;
	[tilespmem:$0x13000] =	vst v63  }
0x16: {  	_ =	swait.ge [sflag:s16], $0x2000  }
0x17: {  	[sflag:s16] =	ssyncset.done $0x0  }
0x18: {  	[sflag:s16] =	ssyncadd.s32 $0xFFFFE000  }
0x19: {  	[spmem:s7] =	stream.linear.scatter [tilespmem:s15], [sflag:$0x3], $0x2000, $0x38;
	[tilespmem:$0x13000] =	vst v63  }
0x1a: {  	_ =	swait.ge [sflag:s16], $0x2000  }
0x1b: {  	[sflag:s16] =	ssyncset.done $0x0  }
0x1c: {  	[sflag:s16] =	ssyncadd.s32 $0xFFFFE000  }
0x1d: {  	[spmem:s8] =	stream.linear.scatter [tilespmem:s15], [sflag:$0x3], $0x2000, $0x38;
	[tilespmem:$0x13000] =	vst v63  }
0x1e: {  	_ =	swait.ge [sflag:s16], $0x2000  }
0x1f: {  	[sflag:s16] =	ssyncset.done $0x0  }
0x20: {  	[sflag:s16] =	ssyncadd.s32 $0xFFFFE000  }
0x21: {  	[spmem:s9] =	stream.linear.scatter [tilespmem:s15], [sflag:$0x3], $0x2000, $0x38;
	[tilespmem:$0x13000] =	vst v63  }
0x22: {  	_ =	swait.ge [sflag:s16], $0x2000  }
0x23: {  	[sflag:s16] =	ssyncset.done $0x0  }
0x24: {  	[sflag:s16] =	ssyncadd.s32 $0xFFFFE000  }
0x25: {  	[spmem:s10] =	stream.linear.scatter [tilespmem:s15], [sflag:$0x3], $0x2000, $0x38;
	[tilespmem:$0x13000] =	vst v63  }
0x26: {  	_ =	swait.ge [sflag:s16], $0x2000  }
0x27: {  	[sflag:s16] =	ssyncset.done $0x0  }
0x28: {  	[sflag:s16] =	ssyncadd.s32 $0xFFFFE000  }
0x29: {  	[tilespmem:s3], [sflag:$0x3] =	stream.linear.gather [hbm4b:s11+s3], $0x2800, $0x38;
	[tilespmem:$0x13000] =	vst v63  }
0x2a: {  	_ =	swait.ge [sflag:s16], $0x2800  }
0x2b: {  	[sflag:s16] =	ssyncset.done $0x0  }
0x2c: {  	[sflag:s16] =	ssyncadd.s32 $0xFFFFD800  }
0x2d: {  	[tilespmem:s17], [sflag:$0x3] =	stream.linear.gather [hbm4b:s12+s3], $0x2800, $0x38;
	[tilespmem:$0x13000] =	vst v63  }
0x2e: {  	_ =	swait.ge [sflag:s16], $0x2800  }
0x2f: {  	[sflag:s16] =	ssyncset.done $0x0  }
0x30: {  	[sflag:s16] =	ssyncadd.s32 $0xFFFFD800  }
0x31: {  	[bflag:$0x0] =	sbarrier.arrive $0xFFFF  }
0x32: {  	[tilespmem:s15], [sflag:$0x1] =	stream.indirect.gather [hbm4b:s4+s18], $0x40, s3, s18, $0xb8;
	[tilespmem:$0x13000] =	vst v63  }
0x33: {  	s26 =	simm.s32 $0x80  }
0x34: {  	[tilespmem:s19], [sflag:$0x2] =	stream.indirect.gather [hbm4b:s4+s18], $0x40, s26, s18, $0xb8;
	[tilespmem:$0x13000] =	vst v63  }
0x35: {  	_ =	swait.ge [sflag:s20], $0x2000  }
0x36: {  	[sflag:s20] =	ssyncset.done $0x0  }
0x37: {  	s29 =	simm.s32 $0x2800;
	[sflag:s20] =	ssyncadd.s32 $0xFFFFE000  }
0x38: {  	[spmem:s2] =	stream.indirect.scatter.add.f32 [tilespmem:s15], [sflag:$0x3], $0x40, s29, s18, $0xb8;
	[tilespmem:$0x13000] =	vst v63  }
0x39: {  	_ =	swait.ge [sflag:s16], $0x2000  }
0x3a: {  	[sflag:s16] =	ssyncset.done $0x0  }
0x3b: {  	s30 =	simm.s32 $0x100;
	[sflag:s16] =	ssyncadd.s32 $0xFFFFE000  }
0x3c: {  	[tilespmem:s15], [sflag:$0x1] =	stream.indirect.gather [hbm4b:s4+s18], $0x40, s30, s18, $0xb8;
	[tilespmem:$0x13000] =	vst v63  }
0x3d: {  	_ =	swait.ge [sflag:s21], $0x2000  }
0x3e: {  	[sflag:s21] =	ssyncset.done $0x0  }
0x3f: {  	s31 =	simm.s32 $0x2880;
	[sflag:s21] =	ssyncadd.s32 $0xFFFFE000  }
0x40: {  	[spmem:s2] =	stream.indirect.scatter.add.f32 [tilespmem:s19], [sflag:$0x3], $0x40, s31, s18, $0xb8;
	[tilespmem:$0x13000] =	vst v63  }
0x41: {  	_ =	swait.ge [sflag:s16], $0x2000  }
0x42: {  	s28 =	simm.s32 $0x800;
	s26 =	simm.s32 $0x100;
	[sflag:s16] =	ssyncset.done $0x0  }
.LBB2_2:
0x43: {  	s29 =	sadd.s32 $0x80, s26  }
0x44: {  	[sflag:s16] =	ssyncadd.s32 $0xFFFFE000;
	s30 =	smov.u32 s28;
	s31 =	sadd.s32 $0x400, s28  }
0x45: {  	[tilespmem:s19], [sflag:$0x2] =	stream.indirect.gather [hbm4b:s4+s18], $0x40, s29, s18, $0xb8;
	[tilespmem:$0x13000] =	vst v63  }
0x46: {  	p0 =	sne.s32 s28, $0x9800;
	_ =	swait.ge [sflag:s20], $0x2000  }
0x47: {  	[sflag:s20] =	ssyncset.done $0x0  }
0x48: {  	s28 =	sadd.s32 $0x2800, s26;
	[sflag:s20] =	ssyncadd.s32 $0xFFFFE000  }
0x49: {  	[spmem:s2] =	stream.indirect.scatter.add.f32 [tilespmem:s15], [sflag:$0x3], $0x40, s28, s18, $0xb8;
	[tilespmem:$0x13000] =	vst v63  }
0x4a: {  	_ =	swait.ge [sflag:s16], $0x2000  }
0x4b: {  	[sflag:s16] =	ssyncset.done $0x0  }
0x4c: {  	s28 =	sadd.s32 $0x100, s26;
	[sflag:s16] =	ssyncadd.s32 $0xFFFFE000  }
0x4d: {  	[tilespmem:s15], [sflag:$0x1] =	stream.indirect.gather [hbm4b:s4+s18], $0x40, s28, s18, $0xb8;
	[tilespmem:$0x13000] =	vst v63  }
0x4e: {  	_ =	swait.ge [sflag:s21], $0x2000  }
.Ltmp0:
0x4f: {  	[sflag:s21] =	ssyncset.done $0x0;
	(pc) =	sbr.rel @p0 .LBB2_2-.Ltmp0, $4  }
0x50: {  	s26 =	sadd.s32 $0x2880, s26;
	[sflag:s21] =	ssyncadd.s32 $0xFFFFE000  }
0x51: {  	[spmem:s2] =	stream.indirect.scatter.add.f32 [tilespmem:s19], [sflag:$0x3], $0x40, s26, s18, $0xb8;
	[tilespmem:$0x13000] =	vst v63  }
0x52: {  	_ =	swait.ge [sflag:s16], $0x2000  }
0x53: {  	s28 =	smov.u32 s31;
	s26 =	sshra.s32 s30, $0x2;
	[sflag:s16] =	ssyncset.done $0x0  }
0x54: {  	s28 =	sadd.s32 $0x80, s26;
	[sflag:s16] =	ssyncadd.s32 $0xFFFFE000  }
0x55: {  	[tilespmem:s19], [sflag:$0x2] =	stream.indirect.gather [hbm4b:s4+s18], $0x40, s28, s18, $0xb8;
	[tilespmem:$0x13000] =	vst v63  }
0x56: {  	_ =	swait.ge [sflag:s20], $0x2000  }
0x57: {  	[sflag:s20] =	ssyncset.done $0x0  }
0x58: {  	s30 =	sadd.s32 $0x2800, s26;
	[sflag:s20] =	ssyncadd.s32 $0xFFFFE000  }
0x59: {  	[spmem:s2] =	stream.indirect.scatter.add.f32 [tilespmem:s15], [sflag:$0x3], $0x40, s30, s18, $0xb8;
	[tilespmem:$0x13000] =	vst v63  }
0x5a: {  	_ =	swait.ge [sflag:s16], $0x2000  }
0x5b: {  	[sflag:s16] =	ssyncset.done $0x0  }
0x5c: {  	s31 =	sadd.s32 $0x100, s26;
	[sflag:s16] =	ssyncadd.s32 $0xFFFFE000  }
0x5d: {  	[tilespmem:s15], [sflag:$0x1] =	stream.indirect.gather [hbm4b:s4+s18], $0x40, s31, s18, $0xb8;
	[tilespmem:$0x13000] =	vst v63  }
0x5e: {  	_ =	swait.ge [sflag:s21], $0x2000  }
0x5f: {  	[sflag:s21] =	ssyncset.done $0x0  }
0x60: {  	s29 =	sadd.s32 $0x2880, s26;
	[sflag:s21] =	ssyncadd.s32 $0xFFFFE000  }
0x61: {  	[spmem:s2] =	stream.indirect.scatter.add.f32 [tilespmem:s19], [sflag:$0x3], $0x40, s29, s18, $0xb8;
	[tilespmem:$0x13000] =	vst v63  }
0x62: {  	_ =	swait.ge [sflag:s16], $0x2000  }
0x63: {  	[sflag:s16] =	ssyncset.done $0x0  }
0x64: {  	[sflag:s16] =	ssyncadd.s32 $0xFFFFE000  }
0x65: {  	[tilespmem:s19], [sflag:$0x2] =	stream.indirect.gather [hbm4b:s4+s18], $0x40, s22, s18, $0xb8;
	[tilespmem:$0x13000] =	vst v63  }
0x66: {  	_ =	swait.ge [sflag:s20], $0x2000  }
0x67: {  	[sflag:s20] =	ssyncset.done $0x0  }
0x68: {  	[sflag:s20] =	ssyncadd.s32 $0xFFFFE000  }
0x69: {  	[spmem:s2] =	stream.indirect.scatter.add.f32 [tilespmem:s15], [sflag:$0x3], $0x40, s23, s18, $0xb8;
	[tilespmem:$0x13000] =	vst v63  }
0x6a: {  	_ =	swait.ge [sflag:s16], $0x2000  }
0x6b: {  	[sflag:s16] =	ssyncset.done $0x0  }
0x6c: {  	[sflag:s16] =	ssyncadd.s32 $0xFFFFE000  }
0x6d: {  	_ =	swait.ge [sflag:s21], $0x2000  }
0x6e: {  	[sflag:s21] =	ssyncset.done $0x0  }
0x6f: {  	[sflag:s21] =	ssyncadd.s32 $0xFFFFE000  }
0x70: {  	[spmem:s2] =	stream.indirect.scatter.add.f32 [tilespmem:s19], [sflag:$0x3], $0x40, s24, s18, $0xb8;
	[tilespmem:$0x13000] =	vst v63  }
0x71: {  	_ =	swait.ge [sflag:s16], $0x2000  }
0x72: {  	s25 =	sadd.s32 $0x1, s25;
	s30 =	sshll.u32 s0, $0x6;
	[sflag:s16] =	ssyncset.done $0x0  }
0x73: {  	p0 =	sne.s32 s25, s14;
	s26 =	sor.u32 $0x1C03, s30;
	[sflag:s16] =	ssyncadd.s32 $0xFFFFE000  }
.Ltmp1:
0x74: {  	s31 =	sshrl.u32 s6, $0x3;
	[bflag:$0x0] =	sbarrier.arrive $0xFFFF;
	(pc) =	sbr.rel @p0 .LBB2_1-.Ltmp1, $4  }
0x75: {  	[hbm:s13], [sflag:s26] =	dma.local [spmem:s31], $0x1400  }
0x76: {  	_ =	swait.ge [sflag:s16], $0x1400  }
0x77: {  	[sflag:s16] =	ssyncset.done $0x0  }
0x78: {  	[sflag:s16] =	ssyncadd.s32 $0xFFFFEC00  }
0x79: {  	_ =	sfence.sel $0x180000  }
0x7a: {  	[bflag:$0x0] =	sbarrier.arrive $0xFFFF  }
0x7b: {  	p0 =	sne.s32 s0, $0x0;
	_ =	strace $0x9000004D  }
0x7c: {  	s0 =	sadd.s32 @!p0 $0x100000, s1;
	[bflag:$0x2] =	sbarrier.arrive $0xFFFF  }
0x7d: {  	[sflag:s0] =	ssyncadd.tile.s32 @!p0 $0x1;
	_ =	shalt  }
.Lfunc_end2:
_tile_overlayer_lowered:
.L_overlay_start_2:
0x7e: {  	(tag) =	ssettag $0x2  }
0x7f: {  	s0 =	rddreg [dreg:$0x0];
	s2 =	stileid.u32  }
0x80: {  	s1 =	rddreg [dreg:$0x1];
	p0 =	sne.s32 s2, $0x0  }
0x81: {  	s3 =	rddreg [dreg:$0x2];
	[bflag:$0x3] =	sbarrier.arrive $0xFFFF;
	s2 =	simm.s32 @!p0 $0x1C03  }
0x82: {  	[timem:s3], [sflag:s2] =	dma.local @!p0 [hbm:s0], s1  }
0x83: {  	s0 =	simm.s32 @!p0 $0x3  }
0x84: {  	_ =	swait.ge @!p0 [sflag:s0], s1  }
0x85: {  	s1 =	ssub.s32 @!p0 $0x0, s1;
	[sflag:s0] =	ssyncset.done @!p0 $0x0  }
0x86: {  	[sflag:s0] =	ssyncadd.s32 @!p0 s1  }
0x87: {  	[bflag:$0x3] =	sbarrier.arrive $0xFFFF  }
0x88: {  	_ =	shalt  }

// kernel: kernel.18.cloned.1.call-start
scs
__scs_entry_jumppad:
0x0: {  	(pc) =	sbr.rel $0x88, $3  }
0x1: {  	(tag) =	ssettag $0x0;
	lr =	simm.s32 $0x1  }
0x2: {  	[smem:$0x3F9B] =	sst lr;
	_ =	strace $0xD0000000  }
0x3: {  	_ = 	snop  }
0x4: {  	_ = 	snop  }
0x5: {  	_ = 	snop  }
0x6: {  	_ = 	snop  }
0x7: {  	_ = 	snop  }
__scs_overlays_trampoline_lowered:
0x8: {  	[smem:$0x3FAA] =	sst s0  }
0x9: {  	[smem:$0x3FAB] =	sst s1  }
0xa: {  	[smem:$0x3FAC] =	sst s2  }
0xb: {  	[smem:$0x3FAD] =	sst s3  }
0xc: {  	[smem:$0x3FAE] =	sst s4  }
0xd: {  	[smem:$0x3FAF] =	sst s5  }
0xe: {  	[smem:$0x3FB0] =	sst s6  }
0xf: {  	[smem:$0x3FB1] =	sst s7  }
0x10: {  	[smem:$0x3FB2] =	sst s8  }
0x11: {  	[smem:$0x3FB3] =	sst s9;
	s0 =	simm.s32 @!p0 $0x0  }
0x12: {  	s1 =	sld [smem:$0x3F99];
	s0 =	simm.s32 @p0 $0x1  }
0x13: {  	[smem:$0x3FB4] =	sst s0;
	s0 =	simm.s32 @!p1 $0x0  }
0x14: {  	s2 =	sld [smem:$0x3F98];
	s0 =	simm.s32 @p1 $0x1  }
0x15: {  	[smem:$0x3FB5] =	sst s0;
	s0 =	simm.s32 @!p2 $0x0  }
0x16: {  	s3 =	sld [smem:$0x3FDB];
	s0 =	simm.s32 @p2 $0x1  }
0x17: {  	s4 =	simm.s32 $0x1BF5;
	[smem:$0x3FB7] =	sst s0  }
0x18: {  	s0 =	sld [smem:$0x3F9A];
	_ =	swait.ge [sflag:s4], $0x0  }
0x19: {  	s7 =	sld [smem:$0x3F9B]  }
0x1a: {  	s8 =	sadd.s32 $0xFFFFE003, lr  }
0x1b: {  	s9 =	sadd.s32 $0xFFFFFEF7, lr;
	s5 =	simm.s32 $0xFFFFFFFF;
	p2 =	slt.u32 s8, $0xFFFFF086  }
0x1c: {  	p1 =	slt.u32 s9, $0xF7A;
	s5 =	simm.s32 @!p2 $0x0  }
0x1d: {  	s5 =	simm.s32 @p1 $0x1;
	p0 =	seq.s32 s7, s2  }
0x1e: {  	s7 =	smul.u32 @!p0 $0xF7A, s2;
	p2 =	seq.s32 @!p0 s5, $0x0  }
0x1f: {  	s9 =	smul.u32 $0xF7A, s1;
	s8 =	simm.s32 @!p0 $0x1BF5;
	p2 =	por !p2, p0  }
0x20: {  	[sflag:s8] =	ssyncset.s32 @!p0 $0xFFFFF086;
	s6 =	sadd.s32 @!p0 s3, s7;
	s7 =	simm.s32 @!p0 $0x108  }
0x21: {  	s3 =	sadd.s32 s3, s9;
	s6 =	sadd.s32 @!p0 $0x88, s6;
	s7 =	simm.s32 @p2 $0x1082  }
0x22: {  	[simem:s7], [sflag:s8] =	dma.local @!p0 [hbm:s6], $0xF7A  }
0x23: {  	s9 =	sor.u32 $0xD0000000, s2;
	s6 =	simm.s32 $0x108;
	_ =	swait.ge @!p0 [sflag:s8], $0x0  }
0x24: {  	s3 =	sadd.s32 $0x88, s3;
	s6 =	simm.s32 @!p1 $0x1082;
	[sflag:s4] =	ssyncset.s32 $0xFFFFF086  }
0x25: {  	[simem:s6], [sflag:s4] =	dma.local [hbm:s3], $0xF7A  }
0x26: {  	[smem:$0x3F9B] =	sst s1;
	(tag) =	ssettag s2;
	_ =	strace s9  }
0x27: {  	s1 =	sld [smem:$0x3FAB]  }
0x28: {  	s2 =	sld [smem:$0x3FAC]  }
0x29: {  	s4 =	sld [smem:$0x3FAE]  }
0x2a: {  	p0 =	seq.s32 s5, $0x0;
	s5 =	sld [smem:$0x3FAF]  }
0x2b: {  	s6 =	sld [smem:$0x3FB0]  }
0x2c: {  	s7 =	sld [smem:$0x3FB1]  }
0x2d: {  	s3 =	simm.s32 $0x108;
	s8 =	sld [smem:$0x3FB2]  }
0x2e: {  	s3 =	simm.s32 @!p0 $0x1082;
	s9 =	sld [smem:$0x3FB3]  }
0x2f: {  	lr =	sadd.s32 s0, s3;
	s0 =	sld [smem:$0x3FAA]  }
0x30: {  	s3 =	sld [smem:$0x3FAD]  }
0x31: {  	[smem:$0x3FB6] =	sst s10  }
0x32: {  	s10 =	sld [smem:$0x3FB4];
	_ =	sdelay $0x3  }
0x33: {  	p0 =	seq.s32 s10, $0x1;
	s10 =	sld [smem:$0x3FB6];
	_ =	sdelay $0x3  }
0x34: {  	[smem:$0x3FB6] =	sst s10  }
0x35: {  	s10 =	sld [smem:$0x3FB5];
	_ =	sdelay $0x3  }
0x36: {  	p1 =	seq.s32 s10, $0x1;
	s10 =	sld [smem:$0x3FB6];
	_ =	sdelay $0x3  }
0x37: {  	[smem:$0x3FB6] =	sst s10  }
0x38: {  	s10 =	sld [smem:$0x3FB7]  }
0x39: {  	_ = 	snop;
	(pc) =	sbr.ind lr, $3  }
0x3a: {  	_ = 	snop  }
0x3b: {  	_ = 	snop  }
0x3c: {  	p2 =	seq.s32 s10, $0x1;
	s10 =	sld [smem:$0x3FB6]  }
0x3d: {  	_ =	shalt  }
0x3e: {  	_ =	shalt  }
0x3f: {  	_ =	shalt  }
0x40: {  	_ =	shalt  }
0x41: {  	_ =	shalt  }
0x42: {  	_ =	shalt  }
0x43: {  	_ =	shalt  }
0x44: {  	_ =	shalt  }
0x45: {  	_ =	shalt  }
0x46: {  	_ =	shalt  }
0x47: {  	_ =	shalt  }
0x48: {  	_ =	shalt  }
0x49: {  	_ =	shalt  }
0x4a: {  	_ =	shalt  }
0x4b: {  	_ =	shalt  }
0x4c: {  	_ =	shalt  }
0x4d: {  	_ =	shalt  }
0x4e: {  	_ =	shalt  }
0x4f: {  	_ =	shalt  }
0x50: {  	_ =	shalt  }
0x51: {  	_ =	shalt  }
0x52: {  	_ =	shalt  }
0x53: {  	_ =	shalt  }
0x54: {  	_ =	shalt  }
0x55: {  	_ =	shalt  }
0x56: {  	_ =	shalt  }
0x57: {  	_ =	shalt  }
0x58: {  	_ =	shalt  }
0x59: {  	_ =	shalt  }
0x5a: {  	_ =	shalt  }
0x5b: {  	_ =	shalt  }
0x5c: {  	_ =	shalt  }
0x5d: {  	_ =	shalt  }
0x5e: {  	_ =	shalt  }
0x5f: {  	_ =	shalt  }
0x60: {  	_ =	shalt  }
0x61: {  	_ =	shalt  }
0x62: {  	_ =	shalt  }
0x63: {  	_ =	shalt  }
0x64: {  	_ =	shalt  }
0x65: {  	_ =	shalt  }
0x66: {  	_ =	shalt  }
0x67: {  	_ =	shalt  }
0x68: {  	_ =	shalt  }
0x69: {  	_ =	shalt  }
0x6a: {  	_ =	shalt  }
0x6b: {  	_ =	shalt  }
0x6c: {  	_ =	shalt  }
0x6d: {  	_ =	shalt  }
0x6e: {  	_ =	shalt  }
0x6f: {  	_ =	shalt  }
0x70: {  	_ =	shalt  }
0x71: {  	_ =	shalt  }
0x72: {  	_ =	shalt  }
0x73: {  	_ =	shalt  }
0x74: {  	_ =	shalt  }
0x75: {  	_ =	shalt  }
0x76: {  	_ =	shalt  }
0x77: {  	_ =	shalt  }
0x78: {  	_ =	shalt  }
0x79: {  	_ =	shalt  }
0x7a: {  	_ =	shalt  }
0x7b: {  	_ =	shalt  }
0x7c: {  	_ =	shalt  }
0x7d: {  	_ =	shalt  }
0x7e: {  	_ =	shalt  }
0x7f: {  	_ =	shalt  }
0x80: {  	_ =	shalt  }
0x81: {  	_ =	shalt  }
0x82: {  	_ =	shalt  }
0x83: {  	_ =	shalt  }
0x84: {  	_ =	shalt  }
0x85: {  	_ =	shalt  }
0x86: {  	_ =	shalt  }
0x87: {  	_ =	shalt  }
.Lfunc_end0:
.L_simem_size_0:
called_computation.3_lowered:
.L_overlay_start_0:
0x88: {  	s2 =	sld [smem:$0x3FD9]  }
0x89: {  	s3 =	sld [smem:$0x3FFE];
	_ =	sdelay $0x1  }
0x8a: {  	s1 =	srdreg.scid  }
0x8b: {  	s0 =	sand.u32 $0x1, s1  }
0x8c: {  	s16 =	sshll.u32 s0, $0xA;
	s2 =	sadd.s32 s3, s2  }
0x8d: {  	s2 =	sadd.s32 s2, s16  }
0x8e: {  	[smem:$0x3FC2] =	sst s2  }
0x8f: {  	_ = 	snop  }
0x90: {  	(tm) =	ssettm $0x1  }
0x91: {  	s17 =	sld [smem:$0x3FFB];
	_ =	sdelay $0x3  }
0x92: {  	_ =	strace s17  }
0x93: {  	s2 =	sld [smem:$0x3FFC];
	_ =	sdelay $0x3  }
0x94: {  	_ =	strace s2  }
0x95: {  	s2 =	sld [smem:$0x3FFD];
	_ =	sdelay $0x3  }
0x96: {  	_ =	strace s2  }
0x97: {  	_ =	strace $0x8FFFFFFF  }
0x98: {  	s18 =	sld [smem:$0x3FDB];
	_ =	sdelay $0x1  }
0x99: {  	s19 =	simm.s32 $_scs_section_size  }
0x9a: {  	s4 =	simm.s32 $_size__tile_overlayer_lowered;
	s5 =	simm.s32 $_tile_overlayer_lowered  }
0x9b: {  	s22 =	simm.s32 $0x1BFF;
	s21 =	sshll.u32 s5, $0x1;
	s2 =	sadd.s32 s19, s18  }
0x9c: {  	s6 =	simm.s32 $0x0;
	s20 =	sshll.u32 s4, $0x1;
	s4 =	sadd.s32 s21, s2  }
0x9d: {  	[timem:s6], [sflag:s22] =	dma.local [hbm:s4], s20  }
0x9e: {  	_ =	swait.ge [sflag:s22], s20  }
0x9f: {  	s3 =	ssub.s32 $0x0, s20;
	[sflag:s22] =	ssyncset.done $0x0  }
0xa0: {  	[sflag:s22] =	ssyncadd.s32 s3;
	_ =	sdelay $0x1  }
0xa1: {  	s23 =	simm.s32 $0x1B8B  }
0xa2: {  	_ =	swait.ge [sflag:s23], $0x1  }
0xa3: {  	[sflag:s23] =	ssyncset.done $0x0  }
0xa4: {  	s25 =	simm.s32 $0x1B8E;
	s24 =	sld [smem:$0x3FFE];
	[sflag:s23] =	ssyncadd.s32 $0xFFFFFFFF  }
0xa5: {  	s26 =	simm.s32 $execute0_lowered;
	[smem:$0x3FD2] =	sst s25  }
0xa6: {  	s4 =	sshll.u32 s26, $0x1;
	_ =	strace $0x8000004F;
	[dreg:$0x1] =	wrdreg $0xFFFFFFFF  }
0xa7: {  	s28 =	simm.s32 $_size_execute0_lowered;
	s2 =	sadd.s32 s2, s4;
	[dreg:$0x0] =	wrdreg $0x0  }
0xa8: {  	s4 =	sshll.u32 s28, $0x1;
	[dreg:$0x2] =	wrdreg s2  }
0xa9: {  	[dreg:$0x3] =	wrdreg s4  }
0xaa: {  	[dreg:$0x4] =	wrdreg $0xC0  }
0xab: {  	_ =	task [dreg:s6], $0x5FFFF  }
0xac: {  	[dreg:$0x1] =	wrdreg $0xFFFFFFFF  }
0xad: {  	[dreg:$0x0] =	wrdreg $0x60  }
0xae: {  	[dreg:$0x2] =	wrdreg s24  }
0xaf: {  	[dreg:$0x3] =	wrdreg $0x58000  }
0xb0: {  	[dreg:$0x4] =	wrdreg $0x9  }
0xb1: {  	_ =	task.clear_ibuf [dreg:s6], $0x5FFFF;
	_ =	strace $0x9000004F  }
0xb2: {  	s29 =	simm.s32 $0x9;
	_ =	strace $0x80000051  }
0xb3: {  	_ =	swait.ge [sflag:s29], $0x1  }
0xb4: {  	[sflag:s29] =	ssyncadd.s32 $0xFFFFFFFF  }
0xb5: {  	_ =	strace $0x90000051  }
0xb6: {  	_ =	sfence  }
0xb7: {  	s30 =	sld [smem:$0x0];
	_ =	sdelay $0x2  }
0xb8: {  	s31 =	sshll.u32 s1, $0xD;
	s1 =	sshrl.u32 s1, $0x2  }
0xb9: {  	s3 =	sand.u32 $0x4000, s31;
	s1 =	sadd.s32 s1, s30  }
0xba: {  	s0 =	sor.u32 s3, s0;
	s1 =	sshll.u32 s1, $0x11  }
0xbb: {  	s0 =	sor.u32 s1, s0  }
0xbc: {  	s0 =	sadd.s32 $0x8F2B, s0  }
0xbd: {  	[sflag:s0] =	ssyncadd.remote.s32 $0x1  }
0xbe: {  	_ =	sfence.sel $0xFFFF  }
0xbf: {  	[dreg:$0x0] =	wrdreg $0xFFFFFFFF;
	(pc) =	sbr.abs _section_cstart, $3  }
0xc0: {  	[dreg:$0x1] =	wrdreg $0xFFFFFFFF  }
0xc1: {  	_ =	task.clear_ibuf [dreg:s6], $0x2FFFF;
	_ =	strace $0x9FFFFFFF  }
0xc2: {  	(tm) =	ssettm $0x7FFFFFFF  }
0xc3: {  	_ =	shalt  }
tec
execute0_lowered:
.L_overlay_start_1:
0x0: {  	(tag) =	ssettag $0x1  }
0x1: {  	s6 =	rddreg [dreg:$0x0]  }
0x2: {  	s0 =	srdreg.scid;
	s2 =	rddreg [dreg:$0x1];
	s3 =	simm.s32 $0x0  }
0x3: {  	s15 =	simm.s32 $0x5000;
	s16 =	simm.s32 $0x3;
	s17 =	simm.s32 $0x2800  }
0x4: {  	s18 =	simm.s32 $0x80;
	s19 =	simm.s32 $0x5400;
	s20 =	simm.s32 $0x1  }
0x5: {  	s21 =	simm.s32 $0x2;
	s22 =	simm.s32 $0x2780;
	s23 =	simm.s32 $0x4F00  }
0x6: {  	s24 =	simm.s32 $0x4F80;
	s5 =	sand.u32 $0x1, s0;
	s0 =	stileid.u32  }
0x7: {  	s25 =	simm.s32 $0x0;
	[smem:$0x7FF] =	sst s3;
	s8 =	smul.u32 $0x1400, s0  }
0x8: {  	s4 =	sadd.s32 $0x3E800, s6;
	s1 =	sshll.u32 s5, $0x4;
	s9 =	smul.u32 $0x14000, s5  }
0x9: {  	s10 =	smul.u32 $0x5000, s0;
	s5 =	ssub.s32 $0x2, s5;
	s1 =	sor.u32 s0, s1  }
0xa: {  	s31 =	sshrl.u32 s5, $0x1;
	s7 =	smul.u32 $0x500, s1;
	s1 =	rddreg [dreg:$0x2]  }
0xb: {  	_ =	strace $0x80000050;
	s30 =	sadd.s32 s8, s9;
	s10 =	sshrl.u32 s10, $0x2  }
0xc: {  	s14 =	ssub.s32 s5, s31;
	s5 =	sadd.s32 $0x40F80, s6;
	s10 =	sadd.s32 s10, s2  }
0xd: {  	s14 =	smax.u32 s14, $0x1;
	s12 =	sadd.s32 s7, s6;
	s7 =	sshrl.u32 s30, $0x3  }
0xe: {  	s9 =	sadd.s32 $0xC00, s10;
	s13 =	sadd.s32 s7, s6;
	s6 =	sadd.s32 s8, s2  }
0xf: {  	s7 =	sadd.s32 $0x400, s10;
	s8 =	sadd.s32 $0x800, s10;
	s10 =	sadd.s32 $0x1000, s10  }
0x10: {  	s11 =	sadd.s32 $0xC800, s12;
	s12 =	sadd.s32 $0x2800, s12;
	s13 =	sadd.s32 $0x41000, s13  }
.LBB2_1:
0x11: {  	[tilespmem:s15], [sflag:$0x3] =	stream.linear.gather [hbm4b:s5+s3], $0x400, $0x38;
	[tilespmem:$0x6C00] =	vst v63  }
0x12: {  	_ =	swait.ge [sflag:s16], $0x400  }
0x13: {  	[sflag:s16] =	ssyncset.done $0x0  }
0x14: {  	[sflag:s16] =	ssyncadd.s32 $0xFFFFFC00  }
0x15: {  	[spmem:s6] =	stream.linear.scatter [tilespmem:s15], [sflag:$0x3], $0x400, $0x38;
	[tilespmem:$0x6C00] =	vst v63  }
0x16: {  	_ =	swait.ge [sflag:s16], $0x400  }
0x17: {  	[sflag:s16] =	ssyncset.done $0x0  }
0x18: {  	[sflag:s16] =	ssyncadd.s32 $0xFFFFFC00  }
0x19: {  	[spmem:s7] =	stream.linear.scatter [tilespmem:s15], [sflag:$0x3], $0x400, $0x38;
	[tilespmem:$0x6C00] =	vst v63  }
0x1a: {  	_ =	swait.ge [sflag:s16], $0x400  }
0x1b: {  	[sflag:s16] =	ssyncset.done $0x0  }
0x1c: {  	[sflag:s16] =	ssyncadd.s32 $0xFFFFFC00  }
0x1d: {  	[spmem:s8] =	stream.linear.scatter [tilespmem:s15], [sflag:$0x3], $0x400, $0x38;
	[tilespmem:$0x6C00] =	vst v63  }
0x1e: {  	_ =	swait.ge [sflag:s16], $0x400  }
0x1f: {  	[sflag:s16] =	ssyncset.done $0x0  }
0x20: {  	[sflag:s16] =	ssyncadd.s32 $0xFFFFFC00  }
0x21: {  	[spmem:s9] =	stream.linear.scatter [tilespmem:s15], [sflag:$0x3], $0x400, $0x38;
	[tilespmem:$0x6C00] =	vst v63  }
0x22: {  	_ =	swait.ge [sflag:s16], $0x400  }
0x23: {  	[sflag:s16] =	ssyncset.done $0x0  }
0x24: {  	[sflag:s16] =	ssyncadd.s32 $0xFFFFFC00  }
0x25: {  	[spmem:s10] =	stream.linear.scatter [tilespmem:s15], [sflag:$0x3], $0x400, $0x38;
	[tilespmem:$0x6C00] =	vst v63  }
0x26: {  	_ =	swait.ge [sflag:s16], $0x400  }
0x27: {  	[sflag:s16] =	ssyncset.done $0x0  }
0x28: {  	[sflag:s16] =	ssyncadd.s32 $0xFFFFFC00  }
0x29: {  	[tilespmem:s3], [sflag:$0x3] =	stream.linear.gather [hbm4b:s11+s3], $0x2800, $0x38;
	[tilespmem:$0x6C00] =	vst v63  }
0x2a: {  	_ =	swait.ge [sflag:s16], $0x2800  }
0x2b: {  	[sflag:s16] =	ssyncset.done $0x0  }
0x2c: {  	[sflag:s16] =	ssyncadd.s32 $0xFFFFD800  }
0x2d: {  	[tilespmem:s17], [sflag:$0x3] =	stream.linear.gather [hbm4b:s12+s3], $0x2800, $0x38;
	[tilespmem:$0x6C00] =	vst v63  }
0x2e: {  	_ =	swait.ge [sflag:s16], $0x2800  }
0x2f: {  	[sflag:s16] =	ssyncset.done $0x0  }
0x30: {  	[sflag:s16] =	ssyncadd.s32 $0xFFFFD800  }
0x31: {  	[bflag:$0x0] =	sbarrier.arrive $0xFFFF  }
0x32: {  	[tilespmem:s15], [sflag:$0x1] =	stream.indirect.gather [hbm4b:s4+s18], $0x8, s3, s18, $0xb8;
	[tilespmem:$0x6C00] =	vst v63  }
0x33: {  	s26 =	simm.s32 $0x80  }
0x34: {  	[tilespmem:s19], [sflag:$0x2] =	stream.indirect.gather [hbm4b:s4+s18], $0x8, s26, s18, $0xb8;
	[tilespmem:$0x6C00] =	vst v63  }
0x35: {  	_ =	swait.ge [sflag:s20], $0x400  }
0x36: {  	[sflag:s20] =	ssyncset.done $0x0  }
0x37: {  	s29 =	simm.s32 $0x2800;
	[sflag:s20] =	ssyncadd.s32 $0xFFFFFC00  }
0x38: {  	[spmem:s2] =	stream.indirect.scatter.add.f32 [tilespmem:s15], [sflag:$0x3], $0x8, s29, s18, $0xb8;
	[tilespmem:$0x6C00] =	vst v63  }
0x39: {  	_ =	swait.ge [sflag:s16], $0x400  }
0x3a: {  	[sflag:s16] =	ssyncset.done $0x0  }
0x3b: {  	s30 =	simm.s32 $0x100;
	[sflag:s16] =	ssyncadd.s32 $0xFFFFFC00  }
0x3c: {  	[tilespmem:s15], [sflag:$0x1] =	stream.indirect.gather [hbm4b:s4+s18], $0x8, s30, s18, $0xb8;
	[tilespmem:$0x6C00] =	vst v63  }
0x3d: {  	_ =	swait.ge [sflag:s21], $0x400  }
0x3e: {  	[sflag:s21] =	ssyncset.done $0x0  }
0x3f: {  	s31 =	simm.s32 $0x2880;
	[sflag:s21] =	ssyncadd.s32 $0xFFFFFC00  }
0x40: {  	[spmem:s2] =	stream.indirect.scatter.add.f32 [tilespmem:s19], [sflag:$0x3], $0x8, s31, s18, $0xb8;
	[tilespmem:$0x6C00] =	vst v63  }
0x41: {  	_ =	swait.ge [sflag:s16], $0x400  }
0x42: {  	s28 =	simm.s32 $0x800;
	s26 =	simm.s32 $0x100;
	[sflag:s16] =	ssyncset.done $0x0  }
.LBB2_2:
0x43: {  	s29 =	sadd.s32 $0x80, s26  }
0x44: {  	[sflag:s16] =	ssyncadd.s32 $0xFFFFFC00;
	s30 =	smov.u32 s28;
	s31 =	sadd.s32 $0x400, s28  }
0x45: {  	[tilespmem:s19], [sflag:$0x2] =	stream.indirect.gather [hbm4b:s4+s18], $0x8, s29, s18, $0xb8;
	[tilespmem:$0x6C00] =	vst v63  }
0x46: {  	p0 =	sne.s32 s28, $0x9800;
	_ =	swait.ge [sflag:s20], $0x400  }
0x47: {  	[sflag:s20] =	ssyncset.done $0x0  }
0x48: {  	s28 =	sadd.s32 $0x2800, s26;
	[sflag:s20] =	ssyncadd.s32 $0xFFFFFC00  }
0x49: {  	[spmem:s2] =	stream.indirect.scatter.add.f32 [tilespmem:s15], [sflag:$0x3], $0x8, s28, s18, $0xb8;
	[tilespmem:$0x6C00] =	vst v63  }
0x4a: {  	_ =	swait.ge [sflag:s16], $0x400  }
0x4b: {  	[sflag:s16] =	ssyncset.done $0x0  }
0x4c: {  	s28 =	sadd.s32 $0x100, s26;
	[sflag:s16] =	ssyncadd.s32 $0xFFFFFC00  }
0x4d: {  	[tilespmem:s15], [sflag:$0x1] =	stream.indirect.gather [hbm4b:s4+s18], $0x8, s28, s18, $0xb8;
	[tilespmem:$0x6C00] =	vst v63  }
0x4e: {  	_ =	swait.ge [sflag:s21], $0x400  }
.Ltmp0:
0x4f: {  	[sflag:s21] =	ssyncset.done $0x0;
	(pc) =	sbr.rel @p0 .LBB2_2-.Ltmp0, $4  }
0x50: {  	s26 =	sadd.s32 $0x2880, s26;
	[sflag:s21] =	ssyncadd.s32 $0xFFFFFC00  }
0x51: {  	[spmem:s2] =	stream.indirect.scatter.add.f32 [tilespmem:s19], [sflag:$0x3], $0x8, s26, s18, $0xb8;
	[tilespmem:$0x6C00] =	vst v63  }
0x52: {  	_ =	swait.ge [sflag:s16], $0x400  }
0x53: {  	s28 =	smov.u32 s31;
	s26 =	sshra.s32 s30, $0x2;
	[sflag:s16] =	ssyncset.done $0x0  }
0x54: {  	s28 =	sadd.s32 $0x80, s26;
	[sflag:s16] =	ssyncadd.s32 $0xFFFFFC00  }
0x55: {  	[tilespmem:s19], [sflag:$0x2] =	stream.indirect.gather [hbm4b:s4+s18], $0x8, s28, s18, $0xb8;
	[tilespmem:$0x6C00] =	vst v63  }
0x56: {  	_ =	swait.ge [sflag:s20], $0x400  }
0x57: {  	[sflag:s20] =	ssyncset.done $0x0  }
0x58: {  	s30 =	sadd.s32 $0x2800, s26;
	[sflag:s20] =	ssyncadd.s32 $0xFFFFFC00  }
0x59: {  	[spmem:s2] =	stream.indirect.scatter.add.f32 [tilespmem:s15], [sflag:$0x3], $0x8, s30, s18, $0xb8;
	[tilespmem:$0x6C00] =	vst v63  }
0x5a: {  	_ =	swait.ge [sflag:s16], $0x400  }
0x5b: {  	[sflag:s16] =	ssyncset.done $0x0  }
0x5c: {  	s31 =	sadd.s32 $0x100, s26;
	[sflag:s16] =	ssyncadd.s32 $0xFFFFFC00  }
0x5d: {  	[tilespmem:s15], [sflag:$0x1] =	stream.indirect.gather [hbm4b:s4+s18], $0x8, s31, s18, $0xb8;
	[tilespmem:$0x6C00] =	vst v63  }
0x5e: {  	_ =	swait.ge [sflag:s21], $0x400  }
0x5f: {  	[sflag:s21] =	ssyncset.done $0x0  }
0x60: {  	s29 =	sadd.s32 $0x2880, s26;
	[sflag:s21] =	ssyncadd.s32 $0xFFFFFC00  }
0x61: {  	[spmem:s2] =	stream.indirect.scatter.add.f32 [tilespmem:s19], [sflag:$0x3], $0x8, s29, s18, $0xb8;
	[tilespmem:$0x6C00] =	vst v63  }
0x62: {  	_ =	swait.ge [sflag:s16], $0x400  }
0x63: {  	[sflag:s16] =	ssyncset.done $0x0  }
0x64: {  	[sflag:s16] =	ssyncadd.s32 $0xFFFFFC00  }
0x65: {  	[tilespmem:s19], [sflag:$0x2] =	stream.indirect.gather [hbm4b:s4+s18], $0x8, s22, s18, $0xb8;
	[tilespmem:$0x6C00] =	vst v63  }
0x66: {  	_ =	swait.ge [sflag:s20], $0x400  }
0x67: {  	[sflag:s20] =	ssyncset.done $0x0  }
0x68: {  	[sflag:s20] =	ssyncadd.s32 $0xFFFFFC00  }
0x69: {  	[spmem:s2] =	stream.indirect.scatter.add.f32 [tilespmem:s15], [sflag:$0x3], $0x8, s23, s18, $0xb8;
	[tilespmem:$0x6C00] =	vst v63  }
0x6a: {  	_ =	swait.ge [sflag:s16], $0x400  }
0x6b: {  	[sflag:s16] =	ssyncset.done $0x0  }
0x6c: {  	[sflag:s16] =	ssyncadd.s32 $0xFFFFFC00  }
0x6d: {  	_ =	swait.ge [sflag:s21], $0x400  }
0x6e: {  	[sflag:s21] =	ssyncset.done $0x0  }
0x6f: {  	[sflag:s21] =	ssyncadd.s32 $0xFFFFFC00  }
0x70: {  	[spmem:s2] =	stream.indirect.scatter.add.f32 [tilespmem:s19], [sflag:$0x3], $0x8, s24, s18, $0xb8;
	[tilespmem:$0x6C00] =	vst v63  }
0x71: {  	_ =	swait.ge [sflag:s16], $0x400  }
0x72: {  	s25 =	sadd.s32 $0x1, s25;
	s30 =	sshll.u32 s0, $0x6;
	[sflag:s16] =	ssyncset.done $0x0  }
0x73: {  	p0 =	sne.s32 s25, s14;
	s26 =	sor.u32 $0x1C03, s30;
	[sflag:s16] =	ssyncadd.s32 $0xFFFFFC00  }
.Ltmp1:
0x74: {  	s31 =	sshrl.u32 s6, $0x3;
	[bflag:$0x0] =	sbarrier.arrive $0xFFFF;
	(pc) =	sbr.rel @p0 .LBB2_1-.Ltmp1, $4  }
0x75: {  	[hbm:s13], [sflag:s26] =	dma.local [spmem:s31], $0x280  }
0x76: {  	_ =	swait.ge [sflag:s16], $0x280  }
0x77: {  	[sflag:s16] =	ssyncset.done $0x0  }
0x78: {  	[sflag:s16] =	ssyncadd.s32 $0xFFFFFD80  }
0x79: {  	_ =	sfence.sel $0x180000  }
0x7a: {  	[bflag:$0x0] =	sbarrier.arrive $0xFFFF  }
0x7b: {  	p0 =	sne.s32 s0, $0x0;
	_ =	strace $0x90000050  }
0x7c: {  	s0 =	sadd.s32 @!p0 $0x100000, s1;
	[bflag:$0x2] =	sbarrier.arrive $0xFFFF  }
0x7d: {  	[sflag:s0] =	ssyncadd.tile.s32 @!p0 $0x1;
	_ =	shalt  }
.Lfunc_end2:
_tile_overlayer_lowered:
.L_overlay_start_2:
0x7e: {  	(tag) =	ssettag $0x2  }
0x7f: {  	s0 =	rddreg [dreg:$0x0];
	s2 =	stileid.u32  }
0x80: {  	s1 =	rddreg [dreg:$0x1];
	p0 =	sne.s32 s2, $0x0  }
0x81: {  	s3 =	rddreg [dreg:$0x2];
	[bflag:$0x3] =	sbarrier.arrive $0xFFFF;
	s2 =	simm.s32 @!p0 $0x1C03  }
0x82: {  	[timem:s3], [sflag:s2] =	dma.local @!p0 [hbm:s0], s1  }
0x83: {  	s0 =	simm.s32 @!p0 $0x3  }
0x84: {  	_ =	swait.ge @!p0 [sflag:s0], s1  }
0x85: {  	s1 =	ssub.s32 @!p0 $0x0, s1;
	[sflag:s0] =	ssyncset.done @!p0 $0x0  }
0x86: {  	[sflag:s0] =	ssyncadd.s32 @!p0 s1  }
0x87: {  	[bflag:$0x3] =	sbarrier.arrive $0xFFFF  }
0x88: {  	_ =	shalt  }

// kernel: kernel.9.cloned.1.call-start
scs
__scs_entry_jumppad:
0x0: {  	(pc) =	sbr.rel $0x88, $3  }
0x1: {  	(tag) =	ssettag $0x0;
	lr =	simm.s32 $0x1  }
0x2: {  	[smem:$0x3F9B] =	sst lr;
	_ =	strace $0xD0000000  }
0x3: {  	_ = 	snop  }
0x4: {  	_ = 	snop  }
0x5: {  	_ = 	snop  }
0x6: {  	_ = 	snop  }
0x7: {  	_ = 	snop  }
__scs_overlays_trampoline_lowered:
0x8: {  	[smem:$0x3FAA] =	sst s0  }
0x9: {  	[smem:$0x3FAB] =	sst s1  }
0xa: {  	[smem:$0x3FAC] =	sst s2  }
0xb: {  	[smem:$0x3FAD] =	sst s3  }
0xc: {  	[smem:$0x3FAE] =	sst s4  }
0xd: {  	[smem:$0x3FAF] =	sst s5  }
0xe: {  	[smem:$0x3FB0] =	sst s6  }
0xf: {  	[smem:$0x3FB1] =	sst s7  }
0x10: {  	[smem:$0x3FB2] =	sst s8  }
0x11: {  	[smem:$0x3FB3] =	sst s9;
	s0 =	simm.s32 @!p0 $0x0  }
0x12: {  	s1 =	sld [smem:$0x3F99];
	s0 =	simm.s32 @p0 $0x1  }
0x13: {  	[smem:$0x3FB4] =	sst s0;
	s0 =	simm.s32 @!p1 $0x0  }
0x14: {  	s2 =	sld [smem:$0x3F98];
	s0 =	simm.s32 @p1 $0x1  }
0x15: {  	[smem:$0x3FB5] =	sst s0;
	s0 =	simm.s32 @!p2 $0x0  }
0x16: {  	s3 =	sld [smem:$0x3FDB];
	s0 =	simm.s32 @p2 $0x1  }
0x17: {  	s4 =	simm.s32 $0x1BF5;
	[smem:$0x3FB7] =	sst s0  }
0x18: {  	s0 =	sld [smem:$0x3F9A];
	_ =	swait.ge [sflag:s4], $0x0  }
0x19: {  	s7 =	sld [smem:$0x3F9B]  }
0x1a: {  	s8 =	sadd.s32 $0xFFFFE003, lr  }
0x1b: {  	s9 =	sadd.s32 $0xFFFFFEF7, lr;
	s5 =	simm.s32 $0xFFFFFFFF;
	p2 =	slt.u32 s8, $0xFFFFF086  }
0x1c: {  	p1 =	slt.u32 s9, $0xF7A;
	s5 =	simm.s32 @!p2 $0x0  }
0x1d: {  	s5 =	simm.s32 @p1 $0x1;
	p0 =	seq.s32 s7, s2  }
0x1e: {  	s7 =	smul.u32 @!p0 $0xF7A, s2;
	p2 =	seq.s32 @!p0 s5, $0x0  }
0x1f: {  	s9 =	smul.u32 $0xF7A, s1;
	s8 =	simm.s32 @!p0 $0x1BF5;
	p2 =	por !p2, p0  }
0x20: {  	[sflag:s8] =	ssyncset.s32 @!p0 $0xFFFFF086;
	s6 =	sadd.s32 @!p0 s3, s7;
	s7 =	simm.s32 @!p0 $0x108  }
0x21: {  	s3 =	sadd.s32 s3, s9;
	s6 =	sadd.s32 @!p0 $0x88, s6;
	s7 =	simm.s32 @p2 $0x1082  }
0x22: {  	[simem:s7], [sflag:s8] =	dma.local @!p0 [hbm:s6], $0xF7A  }
0x23: {  	s9 =	sor.u32 $0xD0000000, s2;
	s6 =	simm.s32 $0x108;
	_ =	swait.ge @!p0 [sflag:s8], $0x0  }
0x24: {  	s3 =	sadd.s32 $0x88, s3;
	s6 =	simm.s32 @!p1 $0x1082;
	[sflag:s4] =	ssyncset.s32 $0xFFFFF086  }
0x25: {  	[simem:s6], [sflag:s4] =	dma.local [hbm:s3], $0xF7A  }
0x26: {  	[smem:$0x3F9B] =	sst s1;
	(tag) =	ssettag s2;
	_ =	strace s9  }
0x27: {  	s1 =	sld [smem:$0x3FAB]  }
0x28: {  	s2 =	sld [smem:$0x3FAC]  }
0x29: {  	s4 =	sld [smem:$0x3FAE]  }
0x2a: {  	p0 =	seq.s32 s5, $0x0;
	s5 =	sld [smem:$0x3FAF]  }
0x2b: {  	s6 =	sld [smem:$0x3FB0]  }
0x2c: {  	s7 =	sld [smem:$0x3FB1]  }
0x2d: {  	s3 =	simm.s32 $0x108;
	s8 =	sld [smem:$0x3FB2]  }
0x2e: {  	s3 =	simm.s32 @!p0 $0x1082;
	s9 =	sld [smem:$0x3FB3]  }
0x2f: {  	lr =	sadd.s32 s0, s3;
	s0 =	sld [smem:$0x3FAA]  }
0x30: {  	s3 =	sld [smem:$0x3FAD]  }
0x31: {  	[smem:$0x3FB6] =	sst s10  }
0x32: {  	s10 =	sld [smem:$0x3FB4];
	_ =	sdelay $0x3  }
0x33: {  	p0 =	seq.s32 s10, $0x1;
	s10 =	sld [smem:$0x3FB6];
	_ =	sdelay $0x3  }
0x34: {  	[smem:$0x3FB6] =	sst s10  }
0x35: {  	s10 =	sld [smem:$0x3FB5];
	_ =	sdelay $0x3  }
0x36: {  	p1 =	seq.s32 s10, $0x1;
	s10 =	sld [smem:$0x3FB6];
	_ =	sdelay $0x3  }
0x37: {  	[smem:$0x3FB6] =	sst s10  }
0x38: {  	s10 =	sld [smem:$0x3FB7]  }
0x39: {  	_ = 	snop;
	(pc) =	sbr.ind lr, $3  }
0x3a: {  	_ = 	snop  }
0x3b: {  	_ = 	snop  }
0x3c: {  	p2 =	seq.s32 s10, $0x1;
	s10 =	sld [smem:$0x3FB6]  }
0x3d: {  	_ =	shalt  }
0x3e: {  	_ =	shalt  }
0x3f: {  	_ =	shalt  }
0x40: {  	_ =	shalt  }
0x41: {  	_ =	shalt  }
0x42: {  	_ =	shalt  }
0x43: {  	_ =	shalt  }
0x44: {  	_ =	shalt  }
0x45: {  	_ =	shalt  }
0x46: {  	_ =	shalt  }
0x47: {  	_ =	shalt  }
0x48: {  	_ =	shalt  }
0x49: {  	_ =	shalt  }
0x4a: {  	_ =	shalt  }
0x4b: {  	_ =	shalt  }
0x4c: {  	_ =	shalt  }
0x4d: {  	_ =	shalt  }
0x4e: {  	_ =	shalt  }
0x4f: {  	_ =	shalt  }
0x50: {  	_ =	shalt  }
0x51: {  	_ =	shalt  }
0x52: {  	_ =	shalt  }
0x53: {  	_ =	shalt  }
0x54: {  	_ =	shalt  }
0x55: {  	_ =	shalt  }
0x56: {  	_ =	shalt  }
0x57: {  	_ =	shalt  }
0x58: {  	_ =	shalt  }
0x59: {  	_ =	shalt  }
0x5a: {  	_ =	shalt  }
0x5b: {  	_ =	shalt  }
0x5c: {  	_ =	shalt  }
0x5d: {  	_ =	shalt  }
0x5e: {  	_ =	shalt  }
0x5f: {  	_ =	shalt  }
0x60: {  	_ =	shalt  }
0x61: {  	_ =	shalt  }
0x62: {  	_ =	shalt  }
0x63: {  	_ =	shalt  }
0x64: {  	_ =	shalt  }
0x65: {  	_ =	shalt  }
0x66: {  	_ =	shalt  }
0x67: {  	_ =	shalt  }
0x68: {  	_ =	shalt  }
0x69: {  	_ =	shalt  }
0x6a: {  	_ =	shalt  }
0x6b: {  	_ =	shalt  }
0x6c: {  	_ =	shalt  }
0x6d: {  	_ =	shalt  }
0x6e: {  	_ =	shalt  }
0x6f: {  	_ =	shalt  }
0x70: {  	_ =	shalt  }
0x71: {  	_ =	shalt  }
0x72: {  	_ =	shalt  }
0x73: {  	_ =	shalt  }
0x74: {  	_ =	shalt  }
0x75: {  	_ =	shalt  }
0x76: {  	_ =	shalt  }
0x77: {  	_ =	shalt  }
0x78: {  	_ =	shalt  }
0x79: {  	_ =	shalt  }
0x7a: {  	_ =	shalt  }
0x7b: {  	_ =	shalt  }
0x7c: {  	_ =	shalt  }
0x7d: {  	_ =	shalt  }
0x7e: {  	_ =	shalt  }
0x7f: {  	_ =	shalt  }
0x80: {  	_ =	shalt  }
0x81: {  	_ =	shalt  }
0x82: {  	_ =	shalt  }
0x83: {  	_ =	shalt  }
0x84: {  	_ =	shalt  }
0x85: {  	_ =	shalt  }
0x86: {  	_ =	shalt  }
0x87: {  	_ =	shalt  }
.Lfunc_end0:
.L_simem_size_0:
called_computation_lowered:
.L_overlay_start_0:
0x88: {  	s2 =	sld [smem:$0x3FD9]  }
0x89: {  	s3 =	sld [smem:$0x3FFE];
	_ =	sdelay $0x1  }
0x8a: {  	s1 =	srdreg.scid  }
0x8b: {  	s0 =	sand.u32 $0x1, s1  }
0x8c: {  	s17 =	sshll.u32 s0, $0xA;
	s2 =	sadd.s32 s3, s2  }
0x8d: {  	s2 =	sadd.s32 s2, s17  }
0x8e: {  	[smem:$0x3FC2] =	sst s2  }
0x8f: {  	_ = 	snop  }
0x90: {  	s2 =	sld [smem:$0x3FD0];
	(tm) =	ssettm $0x1  }
0x91: {  	s18 =	sld [smem:$0x3FFB];
	_ =	sdelay $0x3  }
0x92: {  	_ =	strace s18  }
0x93: {  	s3 =	sld [smem:$0x3FFC];
	_ =	sdelay $0x3  }
0x94: {  	_ =	strace s3  }
0x95: {  	s3 =	sld [smem:$0x3FFD];
	_ =	sdelay $0x3  }
0x96: {  	_ =	strace s3  }
0x97: {  	_ =	strace $0x8FFFFFFF  }
0x98: {  	s19 =	sld [smem:$0x3FDB];
	_ =	sdelay $0x1  }
0x99: {  	s4 =	simm.s32 $_scs_section_size  }
0x9a: {  	s5 =	simm.s32 $_size__tile_overlayer_lowered;
	s6 =	simm.s32 $_tile_overlayer_lowered  }
0x9b: {  	s22 =	simm.s32 $0x1BFF;
	s21 =	sshll.u32 s6, $0x1;
	s3 =	sadd.s32 s4, s19  }
0x9c: {  	s7 =	simm.s32 $0x0;
	s20 =	sshll.u32 s5, $0x1;
	s5 =	sadd.s32 s21, s3  }
0x9d: {  	[timem:s7], [sflag:s22] =	dma.local [hbm:s5], s20  }
0x9e: {  	_ =	swait.ge [sflag:s22], s20  }
0x9f: {  	s4 =	ssub.s32 $0x0, s20;
	[sflag:s22] =	ssyncset.done $0x0  }
0xa0: {  	[sflag:s22] =	ssyncadd.s32 s4;
	_ =	sdelay $0x1  }
0xa1: {  	s23 =	simm.s32 $0x1B8B  }
0xa2: {  	_ =	swait.ge [sflag:s23], $0x1  }
0xa3: {  	[sflag:s23] =	ssyncset.done $0x0  }
0xa4: {  	s25 =	simm.s32 $0x1B8E;
	s24 =	sld [smem:$0x3FFE];
	[sflag:s23] =	ssyncadd.s32 $0xFFFFFFFF  }
0xa5: {  	s26 =	simm.s32 $execute0_lowered;
	[smem:$0x3FD2] =	sst s25  }
0xa6: {  	s5 =	sshll.u32 s26, $0x1;
	_ =	strace $0x80000046;
	[dreg:$0x1] =	wrdreg $0xFFFFFFFF  }
0xa7: {  	s28 =	simm.s32 $_size_execute0_lowered;
	s3 =	sadd.s32 s3, s5;
	[dreg:$0x0] =	wrdreg $0x0  }
0xa8: {  	s5 =	sshll.u32 s28, $0x1;
	[dreg:$0x2] =	wrdreg s3  }
0xa9: {  	[dreg:$0x3] =	wrdreg s5  }
0xaa: {  	[dreg:$0x4] =	wrdreg $0xC0  }
0xab: {  	_ =	task [dreg:s7], $0x5FFFF  }
0xac: {  	[dreg:$0x1] =	wrdreg $0xFFFFFFFF  }
0xad: {  	[dreg:$0x0] =	wrdreg $0x60  }
0xae: {  	[dreg:$0x2] =	wrdreg s24  }
0xaf: {  	[dreg:$0x3] =	wrdreg s2  }
0xb0: {  	[dreg:$0x4] =	wrdreg $0x2B000  }
0xb1: {  	[dreg:$0x5] =	wrdreg $0x9  }
0xb2: {  	_ =	task.clear_ibuf [dreg:s7], $0x6FFFF;
	_ =	strace $0x90000046  }
0xb3: {  	s29 =	simm.s32 $0x9;
	_ =	strace $0x80000048  }
0xb4: {  	_ =	swait.ge [sflag:s29], $0x1  }
0xb5: {  	[sflag:s29] =	ssyncadd.s32 $0xFFFFFFFF  }
0xb6: {  	_ =	strace $0x90000048  }
0xb7: {  	_ =	sfence  }
0xb8: {  	s30 =	sld [smem:$0x0];
	_ =	sdelay $0x2  }
0xb9: {  	s31 =	sshll.u32 s1, $0xD;
	s1 =	sshrl.u32 s1, $0x2  }
0xba: {  	s3 =	sand.u32 $0x4000, s31;
	s1 =	sadd.s32 s1, s30  }
0xbb: {  	s0 =	sor.u32 s3, s0;
	s1 =	sshll.u32 s1, $0x11  }
0xbc: {  	s0 =	sor.u32 s1, s0  }
0xbd: {  	s0 =	sadd.s32 $0x8F2B, s0  }
0xbe: {  	[sflag:s0] =	ssyncadd.remote.s32 $0x1  }
0xbf: {  	_ =	sfence.sel $0xFFFF  }
0xc0: {  	[dreg:$0x0] =	wrdreg $0xFFFFFFFF;
	(pc) =	sbr.abs _section_cstart, $3  }
0xc1: {  	[dreg:$0x1] =	wrdreg $0xFFFFFFFF  }
0xc2: {  	_ =	task.clear_ibuf [dreg:s7], $0x2FFFF;
	_ =	strace $0x9FFFFFFF  }
0xc3: {  	(tm) =	ssettm $0x7FFFFFFF  }
tec
execute0_lowered:
.L_overlay_start_1:
0x0: {  	(tag) =	ssettag $0x1  }
0x1: {  	s4 =	rddreg [dreg:$0x0]  }
0x2: {  	s6 =	rddreg [dreg:$0x1];
	s0 =	srdreg.scid  }
0x3: {  	s2 =	rddreg [dreg:$0x2];
	s1 =	stileid.u32;
	s3 =	simm.s32 $0x0  }
0x4: {  	s11 =	simm.s32 $0x2800;
	s5 =	sand.u32 $0x1, s0;
	s0 =	rddreg [dreg:$0x3]  }
0x5: {  	s14 =	simm.s32 $0x0;
	s8 =	smul.u32 $0x280, s1;
	[smem:$0x7FF] =	sst s3  }
0x6: {  	s12 =	sshll.u32 s1, $0x6;
	s7 =	sshll.u32 s5, $0x4;
	s9 =	smul.u32 $0x2800, s5  }
0x7: {  	s5 =	ssub.s32 $0x2, s5;
	_ =	strace $0x80000047;
	s7 =	sor.u32 s1, s7  }
0x8: {  	s10 =	sshrl.u32 s5, $0x1;
	s7 =	smul.u32 $0x500, s7;
	s9 =	sadd.s32 s8, s9  }
0x9: {  	s12 =	sor.u32 $0x1C01, s12;
	s10 =	ssub.s32 s5, s10;
	s9 =	sshrl.u32 s9, $0x3  }
0xa: {  	s7 =	sadd.s32 s7, s4;
	s4 =	sadd.s32 s8, s2;
	s6 =	sadd.s32 s6, s9  }
0xb: {  	s8 =	simm.s32 $0x2880;
	s9 =	simm.s32 $0x1;
	s5 =	sadd.s32 $0x2800, s7  }
0xc: {  	v0 =	vimm.f32 $1.000000000e+00;
	v1 =	vimm.f32 $0.0e+00;
	s7 =	smax.u32 s10, $0x1;
	s10 =	simm.s32 $0x80;
	s13 =	sshrl.u32 s4, $0x3  }
.LBB2_1:
0xd: {  	[tilespmem:$0x2800] =	vst v0  }
0xe: {  	[tilespmem:$0x2810] =	vst v0  }
0xf: {  	[tilespmem:$0x2820] =	vst v0  }
0x10: {  	[tilespmem:$0x2830] =	vst v0  }
0x11: {  	[tilespmem:$0x2840] =	vst v0  }
0x12: {  	[tilespmem:$0x2850] =	vst v0  }
0x13: {  	[tilespmem:$0x2860] =	vst v0  }
0x14: {  	[tilespmem:$0x2870] =	vst v0  }
0x15: {  	[tilespmem:$0x2880] =	vst v1  }
0x16: {  	[tilespmem:$0x2890] =	vst v1  }
0x17: {  	[tilespmem:$0x28A0] =	vst v1  }
0x18: {  	[tilespmem:$0x28B0] =	vst v1  }
0x19: {  	[tilespmem:$0x28C0] =	vst v1  }
0x1a: {  	[tilespmem:$0x28D0] =	vst v1  }
0x1b: {  	[tilespmem:$0x28E0] =	vst v1  }
0x1c: {  	[tilespmem:$0x28F0] =	vst v1  }
0x1d: {  	[tilespmem:$0x2900] =	vst v1  }
0x1e: {  	[tilespmem:$0x2910] =	vst v1  }
0x1f: {  	[tilespmem:$0x2920] =	vst v1  }
0x20: {  	[tilespmem:$0x2930] =	vst v1  }
0x21: {  	[tilespmem:$0x2940] =	vst v1  }
0x22: {  	[tilespmem:$0x2950] =	vst v1  }
0x23: {  	[tilespmem:$0x2960] =	vst v1  }
0x24: {  	[tilespmem:$0x2970] =	vst v1  }
0x25: {  	[tilespmem:$0x2980] =	vst v1  }
0x26: {  	[tilespmem:$0x2990] =	vst v1  }
0x27: {  	[tilespmem:$0x29A0] =	vst v1  }
0x28: {  	[tilespmem:$0x29B0] =	vst v1  }
0x29: {  	[tilespmem:$0x29C0] =	vst v1  }
0x2a: {  	[tilespmem:$0x29D0] =	vst v1  }
0x2b: {  	[tilespmem:$0x29E0] =	vst v1  }
0x2c: {  	[tilespmem:$0x29F0] =	vst v1  }
0x2d: {  	[tilespmem:$0x2A00] =	vst v1  }
0x2e: {  	[tilespmem:$0x2A10] =	vst v1  }
0x2f: {  	[tilespmem:$0x2A20] =	vst v1  }
0x30: {  	[tilespmem:$0x2A30] =	vst v1  }
0x31: {  	[tilespmem:$0x2A40] =	vst v1  }
0x32: {  	[tilespmem:$0x2A50] =	vst v1  }
0x33: {  	[tilespmem:$0x2A60] =	vst v1  }
0x34: {  	[tilespmem:$0x2A70] =	vst v1  }
0x35: {  	[tilespmem:$0x2A80] =	vst v1  }
0x36: {  	[tilespmem:$0x2A90] =	vst v1  }
0x37: {  	[tilespmem:$0x2AA0] =	vst v1  }
0x38: {  	[tilespmem:$0x2AB0] =	vst v1  }
0x39: {  	[tilespmem:$0x2AC0] =	vst v1  }
0x3a: {  	[tilespmem:$0x2AD0] =	vst v1  }
0x3b: {  	[tilespmem:$0x2AE0] =	vst v1  }
0x3c: {  	[tilespmem:$0x2AF0] =	vst v1  }
0x3d: {  	[spmem:s4] =	stream.linear.scatter [tilespmem:s8], [sflag:$0x1], $0x280, $0x38;
	[tilespmem:$0x2D80] =	vst v63  }
0x3e: {  	_ =	swait.ge [sflag:s9], $0x280  }
0x3f: {  	[sflag:s9] =	ssyncset.done $0x0  }
0x40: {  	[sflag:s9] =	ssyncadd.s32 $0xFFFFFD80  }
0x41: {  	[tilespmem:s3], [sflag:$0x1] =	stream.linear.gather [hbm4b:s5+s3], $0x2800, $0x38;
	[tilespmem:$0x2D80] =	vst v63  }
0x42: {  	_ =	swait.ge [sflag:s9], $0x2800  }
0x43: {  	[sflag:s9] =	ssyncset.done $0x0  }
0x44: {  	[sflag:s9] =	ssyncadd.s32 $0xFFFFD800  }
0x45: {  	s15 =	simm.s32 $0x0;
	[bflag:$0x0] =	sbarrier.arrive $0xFFFF  }
0x46: {  	[spmem:s2] =	stream.indirect.scatter.add.f32 [tilespmem:s11], [sflag:$0x1], $0x1, s15, s10, $0xb8;
	[tilespmem:$0x2D80] =	vst v63  }
0x47: {  	_ =	swait.ge [sflag:s9], $0x80  }
0x48: {  	s15 =	simm.s32 $0x200;
	[sflag:s9] =	ssyncset.done $0x0  }
.LBB2_2:
0x49: {  	s16 =	sshra.s32 s15, $0x2;
	[sflag:s9] =	ssyncadd.s32 $0xFFFFFF80;
	p0 =	sne.s32 s15, $0x9E00  }
0x4a: {  	[spmem:s2] =	stream.indirect.scatter.add.f32 [tilespmem:s11], [sflag:$0x1], $0x1, s16, s10, $0xb8;
	[tilespmem:$0x2D80] =	vst v63  }
.Ltmp0:
0x4b: {  	_ = 	snop;
	(pc) =	sbr.rel @p0 .LBB2_2-.Ltmp0, $4  }
0x4c: {  	_ = 	snop  }
0x4d: {  	s15 =	sadd.s32 $0x200, s15  }
0x4e: {  	_ =	swait.ge [sflag:s9], $0x80  }
0x4f: {  	[sflag:s9] =	ssyncset.done $0x0  }
0x50: {  	s14 =	sadd.s32 $0x1, s14  }
0x51: {  	[sflag:s9] =	ssyncadd.s32 $0xFFFFFF80;
	p0 =	sne.s32 s14, s7  }
.Ltmp1:
0x52: {  	[bflag:$0x0] =	sbarrier.arrive $0xFFFF;
	(pc) =	sbr.rel @p0 .LBB2_1-.Ltmp1, $4  }
0x53: {  	[hbm:s6], [sflag:s12] =	dma.local [spmem:s13], $0x50  }
0x54: {  	_ =	swait.ge [sflag:s9], $0x50  }
0x55: {  	[sflag:s9] =	ssyncset.done $0x0  }
0x56: {  	[sflag:s9] =	ssyncadd.s32 $0xFFFFFFB0  }
0x57: {  	_ =	sfence.sel $0x180000  }
0x58: {  	[bflag:$0x0] =	sbarrier.arrive $0xFFFF  }
0x59: {  	p0 =	sne.s32 s1, $0x0;
	_ =	strace $0x90000047  }
0x5a: {  	s0 =	sadd.s32 @!p0 $0x100000, s0;
	[bflag:$0x2] =	sbarrier.arrive $0xFFFF  }
0x5b: {  	[sflag:s0] =	ssyncadd.tile.s32 @!p0 $0x1;
	_ =	shalt  }
.Lfunc_end2:
_tile_overlayer_lowered:
.L_overlay_start_2:
0x5c: {  	(tag) =	ssettag $0x2  }
0x5d: {  	s0 =	rddreg [dreg:$0x0];
	s2 =	stileid.u32  }
0x5e: {  	s1 =	rddreg [dreg:$0x1];
	p0 =	sne.s32 s2, $0x0  }
0x5f: {  	s3 =	rddreg [dreg:$0x2];
	[bflag:$0x3] =	sbarrier.arrive $0xFFFF;
	s2 =	simm.s32 @!p0 $0x1C01  }
0x60: {  	[timem:s3], [sflag:s2] =	dma.local @!p0 [hbm:s0], s1  }
0x61: {  	s0 =	simm.s32 @!p0 $0x1  }
0x62: {  	_ =	swait.ge @!p0 [sflag:s0], s1  }
0x63: {  	s1 =	ssub.s32 @!p0 $0x0, s1;
	[sflag:s0] =	ssyncset.done @!p0 $0x0  }
0x64: {  	[sflag:s0] =	ssyncadd.s32 @!p0 s1  }
0x65: {  	[bflag:$0x3] =	sbarrier.arrive $0xFFFF  }
0x66: {  	_ =	shalt  }

</sc_bundles>
